<compile_context>
chip_gen: v7x
topology: tpu7x:2x2x1
jax: 0.10.2.dev20260603
libtpu: 0.0.44.dev20260713+nightly
codegen_flags: <defaults>
</compile_context>

<pallas_src>
import functools

import jax
import jax.numpy as jnp
from jax import lax
from jax.experimental import pallas as pl
from jax.experimental.pallas import tpu as pltpu
from jax.experimental.pallas import tpu_sc as plsc

NC = 2
NS = 16
NW = NC * NS
LANES = 16



def _sc_deg(dst_r, n_pad):
    _, nchunk, K = dst_r.shape
    zr = n_pad // NS
    mesh = plsc.VectorSubcoreMesh(core_axis_name="c", subcore_axis_name="s",
                                  num_cores=NC, num_subcores=NS)

    @functools.partial(
        pl.kernel,
        out_type=jax.ShapeDtypeStruct((NC, n_pad), jnp.float32),
        mesh=mesh,
        scratch_types=[
            pltpu.VMEM((nchunk, K), jnp.int32),
            pltpu.VMEM((K,), jnp.float32),
            pltpu.VMEM((zr,), jnp.float32),
            pltpu.VMEM_SHARED((n_pad,), jnp.float32),
            pltpu.SemaphoreType.DMA,
        ],
    )
    def k(dst_hbm, out_hbm, idx_v, ones_v, zer_v, deg_s, sem):
        c = lax.axis_index("c")
        s = lax.axis_index("s")
        wid = s * NC + c

        def fillz(i, _):
            zer_v[pl.ds(i * LANES, LANES)] = jnp.zeros((LANES,), jnp.float32)
            return 0
        lax.fori_loop(0, zr // LANES, fillz, 0)
        for i in range(K // LANES):
            ones_v[pl.ds(i * LANES, LANES)] = jnp.ones((LANES,), jnp.float32)

        pltpu.sync_copy(zer_v, deg_s.at[pl.ds(s * zr, zr)])
        pltpu.sync_copy(dst_hbm.at[wid], idx_v)
        plsc.subcore_barrier()

        grp = 25
        def body(g, _):
            def fire(j, _):
                pltpu.async_copy(ones_v, deg_s.at[idx_v.at[g * grp + j]],
                                 sem, add=True)
                return 0
            lax.fori_loop(0, grp, fire, 0)

            def drain(j, _):
                pltpu.make_async_copy(ones_v,
                                      deg_s.at[idx_v.at[g * grp + j]],
                                      sem).wait()
                return 0
            lax.fori_loop(0, grp, drain, 0)
            return 0
        lax.fori_loop(0, nchunk // grp, body, 0)

        plsc.subcore_barrier()
        pltpu.sync_copy(deg_s.at[pl.ds(s * zr, zr)],
                        out_hbm.at[c, pl.ds(s * zr, zr)])

    return k(dst_r)


def _sc_agg(xs_hbm_arr, src_r, dst_r, n_pad, feat):
    _, nchunk, K = src_r.shape
    zr = n_pad // NS
    nbuf = 5
    assert nchunk % nbuf == 0
    zb = 40
    assert zr % zb == 0
    mesh = plsc.VectorSubcoreMesh(core_axis_name="c", subcore_axis_name="s",
                                  num_cores=NC, num_subcores=NS)

    @functools.partial(
        pl.kernel,
        out_type=jax.ShapeDtypeStruct((NC, n_pad, feat), jnp.bfloat16),
        mesh=mesh,
        scratch_types=[
            pltpu.VMEM((nchunk, K), jnp.int32),
            pltpu.VMEM((nchunk, K), jnp.int32),
            pltpu.VMEM((nbuf, K, feat), jnp.bfloat16),
            pltpu.VMEM((zb, feat), jnp.bfloat16),
            pltpu.VMEM_SHARED((n_pad, feat), jnp.bfloat16),
        ] + [pltpu.SemaphoreType.DMA] * nbuf,
        compiler_params=pltpu.CompilerParams(use_tc_tiling_on_sc=False),
    )
    def k(x_hbm, si_hbm, di_hbm, out_hbm, src_v, dst_v, rows_v, zer_v,
          agg_s, *sems):
        c = lax.axis_index("c")
        s = lax.axis_index("s")
        wid = s * NC + c

        def fillz(t, _):
            r = t // (feat // (2 * LANES))
            col = (t % (feat // (2 * LANES))) * (2 * LANES)
            zer_v[r, pl.ds(col, 2 * LANES)] = jnp.zeros((2 * LANES,),
                                                        jnp.bfloat16)
            return 0
        lax.fori_loop(0, zb * feat // (2 * LANES), fillz, 0)
        for t in range(zr // zb):
            pltpu.sync_copy(zer_v, agg_s.at[pl.ds(s * zr + t * zb, zb)])

        pltpu.sync_copy(si_hbm.at[wid], src_v)
        pltpu.sync_copy(di_hbm.at[wid], dst_v)

        for b in range(nbuf):
            pltpu.async_copy(x_hbm.at[src_v.at[b]], rows_v.at[b], sems[b])

        plsc.subcore_barrier()

        def grp(g, _):
            for b in range(nbuf):
                j = g * nbuf + b
                pltpu.make_async_copy(x_hbm.at[src_v.at[j]], rows_v.at[b],
                                      sems[b]).wait()
                pltpu.sync_copy(rows_v.at[b], agg_s.at[dst_v.at[j]], add=True)
                nj = j + nbuf

                @pl.when(nj < nchunk)
                def _():
                    pltpu.async_copy(x_hbm.at[src_v.at[nj]], rows_v.at[b],
                                     sems[b])
            return 0
        lax.fori_loop(0, nchunk // nbuf, grp, 0)

        plsc.subcore_barrier()
        pltpu.sync_copy(agg_s.at[pl.ds(s * zr, zr)],
                        out_hbm.at[c, pl.ds(s * zr, zr)])

    return k(xs_hbm_arr, src_r, dst_r)



_RB = 1024


def _dis_from(dp):
    d = dp[0] + dp[1]
    return jnp.where(d > 0.0, lax.rsqrt(jnp.maximum(d, 1.0)), 0.0)


def _tc_scale(xp, deg3):
    np_, feat = xp.shape
    nb = np_ // _RB
    g = _RB // feat

    def body(x_ref, d_ref, o_ref):
        dis = _dis_from(d_ref)
        xb = x_ref[...].reshape(g, feat, feat)
        o_ref[...] = (xb * dis[:, :, None]).reshape(_RB, feat).astype(
            jnp.bfloat16)

    return pl.pallas_call(
        body,
        grid=(nb,),
        in_specs=[
            pl.BlockSpec((_RB, feat), lambda i: (i, 0)),
            pl.BlockSpec((NC, g, feat), lambda i: (0, i, 0)),
        ],
        out_specs=pl.BlockSpec((_RB, feat), lambda i: (i, 0)),
        out_shape=jax.ShapeDtypeStruct((np_, feat), jnp.bfloat16),
    )(xp, deg3)


def _tc_mamba(xp, Wx, Wz, conv_w, conv_b, Wxp_dt, Wdtp, b_dt, WB, WC,
              Dv, W_out):
    np_, feat = xp.shape
    nb = np_ // _RB
    d_inner = Wx.shape[1]
    bf = jnp.bfloat16

    def body(x_ref, wx_ref, wz_ref, cw_ref, cb_ref, wd8_ref, wdt_ref,
             bdt_ref, wb_ref, wc_ref, dv_ref, wo_ref, om_ref):
        x = x_ref[...].astype(bf)
        xs_lin = (jnp.dot(x, wx_ref[...].astype(bf),
                          preferred_element_type=jnp.float32)
                  * cw_ref[...] + cb_ref[...])
        xs = xs_lin * jax.nn.sigmoid(xs_lin)
        xsb = xs.astype(bf)
        z = jnp.dot(x, wz_ref[...].astype(bf),
                    preferred_element_type=jnp.float32)

        t8 = jnp.dot(xsb, wd8_ref[...].astype(bf),
                     preferred_element_type=jnp.float32).astype(bf)
        dt_lin = (jnp.dot(t8, wdt_ref[...].astype(bf),
                          preferred_element_type=jnp.float32)
                  + bdt_ref[...])
        dt = jnp.maximum(dt_lin, 0.0) + jnp.log1p(jnp.exp(-jnp.abs(dt_lin)))

        bmat = jnp.dot(xsb, wb_ref[...].astype(bf),
                       preferred_element_type=jnp.float32)
        cmat = jnp.dot(xsb, wc_ref[...].astype(bf),
                       preferred_element_type=jnp.float32)
        bc = jnp.sum(bmat * cmat, axis=1, keepdims=True)

        y = xs * (dt * bc + dv_ref[...])
        y = y * (z * jax.nn.sigmoid(z))
        om_ref[...] = jnp.dot(y.astype(bf), wo_ref[...].astype(bf),
                              preferred_element_type=jnp.float32)

    row_spec = pl.BlockSpec((_RB, feat), lambda i: (i, 0))
    i_spec = pl.BlockSpec((1, d_inner), lambda i: (0, 0))
    return pl.pallas_call(
        body,
        grid=(nb,),
        in_specs=[
            row_spec,
            pl.BlockSpec((feat, d_inner), lambda i: (0, 0)),
            pl.BlockSpec((feat, d_inner), lambda i: (0, 0)),
            i_spec, i_spec,
            pl.BlockSpec((d_inner, feat), lambda i: (0, 0)),
            pl.BlockSpec((feat, d_inner), lambda i: (0, 0)),
            i_spec,
            pl.BlockSpec((d_inner, feat), lambda i: (0, 0)),
            pl.BlockSpec((d_inner, feat), lambda i: (0, 0)),
            i_spec,
            pl.BlockSpec((d_inner, feat), lambda i: (0, 0)),
        ],
        out_specs=row_spec,
        out_shape=jax.ShapeDtypeStruct((np_, feat), jnp.float32),
    )(xp, Wx, Wz, conv_w, conv_b, Wxp_dt, Wdtp, b_dt, WB, WC, Dv, W_out)


def _tc_final(agg_pk, deg3, xp, m, W_conv, b_conv, gamma, beta, n_real):
    np_, feat = xp.shape
    nb = np_ // _RB
    g = _RB // feat

    def body(a0_ref, d_ref, x_ref, m_ref, w_ref, b_ref, ga_ref,
             be_ref, o_ref, h_scr, st_scr):
        p = pl.program_id(0)
        i = pl.program_id(1)

        @pl.when(p == 0)
        def _():
            dis = _dis_from(d_ref)
            agg = a0_ref[0].astype(jnp.bfloat16) + a0_ref[1].astype(
                jnp.bfloat16)
            hc = jnp.dot(agg, w_ref[...].astype(jnp.bfloat16),
                         preferred_element_type=jnp.float32)
            hc = (hc.reshape(g, feat, feat)
                  * dis[:, :, None]).reshape(_RB, feat)
            h = hc + b_ref[...] + x_ref[...]
            h_scr[pl.ds(i * _RB, _RB), :] = h
            rid = i * _RB + lax.broadcasted_iota(jnp.int32, (_RB, 1), 0)
            hm = jnp.where(rid < n_real, h, 0.0)
            s1 = jnp.sum(hm, axis=0, keepdims=True)
            s2 = jnp.sum(hm * hm, axis=0, keepdims=True)

            @pl.when(i == 0)
            def _():
                st_scr[0:1, :] = s1
                st_scr[1:2, :] = s2

            @pl.when(i > 0)
            def _():
                st_scr[0:1, :] += s1
                st_scr[1:2, :] += s2

        @pl.when(p == 1)
        def _():
            inv_n = 1.0 / n_real
            mean = st_scr[0:1, :] * inv_n
            var = st_scr[1:2, :] * inv_n - mean * mean
            h = h_scr[pl.ds(i * _RB, _RB), :]
            hn = ((h - mean) * lax.rsqrt(var + 1e-5) * ga_ref[...]
                  + be_ref[...])
            o_ref[...] = hn + m_ref[...]

    return pl.pallas_call(
        body,
        grid=(2, nb),
        in_specs=[
            pl.BlockSpec((NC, _RB, feat), lambda p, i: (0, (1 - p) * i, 0)),
            pl.BlockSpec((NC, g, feat), lambda p, i: (0, (1 - p) * i, 0)),
            pl.BlockSpec((_RB, feat), lambda p, i: ((1 - p) * i, 0)),
            pl.BlockSpec((_RB, feat), lambda p, i: (p * i, 0)),
            pl.BlockSpec((feat, feat), lambda p, i: (0, 0)),
            pl.BlockSpec((1, feat), lambda p, i: (0, 0)),
            pl.BlockSpec((1, feat), lambda p, i: (0, 0)),
            pl.BlockSpec((1, feat), lambda p, i: (0, 0)),
        ],
        out_specs=pl.BlockSpec((_RB, feat), lambda p, i: (i, 0)),
        out_shape=jax.ShapeDtypeStruct((np_, feat), jnp.float32),
        scratch_shapes=[
            pltpu.VMEM((np_, feat), jnp.float32),
            pltpu.VMEM((2, feat), jnp.float32),
        ],
    )(agg_pk, deg3, xp, m, W_conv, b_conv, gamma, beta)



def kernel(x, edge_index, W_conv, b_conv, gamma, beta, W_in, conv_w, conv_b,
           W_xproj, W_dtproj, b_dt, A_log, D, W_out):
    n, feat = x.shape
    e = edge_index.shape[1]
    d_inner = conv_w.shape[0]
    dt_rank = W_dtproj.shape[0]
    d_state = (W_xproj.shape[1] - dt_rank) // 2
    half = feat // 2

    n_pad = ((n + NS * feat - 1) // (NS * feat)) * (NS * feat)
    K = 80
    assert e % (NW * K) == 0

    xp = jnp.pad(x, ((0, n_pad - n), (0, 0)))
    src_w = edge_index[0].reshape(NW, e // (NW * K), K)
    dst_w = edge_index[1].reshape(NW, e // (NW * K), K)

    deg_p = _sc_deg(dst_w, n_pad)
    deg3 = deg_p.reshape(NC, n_pad // feat, feat)

    Wx = W_in[:, :d_inner]
    Wz = W_in[:, d_inner:]
    Wxp_dt = jnp.pad(W_xproj[:, :dt_rank], ((0, 0), (0, feat - dt_rank)))
    Wdtp = jnp.pad(W_dtproj, ((0, feat - dt_rank), (0, 0)))
    WB = jnp.pad(W_xproj[:, dt_rank:dt_rank + d_state],
                 ((0, 0), (0, feat - d_state)))
    WC = jnp.pad(W_xproj[:, dt_rank + d_state:],
                 ((0, 0), (0, feat - d_state)))
    x2 = _tc_scale(xp, deg3)
    m = _tc_mamba(xp, Wx, Wz, conv_w.reshape(1, d_inner),
                  conv_b.reshape(1, d_inner), Wxp_dt, Wdtp,
                  b_dt.reshape(1, d_inner), WB, WC,
                  D.reshape(1, d_inner), W_out)

    agg2 = _sc_agg(x2, src_w, dst_w, n_pad, feat)

    out_p = _tc_final(agg2, deg3, xp, m, W_conv,
                      b_conv.reshape(1, feat), gamma.reshape(1, feat),
                      beta.reshape(1, feat), float(n))
    return out_p[:n]

# --- scband reference (transcript-rebuilt; emitter-appended) ---
"""Pipeline reference for scband-apply-conv-46540265619514 (READ-ONLY COPY).

The authoritative reference and input builder live on the scoring server;
editing this copy changes nothing except your own understanding.
"""

import jax, jax.numpy as jnp
import numpy as np

N_NODES = 10000
D_FEAT = 128
N_EDGES = 320000
D_INNER = 256
D_STATE = 16
DT_RANK = 8


def setup_inputs(seed: int = 0) -> dict:
    key = jax.random.key(seed)
    ks = jax.random.split(key, 16)
    s = 0.05
    inp = {}
    inp['x'] = jax.random.normal(ks[0], (N_NODES, D_FEAT), dtype=jnp.float32)
    inp['edge_index'] = jax.random.randint(ks[1], (2, N_EDGES), 0, N_NODES, dtype=jnp.int32)
    inp['W_conv'] = jax.random.normal(ks[2], (D_FEAT, D_FEAT), dtype=jnp.float32) * s
    inp['b_conv'] = jnp.zeros((D_FEAT,), jnp.float32)
    inp['gamma'] = jnp.ones((D_FEAT,), jnp.float32)
    inp['beta'] = jnp.zeros((D_FEAT,), jnp.float32)
    inp['W_in'] = jax.random.normal(ks[3], (D_FEAT, 2 * D_INNER), dtype=jnp.float32) * s
    inp['conv_w'] = jax.random.normal(ks[4], (D_INNER,), dtype=jnp.float32) * s
    inp['conv_b'] = jnp.zeros((D_INNER,), jnp.float32)
    inp['W_xproj'] = jax.random.normal(ks[5], (D_INNER, DT_RANK + 2 * D_STATE), dtype=jnp.float32) * s
    inp['W_dtproj'] = jax.random.normal(ks[6], (DT_RANK, D_INNER), dtype=jnp.float32) * s
    inp['b_dt'] = jnp.zeros((D_INNER,), jnp.float32)
    inp['A_log'] = jnp.log(jnp.tile(jnp.arange(1, D_STATE + 1, dtype=jnp.float32)[None, :], (D_INNER, 1)))
    inp['D'] = jnp.ones((D_INNER,), jnp.float32)
    inp['W_out'] = jax.random.normal(ks[7], (D_INNER, D_FEAT), dtype=jnp.float32) * s
    return inp


def reference(x, edge_index, W_conv, b_conv, gamma, beta, W_in, conv_w, conv_b, W_xproj, W_dtproj, b_dt, A_log, D, W_out):
    N = x.shape[0]
    src = edge_index[0]
    dst = edge_index[1]
    # --- GCN-style message passing conv ---
    deg = jnp.zeros((N,), x.dtype).at[dst].add(1.0)
    dis = jnp.where(deg > 0, jax.lax.rsqrt(jnp.maximum(deg, 1.0)), 0.0)
    coef = dis[src] * dis[dst]
    msg = x[src] * coef[:, None]
    agg = jnp.zeros_like(x).at[dst].add(msg)
    h = agg @ W_conv + b_conv
    # dropout p=0.0 -> identity
    h = h + x  # residual
    # batch_norm (training-mode batch statistics)
    mean = jnp.mean(h, axis=0)
    var = jnp.var(h, axis=0)
    h = (h - mean) * jax.lax.rsqrt(var + 1e-5) * gamma + beta
    # --- Mamba branch on x reshaped to [N, 1, d]: seq_len == 1 single SSM step ---
    xz = x @ W_in
    xs, z = jnp.split(xz, 2, axis=-1)
    xs = xs * conv_w + conv_b  # depthwise causal conv collapses to single tap for seq_len 1
    xs = jax.nn.silu(xs)
    xproj = xs @ W_xproj
    dt = jax.nn.softplus(xproj[:, :DT_RANK] @ W_dtproj + b_dt)
    B = xproj[:, DT_RANK:DT_RANK + D_STATE]
    C = xproj[:, DT_RANK + D_STATE:]
    A = -jnp.exp(A_log)
    dA = jnp.exp(dt[:, :, None] * A[None, :, :])
    h0 = jnp.zeros((N, D_INNER, D_STATE), x.dtype)
    hstate = dA * h0 + dt[:, :, None] * B[:, None, :] * xs[:, :, None]
    y = jnp.sum(hstate * C[:, None, :], axis=-1) + D * xs
    y = y * jax.nn.silu(z)
    m_out = (y @ W_out)[:, None, :].mean(axis=1)  # mean over seq dim of length 1
    return h + m_out

if __name__ == "__main__":
    import jax
    _d = setup_inputs()
    print(jax.jit(kernel)(*tuple(_d.values())))

</pallas_src>

<mosaic_0001>
#map = affine_map<(d0, d1) -> (0, 0, 0)>
#map1 = affine_map<(d0, d1) -> (0, 0)>
module attributes {stable_mosaic.version = 14 : i64} {
  func.func @k(%arg0: i32, %arg1: i32, %arg2: memref<32x125x80xi32, #tpu.memory_space<hbm>>, %arg3: memref<2x10240xf32, #tpu.memory_space<hbm>>, %arg4: memref<125x80xi32, #tpu.memory_space<vmem>>, %arg5: memref<80xf32, #tpu.memory_space<vmem>>, %arg6: memref<640xf32, #tpu.memory_space<vmem>>, %arg7: memref<10240xf32, #tpu.memory_space<vmem_shared>>, %arg8: memref<!tpu.dma_semaphore, #tpu.memory_space<semaphore_mem>>) attributes {dimension_semantics = [#tpu.dimension_semantics<core_parallel>, #tpu.dimension_semantics<subcore_parallel>], iteration_bounds = array<i64: 2, 16>, scalar_prefetch = 0 : i64, scratch_operands = 5 : i64, tpu.core_type = #tpu.core_type<sc_vector_subcore>, window_params = [{transform_indices = #map}, {transform_indices = #map1}]} {
    %mul3A = arith.constant 2 : i32
    %mul3A_0 = arith.muli %arg1, %mul3A : i32
    %add3A = arith.addi %mul3A_0, %arg0 : i32
    %scan3A = arith.constant 0 : i32
    %scan3A_1 = arith.constant 0 : i32
    %scan3A_2 = arith.constant 40 : i32
    %scan3A_3 = arith.addi %scan3A_1, %scan3A_2 : i32
    %scan3A_4 = arith.constant 1 : i32
    %scan3A_5 = scf.for %scan3A_49 = %scan3A_1 to %scan3A_3 step %scan3A_4 iter_args(%scan3A_50 = %scan3A) -> (i32)  : i32 {
      %broadcast_in_dim3A_51 = arith.constant 0.000000e+00 : f32
      %broadcast_in_dim3A_52 = vector.broadcast %broadcast_in_dim3A_51 : f32 to vector<16xf32>
      %mul3A_53 = arith.constant 16 : i32
      %mul3A_54 = arith.muli %scan3A_49, %mul3A_53 : i32
      %swap3A_55 = arith.index_cast %mul3A_54 : i32 to index
      %swap3A_56 = tpu.vector_load %arg6[%swap3A_55] {strides = array<i32>} : memref<640xf32, #tpu.memory_space<vmem>>, vector<16xf32>,
      %swap3A_57 = vector.shape_cast %swap3A_56 : vector<16xf32> to vector<16xf32>
      %swap3A_58 = vector.shape_cast %broadcast_in_dim3A_52 : vector<16xf32> to vector<16xf32>
      tpu.vector_store %arg6[%swap3A_55], %swap3A_58 {strides = array<i32>} : memref<640xf32, #tpu.memory_space<vmem>>, vector<16xf32>,
      %scan3A_59 = arith.constant 0 : i32
      scf.yield %scan3A_59 : i32
    }
    %scan3A_6 = arith.constant 40 : i32
    %broadcast_in_dim3A = arith.constant 1.000000e+00 : f32
    %broadcast_in_dim3A_7 = vector.broadcast %broadcast_in_dim3A : f32 to vector<16xf32>
    %swap3A = arith.constant 0 : index
    %swap3A_8 = tpu.vector_load %arg5[%swap3A] {strides = array<i32>} : memref<80xf32, #tpu.memory_space<vmem>>, vector<16xf32>,
    %swap3A_9 = vector.shape_cast %swap3A_8 : vector<16xf32> to vector<16xf32>
    %swap3A_10 = vector.shape_cast %broadcast_in_dim3A_7 : vector<16xf32> to vector<16xf32>
    tpu.vector_store %arg5[%swap3A], %swap3A_10 {strides = array<i32>} : memref<80xf32, #tpu.memory_space<vmem>>, vector<16xf32>,
    %broadcast_in_dim3A_11 = arith.constant 1.000000e+00 : f32
    %broadcast_in_dim3A_12 = vector.broadcast %broadcast_in_dim3A_11 : f32 to vector<16xf32>
    %swap3A_13 = arith.constant 16 : index
    %swap3A_14 = tpu.vector_load %arg5[%swap3A_13] {strides = array<i32>} : memref<80xf32, #tpu.memory_space<vmem>>, vector<16xf32>,
    %swap3A_15 = vector.shape_cast %swap3A_14 : vector<16xf32> to vector<16xf32>
    %swap3A_16 = vector.shape_cast %broadcast_in_dim3A_12 : vector<16xf32> to vector<16xf32>
    tpu.vector_store %arg5[%swap3A_13], %swap3A_16 {strides = array<i32>} : memref<80xf32, #tpu.memory_space<vmem>>, vector<16xf32>,
    %broadcast_in_dim3A_17 = arith.constant 1.000000e+00 : f32
    %broadcast_in_dim3A_18 = vector.broadcast %broadcast_in_dim3A_17 : f32 to vector<16xf32>
    %swap3A_19 = arith.constant 32 : index
    %swap3A_20 = tpu.vector_load %arg5[%swap3A_19] {strides = array<i32>} : memref<80xf32, #tpu.memory_space<vmem>>, vector<16xf32>,
    %swap3A_21 = vector.shape_cast %swap3A_20 : vector<16xf32> to vector<16xf32>
    %swap3A_22 = vector.shape_cast %broadcast_in_dim3A_18 : vector<16xf32> to vector<16xf32>
    tpu.vector_store %arg5[%swap3A_19], %swap3A_22 {strides = array<i32>} : memref<80xf32, #tpu.memory_space<vmem>>, vector<16xf32>,
    %broadcast_in_dim3A_23 = arith.constant 1.000000e+00 : f32
    %broadcast_in_dim3A_24 = vector.broadcast %broadcast_in_dim3A_23 : f32 to vector<16xf32>
    %swap3A_25 = arith.constant 48 : index
    %swap3A_26 = tpu.vector_load %arg5[%swap3A_25] {strides = array<i32>} : memref<80xf32, #tpu.memory_space<vmem>>, vector<16xf32>,
    %swap3A_27 = vector.shape_cast %swap3A_26 : vector<16xf32> to vector<16xf32>
    %swap3A_28 = vector.shape_cast %broadcast_in_dim3A_24 : vector<16xf32> to vector<16xf32>
    tpu.vector_store %arg5[%swap3A_25], %swap3A_28 {strides = array<i32>} : memref<80xf32, #tpu.memory_space<vmem>>, vector<16xf32>,
    %broadcast_in_dim3A_29 = arith.constant 1.000000e+00 : f32
    %broadcast_in_dim3A_30 = vector.broadcast %broadcast_in_dim3A_29 : f32 to vector<16xf32>
    %swap3A_31 = arith.constant 64 : index
    %swap3A_32 = tpu.vector_load %arg5[%swap3A_31] {strides = array<i32>} : memref<80xf32, #tpu.memory_space<vmem>>, vector<16xf32>,
    %swap3A_33 = vector.shape_cast %swap3A_32 : vector<16xf32> to vector<16xf32>
    %swap3A_34 = vector.shape_cast %broadcast_in_dim3A_30 : vector<16xf32> to vector<16xf32>
    tpu.vector_store %arg5[%swap3A_31], %swap3A_34 {strides = array<i32>} : memref<80xf32, #tpu.memory_space<vmem>>, vector<16xf32>,
    %mul3A_35 = arith.constant 640 : i32
    %mul3A_36 = arith.muli %arg1, %mul3A_35 : i32
    "tpu.region"() ({
      %run_scoped3A = tpu.sem_alloc : memref<!tpu.dma_semaphore, #tpu.memory_space<semaphore_mem>>
      %dma_start3A = tpu.memref_slice %arg7[%mul3A_36] : memref<10240xf32, #tpu.memory_space<vmem_shared>> -> memref<640xf32, #tpu.memory_space<vmem_shared>>
      %dma_start3A_49 = tpu.memref_slice %arg7[%mul3A_36] : memref<10240xf32, #tpu.memory_space<vmem_shared>> -> memref<640xf32, #tpu.memory_space<vmem_shared>>
      tpu.enqueue_dma source(%arg6 : memref<640xf32, #tpu.memory_space<vmem>>) target(%dma_start3A_49 : memref<640xf32, #tpu.memory_space<vmem_shared>>) target_semaphore(%run_scoped3A : memref<!tpu.dma_semaphore, #tpu.memory_space<semaphore_mem>>)
      %dma_wait3A = tpu.memref_slice %arg7[%mul3A_36] : memref<10240xf32, #tpu.memory_space<vmem_shared>> -> memref<640xf32, #tpu.memory_space<vmem_shared>>
      %dma_wait3A_50 = tpu.memref_slice %arg7[%mul3A_36] : memref<10240xf32, #tpu.memory_space<vmem_shared>> -> memref<640xf32, #tpu.memory_space<vmem_shared>>
      tpu.wait_dma2 semaphore(%run_scoped3A : memref<!tpu.dma_semaphore, #tpu.memory_space<semaphore_mem>>) src(%arg6 : memref<640xf32, #tpu.memory_space<vmem>>) dst(%dma_wait3A_50 : memref<640xf32, #tpu.memory_space<vmem_shared>>)
      tpu.yield
    }) : () -> ()
    "tpu.region"() ({
      %run_scoped3A = tpu.sem_alloc : memref<!tpu.dma_semaphore, #tpu.memory_space<semaphore_mem>>
      %dma_start3A = arith.constant 0 : i32
      %dma_start3A_49 = arith.constant 0 : i32
      %dma_start3A_50 = tpu.memref_slice %arg2[%add3A, %dma_start3A, %dma_start3A_49] : memref<32x125x80xi32, #tpu.memory_space<hbm>> -> memref<1x125x80xi32, #tpu.memory_space<hbm>>
      %dma_start3A_51 = tpu.memref_squeeze %dma_start3A_50 : memref<1x125x80xi32, #tpu.memory_space<hbm>> -> memref<125x80xi32, #tpu.memory_space<hbm>>
      %dma_start3A_52 = arith.constant 0 : i32
      %dma_start3A_53 = arith.constant 0 : i32
      %dma_start3A_54 = tpu.memref_slice %arg2[%add3A, %dma_start3A_52, %dma_start3A_53] : memref<32x125x80xi32, #tpu.memory_space<hbm>> -> memref<1x125x80xi32, #tpu.memory_space<hbm>>
      %dma_start3A_55 = tpu.memref_squeeze %dma_start3A_54 : memref<1x125x80xi32, #tpu.memory_space<hbm>> -> memref<125x80xi32, #tpu.memory_space<hbm>>
      tpu.enqueue_dma source(%dma_start3A_55 : memref<125x80xi32, #tpu.memory_space<hbm>>) target(%arg4 : memref<125x80xi32, #tpu.memory_space<vmem>>) target_semaphore(%run_scoped3A : memref<!tpu.dma_semaphore, #tpu.memory_space<semaphore_mem>>)
      %dma_wait3A = arith.constant 0 : i32
      %dma_wait3A_56 = arith.constant 0 : i32
      %dma_wait3A_57 = tpu.memref_slice %arg2[%add3A, %dma_wait3A, %dma_wait3A_56] : memref<32x125x80xi32, #tpu.memory_space<hbm>> -> memref<1x125x80xi32, #tpu.memory_space<hbm>>
      %dma_wait3A_58 = tpu.memref_squeeze %dma_wait3A_57 : memref<1x125x80xi32, #tpu.memory_space<hbm>> -> memref<125x80xi32, #tpu.memory_space<hbm>>
      %dma_wait3A_59 = arith.constant 0 : i32
      %dma_wait3A_60 = arith.constant 0 : i32
      %dma_wait3A_61 = tpu.memref_slice %arg2[%add3A, %dma_wait3A_59, %dma_wait3A_60] : memref<32x125x80xi32, #tpu.memory_space<hbm>> -> memref<1x125x80xi32, #tpu.memory_space<hbm>>
      %dma_wait3A_62 = tpu.memref_squeeze %dma_wait3A_61 : memref<1x125x80xi32, #tpu.memory_space<hbm>> -> memref<125x80xi32, #tpu.memory_space<hbm>>
      tpu.wait_dma2 semaphore(%run_scoped3A : memref<!tpu.dma_semaphore, #tpu.memory_space<semaphore_mem>>) src(%dma_wait3A_62 : memref<125x80xi32, #tpu.memory_space<hbm>>) dst(%arg4 : memref<125x80xi32, #tpu.memory_space<vmem>>)
      tpu.yield
    }) : () -> ()
    %barrier3A = arith.constant 0 : index
    tpu.barrier barrier_id(%barrier3A)
    %scan3A_37 = arith.constant 0 : i32
    %scan3A_38 = arith.constant 0 : i32
    %scan3A_39 = arith.constant 5 : i32
    %scan3A_40 = arith.addi %scan3A_38, %scan3A_39 : i32
    %scan3A_41 = arith.constant 1 : i32
    %scan3A_42 = scf.for %scan3A_49 = %scan3A_38 to %scan3A_40 step %scan3A_41 iter_args(%scan3A_50 = %scan3A_37) -> (i32)  : i32 {
      %scan3A_51 = arith.constant 0 : i32
      %scan3A_52 = arith.constant 0 : i32
      %scan3A_53 = arith.constant 25 : i32
      %scan3A_54 = arith.addi %scan3A_52, %scan3A_53 : i32
      %scan3A_55 = arith.constant 1 : i32
      %scan3A_56 = scf.for %scan3A_66 = %scan3A_52 to %scan3A_54 step %scan3A_55 iter_args(%scan3A_67 = %scan3A_51) -> (i32)  : i32 {
        %mul3A_68 = arith.constant 25 : i32
        %mul3A_69 = arith.muli %scan3A_49, %mul3A_68 : i32
        %add3A_70 = arith.addi %mul3A_69, %scan3A_66 : i32
        %dma_start3A = arith.constant 0 : i32
        %dma_start3A_71 = tpu.memref_slice %arg4[%add3A_70, %dma_start3A] : memref<125x80xi32, #tpu.memory_space<vmem>> -> memref<1x80xi32, #tpu.memory_space<vmem>>
        %dma_start3A_72 = tpu.memref_squeeze %dma_start3A_71 : memref<1x80xi32, #tpu.memory_space<vmem>> -> memref<80xi32, #tpu.memory_space<vmem>>
        %dma_start3A_73 = arith.constant 0 : i32
        %dma_start3A_74 = tpu.memref_slice %arg7[%dma_start3A_73] : memref<10240xf32, #tpu.memory_space<vmem_shared>> -> memref<10240xf32, #tpu.memory_space<vmem_shared>>
        tpu.enqueue_indirect_dma source(%arg5 : memref<80xf32, #tpu.memory_space<vmem>>) target(%dma_start3A_74 : memref<10240xf32, #tpu.memory_space<vmem_shared>>) offsets(%dma_start3A_72 : memref<80xi32, #tpu.memory_space<vmem>>) semaphore(%arg8 : memref<!tpu.dma_semaphore, #tpu.memory_space<semaphore_mem>>) {add = true}
        %scan3A_75 = arith.constant 0 : i32
        scf.yield %scan3A_75 : i32
      }
      %scan3A_57 = arith.constant 25 : i32
      %scan3A_58 = arith.constant 0 : i32
      %scan3A_59 = arith.constant 0 : i32
      %scan3A_60 = arith.constant 25 : i32
      %scan3A_61 = arith.addi %scan3A_59, %scan3A_60 : i32
      %scan3A_62 = arith.constant 1 : i32
      %scan3A_63 = scf.for %scan3A_66 = %scan3A_59 to %scan3A_61 step %scan3A_62 iter_args(%scan3A_67 = %scan3A_58) -> (i32)  : i32 {
        %mul3A_68 = arith.constant 25 : i32
        %mul3A_69 = arith.muli %scan3A_49, %mul3A_68 : i32
        %add3A_70 = arith.addi %mul3A_69, %scan3A_66 : i32
        %dma_wait3A = arith.constant 0 : i32
        %dma_wait3A_71 = tpu.memref_slice %arg4[%add3A_70, %dma_wait3A] : memref<125x80xi32, #tpu.memory_space<vmem>> -> memref<1x80xi32, #tpu.memory_space<vmem>>
        %dma_wait3A_72 = tpu.memref_squeeze %dma_wait3A_71 : memref<1x80xi32, #tpu.memory_space<vmem>> -> memref<80xi32, #tpu.memory_space<vmem>>
        %dma_wait3A_73 = arith.constant 0 : i32
        %dma_wait3A_74 = tpu.memref_slice %arg7[%dma_wait3A_73] : memref<10240xf32, #tpu.memory_space<vmem_shared>> -> memref<10240xf32, #tpu.memory_space<vmem_shared>>
        tpu.wait_indirect_dma semaphore(%arg8 : memref<!tpu.dma_semaphore, #tpu.memory_space<semaphore_mem>>) src(%arg5 : memref<80xf32, #tpu.memory_space<vmem>>) dst(%dma_wait3A_74 : memref<10240xf32, #tpu.memory_space<vmem_shared>>)
        %scan3A_75 = arith.constant 0 : i32
        scf.yield %scan3A_75 : i32
      }
      %scan3A_64 = arith.constant 25 : i32
      %scan3A_65 = arith.constant 0 : i32
      scf.yield %scan3A_65 : i32
    }
    %scan3A_43 = arith.constant 5 : i32
    %barrier3A_44 = arith.constant 0 : index
    tpu.barrier barrier_id(%barrier3A_44)
    %mul3A_45 = arith.constant 640 : i32
    %mul3A_46 = arith.muli %arg1, %mul3A_45 : i32
    %mul3A_47 = arith.constant 640 : i32
    %mul3A_48 = arith.muli %arg1, %mul3A_47 : i32
    "tpu.region"() ({
      %run_scoped3A = tpu.sem_alloc : memref<!tpu.dma_semaphore, #tpu.memory_space<semaphore_mem>>
      %dma_start3A = tpu.memref_slice %arg3[%arg0, %mul3A_48] : memref<2x10240xf32, #tpu.memory_space<hbm>> -> memref<1x640xf32, #tpu.memory_space<hbm>>
      %dma_start3A_49 = tpu.memref_squeeze %dma_start3A : memref<1x640xf32, #tpu.memory_space<hbm>> -> memref<640xf32, #tpu.memory_space<hbm>>
      %dma_start3A_50 = tpu.memref_slice %arg7[%mul3A_46] : memref<10240xf32, #tpu.memory_space<vmem_shared>> -> memref<640xf32, #tpu.memory_space<vmem_shared>>
      tpu.enqueue_dma source(%dma_start3A_50 : memref<640xf32, #tpu.memory_space<vmem_shared>>) target(%dma_start3A_49 : memref<640xf32, #tpu.memory_space<hbm>>) target_semaphore(%run_scoped3A : memref<!tpu.dma_semaphore, #tpu.memory_space<semaphore_mem>>)
      %dma_wait3A = tpu.memref_slice %arg3[%arg0, %mul3A_48] : memref<2x10240xf32, #tpu.memory_space<hbm>> -> memref<1x640xf32, #tpu.memory_space<hbm>>
      %dma_wait3A_51 = tpu.memref_squeeze %dma_wait3A : memref<1x640xf32, #tpu.memory_space<hbm>> -> memref<640xf32, #tpu.memory_space<hbm>>
      %dma_wait3A_52 = tpu.memref_slice %arg7[%mul3A_46] : memref<10240xf32, #tpu.memory_space<vmem_shared>> -> memref<640xf32, #tpu.memory_space<vmem_shared>>
      tpu.wait_dma2 semaphore(%run_scoped3A : memref<!tpu.dma_semaphore, #tpu.memory_space<semaphore_mem>>) src(%dma_wait3A_52 : memref<640xf32, #tpu.memory_space<vmem_shared>>) dst(%dma_wait3A_51 : memref<640xf32, #tpu.memory_space<hbm>>)
      tpu.yield
    }) : () -> ()
    return
  }
}

#map = affine_map<(d0, d1) -> (0, 0)>
#map1 = affine_map<(d0, d1) -> (0, 0, 0)>
module attributes {stable_mosaic.version = 14 : i64} {
  func.func @k(%arg0: i32, %arg1: i32, %arg2: memref<10240x128xbf16, #tpu.memory_space<hbm>>, %arg3: memref<32x125x80xi32, #tpu.memory_space<hbm>>, %arg4: memref<32x125x80xi32, #tpu.memory_space<hbm>>, %arg5: memref<2x10240x128xbf16, #tpu.memory_space<hbm>>, %arg6: memref<125x80xi32, #tpu.memory_space<vmem>>, %arg7: memref<125x80xi32, #tpu.memory_space<vmem>>, %arg8: memref<5x80x128xbf16, #tpu.memory_space<vmem>>, %arg9: memref<40x128xbf16, #tpu.memory_space<vmem>>, %arg10: memref<10240x128xbf16, #tpu.memory_space<vmem_shared>>, %arg11: memref<!tpu.dma_semaphore, #tpu.memory_space<semaphore_mem>>, %arg12: memref<!tpu.dma_semaphore, #tpu.memory_space<semaphore_mem>>, %arg13: memref<!tpu.dma_semaphore, #tpu.memory_space<semaphore_mem>>, %arg14: memref<!tpu.dma_semaphore, #tpu.memory_space<semaphore_mem>>, %arg15: memref<!tpu.dma_semaphore, #tpu.memory_space<semaphore_mem>>) attributes {dimension_semantics = [#tpu.dimension_semantics<core_parallel>, #tpu.dimension_semantics<subcore_parallel>], iteration_bounds = array<i64: 2, 16>, scalar_prefetch = 0 : i64, scratch_operands = 10 : i64, tpu.core_type = #tpu.core_type<sc_vector_subcore>, window_params = [{transform_indices = #map}, {transform_indices = #map1}, {transform_indices = #map1}, {transform_indices = #map1}]} {
    %mul3A = arith.constant 2 : i32
    %mul3A_0 = arith.muli %arg1, %mul3A : i32
    %add3A = arith.addi %mul3A_0, %arg0 : i32
    %scan3A = arith.constant 0 : i32
    %scan3A_1 = arith.constant 0 : i32
    %scan3A_2 = arith.constant 160 : i32
    %scan3A_3 = arith.addi %scan3A_1, %scan3A_2 : i32
    %scan3A_4 = arith.constant 1 : i32
    %scan3A_5 = scf.for %scan3A_142 = %scan3A_1 to %scan3A_3 step %scan3A_4 iter_args(%scan3A_143 = %scan3A) -> (i32)  : i32 {
      %jit3A = arith.constant 4 : i32
      %div3A = arith.divsi %scan3A_142, %jit3A : i32
      %sign3A = arith.constant 0 : i32
      %sign3A_144 = arith.cmpi sgt, %scan3A_142, %sign3A : i32
      %sign3A_145 = arith.extui %sign3A_144 : i1 to i32
      %sign3A_146 = arith.constant 0 : i32
      %sign3A_147 = arith.cmpi slt, %scan3A_142, %sign3A_146 : i32
      %sign3A_148 = arith.extui %sign3A_147 : i1 to i32
      %sign3A_149 = arith.subi %sign3A_145, %sign3A_148 : i32
      %sign3A_150 = arith.constant 0 : i32
      %sign3A_151 = arith.cmpi sgt, %jit3A, %sign3A_150 : i32
      %sign3A_152 = arith.extui %sign3A_151 : i1 to i32
      %sign3A_153 = arith.constant 0 : i32
      %sign3A_154 = arith.cmpi slt, %jit3A, %sign3A_153 : i32
      %sign3A_155 = arith.extui %sign3A_154 : i1 to i32
      %sign3A_156 = arith.subi %sign3A_152, %sign3A_155 : i32
      %ne3A = arith.cmpi ne, %sign3A_149, %sign3A_156 : i32
      %rem3A = arith.remsi %scan3A_142, %jit3A : i32
      %ne3A_157 = arith.constant 0 : i32
      %ne3A_158 = arith.cmpi ne, %rem3A, %ne3A_157 : i32
      %and3A = arith.andi %ne3A, %ne3A_158 : i1
      %sub3A = arith.constant 1 : i32
      %sub3A_159 = arith.subi %div3A, %sub3A : i32
      %select_n3A = arith.select %and3A, %sub3A_159, %div3A : i32
      %jit3A_160 = arith.constant 4 : i32
      %eq3A = arith.constant 0 : i32
      %eq3A_161 = arith.cmpi eq, %jit3A_160, %eq3A : i32
      %jit3A_162 = arith.constant 1 : i32
      %select_n3A_163 = arith.select %eq3A_161, %jit3A_162, %jit3A_160 : i32
      %rem3A_164 = arith.remsi %scan3A_142, %select_n3A_163 : i32
      %ne3A_165 = arith.constant 0 : i32
      %ne3A_166 = arith.cmpi ne, %rem3A_164, %ne3A_165 : i32
      %lt3A = arith.constant 0 : i32
      %lt3A_167 = arith.cmpi slt, %rem3A_164, %lt3A : i32
      %lt3A_168 = arith.constant 0 : i32
      %lt3A_169 = arith.cmpi slt, %select_n3A_163, %lt3A_168 : i32
      %ne3A_170 = arith.xori %lt3A_167, %lt3A_169 : i1
      %and3A_171 = arith.andi %ne3A_170, %ne3A_166 : i1
      %add3A_172 = arith.addi %rem3A_164, %select_n3A_163 : i32
      %select_n3A_173 = arith.select %and3A_171, %add3A_172, %rem3A_164 : i32
      %mul3A_174 = arith.constant 32 : i32
      %mul3A_175 = arith.muli %select_n3A_173, %mul3A_174 : i32
      %broadcast_in_dim3A = arith.constant 0.000000e+00 : bf16
      %broadcast_in_dim3A_176 = vector.broadcast %broadcast_in_dim3A : bf16 to vector<32xbf16>
      %swap3A = arith.index_cast %select_n3A : i32 to index
      %swap3A_177 = arith.index_cast %mul3A_175 : i32 to index
      %swap3A_178 = tpu.vector_load %arg9[%swap3A, %swap3A_177] {strides = array<i32>} : memref<40x128xbf16, #tpu.memory_space<vmem>>, vector<1x32xbf16>,
      %swap3A_179 = vector.shape_cast %swap3A_178 : vector<1x32xbf16> to vector<32xbf16>
      %swap3A_180 = vector.shape_cast %broadcast_in_dim3A_176 : vector<32xbf16> to vector<1x32xbf16>
      tpu.vector_store %arg9[%swap3A, %swap3A_177], %swap3A_180 {strides = array<i32>} : memref<40x128xbf16, #tpu.memory_space<vmem>>, vector<1x32xbf16>,
      %scan3A_181 = arith.constant 0 : i32
      scf.yield %scan3A_181 : i32
    }
    %scan3A_6 = arith.constant 160 : i32
    %mul3A_7 = arith.constant 640 : i32
    %mul3A_8 = arith.muli %arg1, %mul3A_7 : i32
    %add3A_9 = arith.constant 0 : i32
    %add3A_10 = arith.addi %mul3A_8, %add3A_9 : i32
    "tpu.region"() ({
      %run_scoped3A = tpu.sem_alloc : memref<!tpu.dma_semaphore, #tpu.memory_space<semaphore_mem>>
      %dma_start3A_142 = arith.constant 0 : i32
      %dma_start3A_143 = tpu.memref_slice %arg10[%add3A_10, %dma_start3A_142] : memref<10240x128xbf16, #tpu.memory_space<vmem_shared>> -> memref<40x128xbf16, #tpu.memory_space<vmem_shared>>
      %dma_start3A_144 = arith.constant 0 : i32
      %dma_start3A_145 = tpu.memref_slice %arg10[%add3A_10, %dma_start3A_144] : memref<10240x128xbf16, #tpu.memory_space<vmem_shared>> -> memref<40x128xbf16, #tpu.memory_space<vmem_shared>>
      tpu.enqueue_dma source(%arg9 : memref<40x128xbf16, #tpu.memory_space<vmem>>) target(%dma_start3A_145 : memref<40x128xbf16, #tpu.memory_space<vmem_shared>>) target_semaphore(%run_scoped3A : memref<!tpu.dma_semaphore, #tpu.memory_space<semaphore_mem>>)
      %dma_wait3A = arith.constant 0 : i32
      %dma_wait3A_146 = tpu.memref_slice %arg10[%add3A_10, %dma_wait3A] : memref<10240x128xbf16, #tpu.memory_space<vmem_shared>> -> memref<40x128xbf16, #tpu.memory_space<vmem_shared>>
      %dma_wait3A_147 = arith.constant 0 : i32
      %dma_wait3A_148 = tpu.memref_slice %arg10[%add3A_10, %dma_wait3A_147] : memref<10240x128xbf16, #tpu.memory_space<vmem_shared>> -> memref<40x128xbf16, #tpu.memory_space<vmem_shared>>
      tpu.wait_dma2 semaphore(%run_scoped3A : memref<!tpu.dma_semaphore, #tpu.memory_space<semaphore_mem>>) src(%arg9 : memref<40x128xbf16, #tpu.memory_space<vmem>>) dst(%dma_wait3A_148 : memref<40x128xbf16, #tpu.memory_space<vmem_shared>>)
      tpu.yield
    }) : () -> ()
    %mul3A_11 = arith.constant 640 : i32
    %mul3A_12 = arith.muli %arg1, %mul3A_11 : i32
    %add3A_13 = arith.constant 40 : i32
    %add3A_14 = arith.addi %mul3A_12, %add3A_13 : i32
    "tpu.region"() ({
      %run_scoped3A = tpu.sem_alloc : memref<!tpu.dma_semaphore, #tpu.memory_space<semaphore_mem>>
      %dma_start3A_142 = arith.constant 0 : i32
      %dma_start3A_143 = tpu.memref_slice %arg10[%add3A_14, %dma_start3A_142] : memref<10240x128xbf16, #tpu.memory_space<vmem_shared>> -> memref<40x128xbf16, #tpu.memory_space<vmem_shared>>
      %dma_start3A_144 = arith.constant 0 : i32
      %dma_start3A_145 = tpu.memref_slice %arg10[%add3A_14, %dma_start3A_144] : memref<10240x128xbf16, #tpu.memory_space<vmem_shared>> -> memref<40x128xbf16, #tpu.memory_space<vmem_shared>>
      tpu.enqueue_dma source(%arg9 : memref<40x128xbf16, #tpu.memory_space<vmem>>) target(%dma_start3A_145 : memref<40x128xbf16, #tpu.memory_space<vmem_shared>>) target_semaphore(%run_scoped3A : memref<!tpu.dma_semaphore, #tpu.memory_space<semaphore_mem>>)
      %dma_wait3A = arith.constant 0 : i32
      %dma_wait3A_146 = tpu.memref_slice %arg10[%add3A_14, %dma_wait3A] : memref<10240x128xbf16, #tpu.memory_space<vmem_shared>> -> memref<40x128xbf16, #tpu.memory_space<vmem_shared>>
      %dma_wait3A_147 = arith.constant 0 : i32
      %dma_wait3A_148 = tpu.memref_slice %arg10[%add3A_14, %dma_wait3A_147] : memref<10240x128xbf16, #tpu.memory_space<vmem_shared>> -> memref<40x128xbf16, #tpu.memory_space<vmem_shared>>
      tpu.wait_dma2 semaphore(%run_scoped3A : memref<!tpu.dma_semaphore, #tpu.memory_space<semaphore_mem>>) src(%arg9 : memref<40x128xbf16, #tpu.memory_space<vmem>>) dst(%dma_wait3A_148 : memref<40x128xbf16, #tpu.memory_space<vmem_shared>>)
      tpu.yield
    }) : () -> ()
    %mul3A_15 = arith.constant 640 : i32
    %mul3A_16 = arith.muli %arg1, %mul3A_15 : i32
    %add3A_17 = arith.constant 80 : i32
    %add3A_18 = arith.addi %mul3A_16, %add3A_17 : i32
    "tpu.region"() ({
      %run_scoped3A = tpu.sem_alloc : memref<!tpu.dma_semaphore, #tpu.memory_space<semaphore_mem>>
      %dma_start3A_142 = arith.constant 0 : i32
      %dma_start3A_143 = tpu.memref_slice %arg10[%add3A_18, %dma_start3A_142] : memref<10240x128xbf16, #tpu.memory_space<vmem_shared>> -> memref<40x128xbf16, #tpu.memory_space<vmem_shared>>
      %dma_start3A_144 = arith.constant 0 : i32
      %dma_start3A_145 = tpu.memref_slice %arg10[%add3A_18, %dma_start3A_144] : memref<10240x128xbf16, #tpu.memory_space<vmem_shared>> -> memref<40x128xbf16, #tpu.memory_space<vmem_shared>>
      tpu.enqueue_dma source(%arg9 : memref<40x128xbf16, #tpu.memory_space<vmem>>) target(%dma_start3A_145 : memref<40x128xbf16, #tpu.memory_space<vmem_shared>>) target_semaphore(%run_scoped3A : memref<!tpu.dma_semaphore, #tpu.memory_space<semaphore_mem>>)
      %dma_wait3A = arith.constant 0 : i32
      %dma_wait3A_146 = tpu.memref_slice %arg10[%add3A_18, %dma_wait3A] : memref<10240x128xbf16, #tpu.memory_space<vmem_shared>> -> memref<40x128xbf16, #tpu.memory_space<vmem_shared>>
      %dma_wait3A_147 = arith.constant 0 : i32
      %dma_wait3A_148 = tpu.memref_slice %arg10[%add3A_18, %dma_wait3A_147] : memref<10240x128xbf16, #tpu.memory_space<vmem_shared>> -> memref<40x128xbf16, #tpu.memory_space<vmem_shared>>
      tpu.wait_dma2 semaphore(%run_scoped3A : memref<!tpu.dma_semaphore, #tpu.memory_space<semaphore_mem>>) src(%arg9 : memref<40x128xbf16, #tpu.memory_space<vmem>>) dst(%dma_wait3A_148 : memref<40x128xbf16, #tpu.memory_space<vmem_shared>>)
      tpu.yield
    }) : () -> ()
    %mul3A_19 = arith.constant 640 : i32
    %mul3A_20 = arith.muli %arg1, %mul3A_19 : i32
    %add3A_21 = arith.constant 120 : i32
    %add3A_22 = arith.addi %mul3A_20, %add3A_21 : i32
    "tpu.region"() ({
      %run_scoped3A = tpu.sem_alloc : memref<!tpu.dma_semaphore, #tpu.memory_space<semaphore_mem>>
      %dma_start3A_142 = arith.constant 0 : i32
      %dma_start3A_143 = tpu.memref_slice %arg10[%add3A_22, %dma_start3A_142] : memref<10240x128xbf16, #tpu.memory_space<vmem_shared>> -> memref<40x128xbf16, #tpu.memory_space<vmem_shared>>
      %dma_start3A_144 = arith.constant 0 : i32
      %dma_start3A_145 = tpu.memref_slice %arg10[%add3A_22, %dma_start3A_144] : memref<10240x128xbf16, #tpu.memory_space<vmem_shared>> -> memref<40x128xbf16, #tpu.memory_space<vmem_shared>>
      tpu.enqueue_dma source(%arg9 : memref<40x128xbf16, #tpu.memory_space<vmem>>) target(%dma_start3A_145 : memref<40x128xbf16, #tpu.memory_space<vmem_shared>>) target_semaphore(%run_scoped3A : memref<!tpu.dma_semaphore, #tpu.memory_space<semaphore_mem>>)
      %dma_wait3A = arith.constant 0 : i32
      %dma_wait3A_146 = tpu.memref_slice %arg10[%add3A_22, %dma_wait3A] : memref<10240x128xbf16, #tpu.memory_space<vmem_shared>> -> memref<40x128xbf16, #tpu.memory_space<vmem_shared>>
      %dma_wait3A_147 = arith.constant 0 : i32
      %dma_wait3A_148 = tpu.memref_slice %arg10[%add3A_22, %dma_wait3A_147] : memref<10240x128xbf16, #tpu.memory_space<vmem_shared>> -> memref<40x128xbf16, #tpu.memory_space<vmem_shared>>
      tpu.wait_dma2 semaphore(%run_scoped3A : memref<!tpu.dma_semaphore, #tpu.memory_space<semaphore_mem>>) src(%arg9 : memref<40x128xbf16, #tpu.memory_space<vmem>>) dst(%dma_wait3A_148 : memref<40x128xbf16, #tpu.memory_space<vmem_shared>>)
      tpu.yield
    }) : () -> ()
    %mul3A_23 = arith.constant 640 : i32
    %mul3A_24 = arith.muli %arg1, %mul3A_23 : i32
    %add3A_25 = arith.constant 160 : i32
    %add3A_26 = arith.addi %mul3A_24, %add3A_25 : i32
    "tpu.region"() ({
      %run_scoped3A = tpu.sem_alloc : memref<!tpu.dma_semaphore, #tpu.memory_space<semaphore_mem>>
      %dma_start3A_142 = arith.constant 0 : i32
      %dma_start3A_143 = tpu.memref_slice %arg10[%add3A_26, %dma_start3A_142] : memref<10240x128xbf16, #tpu.memory_space<vmem_shared>> -> memref<40x128xbf16, #tpu.memory_space<vmem_shared>>
      %dma_start3A_144 = arith.constant 0 : i32
      %dma_start3A_145 = tpu.memref_slice %arg10[%add3A_26, %dma_start3A_144] : memref<10240x128xbf16, #tpu.memory_space<vmem_shared>> -> memref<40x128xbf16, #tpu.memory_space<vmem_shared>>
      tpu.enqueue_dma source(%arg9 : memref<40x128xbf16, #tpu.memory_space<vmem>>) target(%dma_start3A_145 : memref<40x128xbf16, #tpu.memory_space<vmem_shared>>) target_semaphore(%run_scoped3A : memref<!tpu.dma_semaphore, #tpu.memory_space<semaphore_mem>>)
      %dma_wait3A = arith.constant 0 : i32
      %dma_wait3A_146 = tpu.memref_slice %arg10[%add3A_26, %dma_wait3A] : memref<10240x128xbf16, #tpu.memory_space<vmem_shared>> -> memref<40x128xbf16, #tpu.memory_space<vmem_shared>>
      %dma_wait3A_147 = arith.constant 0 : i32
      %dma_wait3A_148 = tpu.memref_slice %arg10[%add3A_26, %dma_wait3A_147] : memref<10240x128xbf16, #tpu.memory_space<vmem_shared>> -> memref<40x128xbf16, #tpu.memory_space<vmem_shared>>
      tpu.wait_dma2 semaphore(%run_scoped3A : memref<!tpu.dma_semaphore, #tpu.memory_space<semaphore_mem>>) src(%arg9 : memref<40x128xbf16, #tpu.memory_space<vmem>>) dst(%dma_wait3A_148 : memref<40x128xbf16, #tpu.memory_space<vmem_shared>>)
      tpu.yield
    }) : () -> ()
    %mul3A_27 = arith.constant 640 : i32
    %mul3A_28 = arith.muli %arg1, %mul3A_27 : i32
    %add3A_29 = arith.constant 200 : i32
    %add3A_30 = arith.addi %mul3A_28, %add3A_29 : i32
    "tpu.region"() ({
      %run_scoped3A = tpu.sem_alloc : memref<!tpu.dma_semaphore, #tpu.memory_space<semaphore_mem>>
      %dma_start3A_142 = arith.constant 0 : i32
      %dma_start3A_143 = tpu.memref_slice %arg10[%add3A_30, %dma_start3A_142] : memref<10240x128xbf16, #tpu.memory_space<vmem_shared>> -> memref<40x128xbf16, #tpu.memory_space<vmem_shared>>
      %dma_start3A_144 = arith.constant 0 : i32
      %dma_start3A_145 = tpu.memref_slice %arg10[%add3A_30, %dma_start3A_144] : memref<10240x128xbf16, #tpu.memory_space<vmem_shared>> -> memref<40x128xbf16, #tpu.memory_space<vmem_shared>>
      tpu.enqueue_dma source(%arg9 : memref<40x128xbf16, #tpu.memory_space<vmem>>) target(%dma_start3A_145 : memref<40x128xbf16, #tpu.memory_space<vmem_shared>>) target_semaphore(%run_scoped3A : memref<!tpu.dma_semaphore, #tpu.memory_space<semaphore_mem>>)
      %dma_wait3A = arith.constant 0 : i32
      %dma_wait3A_146 = tpu.memref_slice %arg10[%add3A_30, %dma_wait3A] : memref<10240x128xbf16, #tpu.memory_space<vmem_shared>> -> memref<40x128xbf16, #tpu.memory_space<vmem_shared>>
      %dma_wait3A_147 = arith.constant 0 : i32
      %dma_wait3A_148 = tpu.memref_slice %arg10[%add3A_30, %dma_wait3A_147] : memref<10240x128xbf16, #tpu.memory_space<vmem_shared>> -> memref<40x128xbf16, #tpu.memory_space<vmem_shared>>
      tpu.wait_dma2 semaphore(%run_scoped3A : memref<!tpu.dma_semaphore, #tpu.memory_space<semaphore_mem>>) src(%arg9 : memref<40x128xbf16, #tpu.memory_space<vmem>>) dst(%dma_wait3A_148 : memref<40x128xbf16, #tpu.memory_space<vmem_shared>>)
      tpu.yield
    }) : () -> ()
    %mul3A_31 = arith.constant 640 : i32
    %mul3A_32 = arith.muli %arg1, %mul3A_31 : i32
    %add3A_33 = arith.constant 240 : i32
    %add3A_34 = arith.addi %mul3A_32, %add3A_33 : i32
    "tpu.region"() ({
      %run_scoped3A = tpu.sem_alloc : memref<!tpu.dma_semaphore, #tpu.memory_space<semaphore_mem>>
      %dma_start3A_142 = arith.constant 0 : i32
      %dma_start3A_143 = tpu.memref_slice %arg10[%add3A_34, %dma_start3A_142] : memref<10240x128xbf16, #tpu.memory_space<vmem_shared>> -> memref<40x128xbf16, #tpu.memory_space<vmem_shared>>
      %dma_start3A_144 = arith.constant 0 : i32
      %dma_start3A_145 = tpu.memref_slice %arg10[%add3A_34, %dma_start3A_144] : memref<10240x128xbf16, #tpu.memory_space<vmem_shared>> -> memref<40x128xbf16, #tpu.memory_space<vmem_shared>>
      tpu.enqueue_dma source(%arg9 : memref<40x128xbf16, #tpu.memory_space<vmem>>) target(%dma_start3A_145 : memref<40x128xbf16, #tpu.memory_space<vmem_shared>>) target_semaphore(%run_scoped3A : memref<!tpu.dma_semaphore, #tpu.memory_space<semaphore_mem>>)
      %dma_wait3A = arith.constant 0 : i32
      %dma_wait3A_146 = tpu.memref_slice %arg10[%add3A_34, %dma_wait3A] : memref<10240x128xbf16, #tpu.memory_space<vmem_shared>> -> memref<40x128xbf16, #tpu.memory_space<vmem_shared>>
      %dma_wait3A_147 = arith.constant 0 : i32
      %dma_wait3A_148 = tpu.memref_slice %arg10[%add3A_34, %dma_wait3A_147] : memref<10240x128xbf16, #tpu.memory_space<vmem_shared>> -> memref<40x128xbf16, #tpu.memory_space<vmem_shared>>
      tpu.wait_dma2 semaphore(%run_scoped3A : memref<!tpu.dma_semaphore, #tpu.memory_space<semaphore_mem>>) src(%arg9 : memref<40x128xbf16, #tpu.memory_space<vmem>>) dst(%dma_wait3A_148 : memref<40x128xbf16, #tpu.memory_space<vmem_shared>>)
      tpu.yield
    }) : () -> ()
    %mul3A_35 = arith.constant 640 : i32
    %mul3A_36 = arith.muli %arg1, %mul3A_35 : i32
    %add3A_37 = arith.constant 280 : i32
    %add3A_38 = arith.addi %mul3A_36, %add3A_37 : i32
    "tpu.region"() ({
      %run_scoped3A = tpu.sem_alloc : memref<!tpu.dma_semaphore, #tpu.memory_space<semaphore_mem>>
      %dma_start3A_142 = arith.constant 0 : i32
      %dma_start3A_143 = tpu.memref_slice %arg10[%add3A_38, %dma_start3A_142] : memref<10240x128xbf16, #tpu.memory_space<vmem_shared>> -> memref<40x128xbf16, #tpu.memory_space<vmem_shared>>
      %dma_start3A_144 = arith.constant 0 : i32
      %dma_start3A_145 = tpu.memref_slice %arg10[%add3A_38, %dma_start3A_144] : memref<10240x128xbf16, #tpu.memory_space<vmem_shared>> -> memref<40x128xbf16, #tpu.memory_space<vmem_shared>>
      tpu.enqueue_dma source(%arg9 : memref<40x128xbf16, #tpu.memory_space<vmem>>) target(%dma_start3A_145 : memref<40x128xbf16, #tpu.memory_space<vmem_shared>>) target_semaphore(%run_scoped3A : memref<!tpu.dma_semaphore, #tpu.memory_space<semaphore_mem>>)
      %dma_wait3A = arith.constant 0 : i32
      %dma_wait3A_146 = tpu.memref_slice %arg10[%add3A_38, %dma_wait3A] : memref<10240x128xbf16, #tpu.memory_space<vmem_shared>> -> memref<40x128xbf16, #tpu.memory_space<vmem_shared>>
      %dma_wait3A_147 = arith.constant 0 : i32
      %dma_wait3A_148 = tpu.memref_slice %arg10[%add3A_38, %dma_wait3A_147] : memref<10240x128xbf16, #tpu.memory_space<vmem_shared>> -> memref<40x128xbf16, #tpu.memory_space<vmem_shared>>
      tpu.wait_dma2 semaphore(%run_scoped3A : memref<!tpu.dma_semaphore, #tpu.memory_space<semaphore_mem>>) src(%arg9 : memref<40x128xbf16, #tpu.memory_space<vmem>>) dst(%dma_wait3A_148 : memref<40x128xbf16, #tpu.memory_space<vmem_shared>>)
      tpu.yield
    }) : () -> ()
    %mul3A_39 = arith.constant 640 : i32
    %mul3A_40 = arith.muli %arg1, %mul3A_39 : i32
    %add3A_41 = arith.constant 320 : i32
    %add3A_42 = arith.addi %mul3A_40, %add3A_41 : i32
    "tpu.region"() ({
      %run_scoped3A = tpu.sem_alloc : memref<!tpu.dma_semaphore, #tpu.memory_space<semaphore_mem>>
      %dma_start3A_142 = arith.constant 0 : i32
      %dma_start3A_143 = tpu.memref_slice %arg10[%add3A_42, %dma_start3A_142] : memref<10240x128xbf16, #tpu.memory_space<vmem_shared>> -> memref<40x128xbf16, #tpu.memory_space<vmem_shared>>
      %dma_start3A_144 = arith.constant 0 : i32
      %dma_start3A_145 = tpu.memref_slice %arg10[%add3A_42, %dma_start3A_144] : memref<10240x128xbf16, #tpu.memory_space<vmem_shared>> -> memref<40x128xbf16, #tpu.memory_space<vmem_shared>>
      tpu.enqueue_dma source(%arg9 : memref<40x128xbf16, #tpu.memory_space<vmem>>) target(%dma_start3A_145 : memref<40x128xbf16, #tpu.memory_space<vmem_shared>>) target_semaphore(%run_scoped3A : memref<!tpu.dma_semaphore, #tpu.memory_space<semaphore_mem>>)
      %dma_wait3A = arith.constant 0 : i32
      %dma_wait3A_146 = tpu.memref_slice %arg10[%add3A_42, %dma_wait3A] : memref<10240x128xbf16, #tpu.memory_space<vmem_shared>> -> memref<40x128xbf16, #tpu.memory_space<vmem_shared>>
      %dma_wait3A_147 = arith.constant 0 : i32
      %dma_wait3A_148 = tpu.memref_slice %arg10[%add3A_42, %dma_wait3A_147] : memref<10240x128xbf16, #tpu.memory_space<vmem_shared>> -> memref<40x128xbf16, #tpu.memory_space<vmem_shared>>
      tpu.wait_dma2 semaphore(%run_scoped3A : memref<!tpu.dma_semaphore, #tpu.memory_space<semaphore_mem>>) src(%arg9 : memref<40x128xbf16, #tpu.memory_space<vmem>>) dst(%dma_wait3A_148 : memref<40x128xbf16, #tpu.memory_space<vmem_shared>>)
      tpu.yield
    }) : () -> ()
    %mul3A_43 = arith.constant 640 : i32
    %mul3A_44 = arith.muli %arg1, %mul3A_43 : i32
    %add3A_45 = arith.constant 360 : i32
    %add3A_46 = arith.addi %mul3A_44, %add3A_45 : i32
    "tpu.region"() ({
      %run_scoped3A = tpu.sem_alloc : memref<!tpu.dma_semaphore, #tpu.memory_space<semaphore_mem>>
      %dma_start3A_142 = arith.constant 0 : i32
      %dma_start3A_143 = tpu.memref_slice %arg10[%add3A_46, %dma_start3A_142] : memref<10240x128xbf16, #tpu.memory_space<vmem_shared>> -> memref<40x128xbf16, #tpu.memory_space<vmem_shared>>
      %dma_start3A_144 = arith.constant 0 : i32
      %dma_start3A_145 = tpu.memref_slice %arg10[%add3A_46, %dma_start3A_144] : memref<10240x128xbf16, #tpu.memory_space<vmem_shared>> -> memref<40x128xbf16, #tpu.memory_space<vmem_shared>>
      tpu.enqueue_dma source(%arg9 : memref<40x128xbf16, #tpu.memory_space<vmem>>) target(%dma_start3A_145 : memref<40x128xbf16, #tpu.memory_space<vmem_shared>>) target_semaphore(%run_scoped3A : memref<!tpu.dma_semaphore, #tpu.memory_space<semaphore_mem>>)
      %dma_wait3A = arith.constant 0 : i32
      %dma_wait3A_146 = tpu.memref_slice %arg10[%add3A_46, %dma_wait3A] : memref<10240x128xbf16, #tpu.memory_space<vmem_shared>> -> memref<40x128xbf16, #tpu.memory_space<vmem_shared>>
      %dma_wait3A_147 = arith.constant 0 : i32
      %dma_wait3A_148 = tpu.memref_slice %arg10[%add3A_46, %dma_wait3A_147] : memref<10240x128xbf16, #tpu.memory_space<vmem_shared>> -> memref<40x128xbf16, #tpu.memory_space<vmem_shared>>
      tpu.wait_dma2 semaphore(%run_scoped3A : memref<!tpu.dma_semaphore, #tpu.memory_space<semaphore_mem>>) src(%arg9 : memref<40x128xbf16, #tpu.memory_space<vmem>>) dst(%dma_wait3A_148 : memref<40x128xbf16, #tpu.memory_space<vmem_shared>>)
      tpu.yield
    }) : () -> ()
    %mul3A_47 = arith.constant 640 : i32
    %mul3A_48 = arith.muli %arg1, %mul3A_47 : i32
    %add3A_49 = arith.constant 400 : i32
    %add3A_50 = arith.addi %mul3A_48, %add3A_49 : i32
    "tpu.region"() ({
      %run_scoped3A = tpu.sem_alloc : memref<!tpu.dma_semaphore, #tpu.memory_space<semaphore_mem>>
      %dma_start3A_142 = arith.constant 0 : i32
      %dma_start3A_143 = tpu.memref_slice %arg10[%add3A_50, %dma_start3A_142] : memref<10240x128xbf16, #tpu.memory_space<vmem_shared>> -> memref<40x128xbf16, #tpu.memory_space<vmem_shared>>
      %dma_start3A_144 = arith.constant 0 : i32
      %dma_start3A_145 = tpu.memref_slice %arg10[%add3A_50, %dma_start3A_144] : memref<10240x128xbf16, #tpu.memory_space<vmem_shared>> -> memref<40x128xbf16, #tpu.memory_space<vmem_shared>>
      tpu.enqueue_dma source(%arg9 : memref<40x128xbf16, #tpu.memory_space<vmem>>) target(%dma_start3A_145 : memref<40x128xbf16, #tpu.memory_space<vmem_shared>>) target_semaphore(%run_scoped3A : memref<!tpu.dma_semaphore, #tpu.memory_space<semaphore_mem>>)
      %dma_wait3A = arith.constant 0 : i32
      %dma_wait3A_146 = tpu.memref_slice %arg10[%add3A_50, %dma_wait3A] : memref<10240x128xbf16, #tpu.memory_space<vmem_shared>> -> memref<40x128xbf16, #tpu.memory_space<vmem_shared>>
      %dma_wait3A_147 = arith.constant 0 : i32
      %dma_wait3A_148 = tpu.memref_slice %arg10[%add3A_50, %dma_wait3A_147] : memref<10240x128xbf16, #tpu.memory_space<vmem_shared>> -> memref<40x128xbf16, #tpu.memory_space<vmem_shared>>
      tpu.wait_dma2 semaphore(%run_scoped3A : memref<!tpu.dma_semaphore, #tpu.memory_space<semaphore_mem>>) src(%arg9 : memref<40x128xbf16, #tpu.memory_space<vmem>>) dst(%dma_wait3A_148 : memref<40x128xbf16, #tpu.memory_space<vmem_shared>>)
      tpu.yield
    }) : () -> ()
    %mul3A_51 = arith.constant 640 : i32
    %mul3A_52 = arith.muli %arg1, %mul3A_51 : i32
    %add3A_53 = arith.constant 440 : i32
    %add3A_54 = arith.addi %mul3A_52, %add3A_53 : i32
    "tpu.region"() ({
      %run_scoped3A = tpu.sem_alloc : memref<!tpu.dma_semaphore, #tpu.memory_space<semaphore_mem>>
      %dma_start3A_142 = arith.constant 0 : i32
      %dma_start3A_143 = tpu.memref_slice %arg10[%add3A_54, %dma_start3A_142] : memref<10240x128xbf16, #tpu.memory_space<vmem_shared>> -> memref<40x128xbf16, #tpu.memory_space<vmem_shared>>
      %dma_start3A_144 = arith.constant 0 : i32
      %dma_start3A_145 = tpu.memref_slice %arg10[%add3A_54, %dma_start3A_144] : memref<10240x128xbf16, #tpu.memory_space<vmem_shared>> -> memref<40x128xbf16, #tpu.memory_space<vmem_shared>>
      tpu.enqueue_dma source(%arg9 : memref<40x128xbf16, #tpu.memory_space<vmem>>) target(%dma_start3A_145 : memref<40x128xbf16, #tpu.memory_space<vmem_shared>>) target_semaphore(%run_scoped3A : memref<!tpu.dma_semaphore, #tpu.memory_space<semaphore_mem>>)
      %dma_wait3A = arith.constant 0 : i32
      %dma_wait3A_146 = tpu.memref_slice %arg10[%add3A_54, %dma_wait3A] : memref<10240x128xbf16, #tpu.memory_space<vmem_shared>> -> memref<40x128xbf16, #tpu.memory_space<vmem_shared>>
      %dma_wait3A_147 = arith.constant 0 : i32
      %dma_wait3A_148 = tpu.memref_slice %arg10[%add3A_54, %dma_wait3A_147] : memref<10240x128xbf16, #tpu.memory_space<vmem_shared>> -> memref<40x128xbf16, #tpu.memory_space<vmem_shared>>
      tpu.wait_dma2 semaphore(%run_scoped3A : memref<!tpu.dma_semaphore, #tpu.memory_space<semaphore_mem>>) src(%arg9 : memref<40x128xbf16, #tpu.memory_space<vmem>>) dst(%dma_wait3A_148 : memref<40x128xbf16, #tpu.memory_space<vmem_shared>>)
      tpu.yield
    }) : () -> ()
    %mul3A_55 = arith.constant 640 : i32
    %mul3A_56 = arith.muli %arg1, %mul3A_55 : i32
    %add3A_57 = arith.constant 480 : i32
    %add3A_58 = arith.addi %mul3A_56, %add3A_57 : i32
    "tpu.region"() ({
      %run_scoped3A = tpu.sem_alloc : memref<!tpu.dma_semaphore, #tpu.memory_space<semaphore_mem>>
      %dma_start3A_142 = arith.constant 0 : i32
      %dma_start3A_143 = tpu.memref_slice %arg10[%add3A_58, %dma_start3A_142] : memref<10240x128xbf16, #tpu.memory_space<vmem_shared>> -> memref<40x128xbf16, #tpu.memory_space<vmem_shared>>
      %dma_start3A_144 = arith.constant 0 : i32
      %dma_start3A_145 = tpu.memref_slice %arg10[%add3A_58, %dma_start3A_144] : memref<10240x128xbf16, #tpu.memory_space<vmem_shared>> -> memref<40x128xbf16, #tpu.memory_space<vmem_shared>>
      tpu.enqueue_dma source(%arg9 : memref<40x128xbf16, #tpu.memory_space<vmem>>) target(%dma_start3A_145 : memref<40x128xbf16, #tpu.memory_space<vmem_shared>>) target_semaphore(%run_scoped3A : memref<!tpu.dma_semaphore, #tpu.memory_space<semaphore_mem>>)
      %dma_wait3A = arith.constant 0 : i32
      %dma_wait3A_146 = tpu.memref_slice %arg10[%add3A_58, %dma_wait3A] : memref<10240x128xbf16, #tpu.memory_space<vmem_shared>> -> memref<40x128xbf16, #tpu.memory_space<vmem_shared>>
      %dma_wait3A_147 = arith.constant 0 : i32
      %dma_wait3A_148 = tpu.memref_slice %arg10[%add3A_58, %dma_wait3A_147] : memref<10240x128xbf16, #tpu.memory_space<vmem_shared>> -> memref<40x128xbf16, #tpu.memory_space<vmem_shared>>
      tpu.wait_dma2 semaphore(%run_scoped3A : memref<!tpu.dma_semaphore, #tpu.memory_space<semaphore_mem>>) src(%arg9 : memref<40x128xbf16, #tpu.memory_space<vmem>>) dst(%dma_wait3A_148 : memref<40x128xbf16, #tpu.memory_space<vmem_shared>>)
      tpu.yield
    }) : () -> ()
    %mul3A_59 = arith.constant 640 : i32
    %mul3A_60 = arith.muli %arg1, %mul3A_59 : i32
    %add3A_61 = arith.constant 520 : i32
    %add3A_62 = arith.addi %mul3A_60, %add3A_61 : i32
    "tpu.region"() ({
      %run_scoped3A = tpu.sem_alloc : memref<!tpu.dma_semaphore, #tpu.memory_space<semaphore_mem>>
      %dma_start3A_142 = arith.constant 0 : i32
      %dma_start3A_143 = tpu.memref_slice %arg10[%add3A_62, %dma_start3A_142] : memref<10240x128xbf16, #tpu.memory_space<vmem_shared>> -> memref<40x128xbf16, #tpu.memory_space<vmem_shared>>
      %dma_start3A_144 = arith.constant 0 : i32
      %dma_start3A_145 = tpu.memref_slice %arg10[%add3A_62, %dma_start3A_144] : memref<10240x128xbf16, #tpu.memory_space<vmem_shared>> -> memref<40x128xbf16, #tpu.memory_space<vmem_shared>>
      tpu.enqueue_dma source(%arg9 : memref<40x128xbf16, #tpu.memory_space<vmem>>) target(%dma_start3A_145 : memref<40x128xbf16, #tpu.memory_space<vmem_shared>>) target_semaphore(%run_scoped3A : memref<!tpu.dma_semaphore, #tpu.memory_space<semaphore_mem>>)
      %dma_wait3A = arith.constant 0 : i32
      %dma_wait3A_146 = tpu.memref_slice %arg10[%add3A_62, %dma_wait3A] : memref<10240x128xbf16, #tpu.memory_space<vmem_shared>> -> memref<40x128xbf16, #tpu.memory_space<vmem_shared>>
      %dma_wait3A_147 = arith.constant 0 : i32
      %dma_wait3A_148 = tpu.memref_slice %arg10[%add3A_62, %dma_wait3A_147] : memref<10240x128xbf16, #tpu.memory_space<vmem_shared>> -> memref<40x128xbf16, #tpu.memory_space<vmem_shared>>
      tpu.wait_dma2 semaphore(%run_scoped3A : memref<!tpu.dma_semaphore, #tpu.memory_space<semaphore_mem>>) src(%arg9 : memref<40x128xbf16, #tpu.memory_space<vmem>>) dst(%dma_wait3A_148 : memref<40x128xbf16, #tpu.memory_space<vmem_shared>>)
      tpu.yield
    }) : () -> ()
    %mul3A_63 = arith.constant 640 : i32
    %mul3A_64 = arith.muli %arg1, %mul3A_63 : i32
    %add3A_65 = arith.constant 560 : i32
    %add3A_66 = arith.addi %mul3A_64, %add3A_65 : i32
    "tpu.region"() ({
      %run_scoped3A = tpu.sem_alloc : memref<!tpu.dma_semaphore, #tpu.memory_space<semaphore_mem>>
      %dma_start3A_142 = arith.constant 0 : i32
      %dma_start3A_143 = tpu.memref_slice %arg10[%add3A_66, %dma_start3A_142] : memref<10240x128xbf16, #tpu.memory_space<vmem_shared>> -> memref<40x128xbf16, #tpu.memory_space<vmem_shared>>
      %dma_start3A_144 = arith.constant 0 : i32
      %dma_start3A_145 = tpu.memref_slice %arg10[%add3A_66, %dma_start3A_144] : memref<10240x128xbf16, #tpu.memory_space<vmem_shared>> -> memref<40x128xbf16, #tpu.memory_space<vmem_shared>>
      tpu.enqueue_dma source(%arg9 : memref<40x128xbf16, #tpu.memory_space<vmem>>) target(%dma_start3A_145 : memref<40x128xbf16, #tpu.memory_space<vmem_shared>>) target_semaphore(%run_scoped3A : memref<!tpu.dma_semaphore, #tpu.memory_space<semaphore_mem>>)
      %dma_wait3A = arith.constant 0 : i32
      %dma_wait3A_146 = tpu.memref_slice %arg10[%add3A_66, %dma_wait3A] : memref<10240x128xbf16, #tpu.memory_space<vmem_shared>> -> memref<40x128xbf16, #tpu.memory_space<vmem_shared>>
      %dma_wait3A_147 = arith.constant 0 : i32
      %dma_wait3A_148 = tpu.memref_slice %arg10[%add3A_66, %dma_wait3A_147] : memref<10240x128xbf16, #tpu.memory_space<vmem_shared>> -> memref<40x128xbf16, #tpu.memory_space<vmem_shared>>
      tpu.wait_dma2 semaphore(%run_scoped3A : memref<!tpu.dma_semaphore, #tpu.memory_space<semaphore_mem>>) src(%arg9 : memref<40x128xbf16, #tpu.memory_space<vmem>>) dst(%dma_wait3A_148 : memref<40x128xbf16, #tpu.memory_space<vmem_shared>>)
      tpu.yield
    }) : () -> ()
    %mul3A_67 = arith.constant 640 : i32
    %mul3A_68 = arith.muli %arg1, %mul3A_67 : i32
    %add3A_69 = arith.constant 600 : i32
    %add3A_70 = arith.addi %mul3A_68, %add3A_69 : i32
    "tpu.region"() ({
      %run_scoped3A = tpu.sem_alloc : memref<!tpu.dma_semaphore, #tpu.memory_space<semaphore_mem>>
      %dma_start3A_142 = arith.constant 0 : i32
      %dma_start3A_143 = tpu.memref_slice %arg10[%add3A_70, %dma_start3A_142] : memref<10240x128xbf16, #tpu.memory_space<vmem_shared>> -> memref<40x128xbf16, #tpu.memory_space<vmem_shared>>
      %dma_start3A_144 = arith.constant 0 : i32
      %dma_start3A_145 = tpu.memref_slice %arg10[%add3A_70, %dma_start3A_144] : memref<10240x128xbf16, #tpu.memory_space<vmem_shared>> -> memref<40x128xbf16, #tpu.memory_space<vmem_shared>>
      tpu.enqueue_dma source(%arg9 : memref<40x128xbf16, #tpu.memory_space<vmem>>) target(%dma_start3A_145 : memref<40x128xbf16, #tpu.memory_space<vmem_shared>>) target_semaphore(%run_scoped3A : memref<!tpu.dma_semaphore, #tpu.memory_space<semaphore_mem>>)
      %dma_wait3A = arith.constant 0 : i32
      %dma_wait3A_146 = tpu.memref_slice %arg10[%add3A_70, %dma_wait3A] : memref<10240x128xbf16, #tpu.memory_space<vmem_shared>> -> memref<40x128xbf16, #tpu.memory_space<vmem_shared>>
      %dma_wait3A_147 = arith.constant 0 : i32
      %dma_wait3A_148 = tpu.memref_slice %arg10[%add3A_70, %dma_wait3A_147] : memref<10240x128xbf16, #tpu.memory_space<vmem_shared>> -> memref<40x128xbf16, #tpu.memory_space<vmem_shared>>
      tpu.wait_dma2 semaphore(%run_scoped3A : memref<!tpu.dma_semaphore, #tpu.memory_space<semaphore_mem>>) src(%arg9 : memref<40x128xbf16, #tpu.memory_space<vmem>>) dst(%dma_wait3A_148 : memref<40x128xbf16, #tpu.memory_space<vmem_shared>>)
      tpu.yield
    }) : () -> ()
    "tpu.region"() ({
      %run_scoped3A = tpu.sem_alloc : memref<!tpu.dma_semaphore, #tpu.memory_space<semaphore_mem>>
      %dma_start3A_142 = arith.constant 0 : i32
      %dma_start3A_143 = arith.constant 0 : i32
      %dma_start3A_144 = tpu.memref_slice %arg3[%add3A, %dma_start3A_142, %dma_start3A_143] : memref<32x125x80xi32, #tpu.memory_space<hbm>> -> memref<1x125x80xi32, #tpu.memory_space<hbm>>
      %dma_start3A_145 = tpu.memref_squeeze %dma_start3A_144 : memref<1x125x80xi32, #tpu.memory_space<hbm>> -> memref<125x80xi32, #tpu.memory_space<hbm>>
      %dma_start3A_146 = arith.constant 0 : i32
      %dma_start3A_147 = arith.constant 0 : i32
      %dma_start3A_148 = tpu.memref_slice %arg3[%add3A, %dma_start3A_146, %dma_start3A_147] : memref<32x125x80xi32, #tpu.memory_space<hbm>> -> memref<1x125x80xi32, #tpu.memory_space<hbm>>
      %dma_start3A_149 = tpu.memref_squeeze %dma_start3A_148 : memref<1x125x80xi32, #tpu.memory_space<hbm>> -> memref<125x80xi32, #tpu.memory_space<hbm>>
      tpu.enqueue_dma source(%dma_start3A_149 : memref<125x80xi32, #tpu.memory_space<hbm>>) target(%arg6 : memref<125x80xi32, #tpu.memory_space<vmem>>) target_semaphore(%run_scoped3A : memref<!tpu.dma_semaphore, #tpu.memory_space<semaphore_mem>>)
      %dma_wait3A = arith.constant 0 : i32
      %dma_wait3A_150 = arith.constant 0 : i32
      %dma_wait3A_151 = tpu.memref_slice %arg3[%add3A, %dma_wait3A, %dma_wait3A_150] : memref<32x125x80xi32, #tpu.memory_space<hbm>> -> memref<1x125x80xi32, #tpu.memory_space<hbm>>
      %dma_wait3A_152 = tpu.memref_squeeze %dma_wait3A_151 : memref<1x125x80xi32, #tpu.memory_space<hbm>> -> memref<125x80xi32, #tpu.memory_space<hbm>>
      %dma_wait3A_153 = arith.constant 0 : i32
      %dma_wait3A_154 = arith.constant 0 : i32
      %dma_wait3A_155 = tpu.memref_slice %arg3[%add3A, %dma_wait3A_153, %dma_wait3A_154] : memref<32x125x80xi32, #tpu.memory_space<hbm>> -> memref<1x125x80xi32, #tpu.memory_space<hbm>>
      %dma_wait3A_156 = tpu.memref_squeeze %dma_wait3A_155 : memref<1x125x80xi32, #tpu.memory_space<hbm>> -> memref<125x80xi32, #tpu.memory_space<hbm>>
      tpu.wait_dma2 semaphore(%run_scoped3A : memref<!tpu.dma_semaphore, #tpu.memory_space<semaphore_mem>>) src(%dma_wait3A_156 : memref<125x80xi32, #tpu.memory_space<hbm>>) dst(%arg6 : memref<125x80xi32, #tpu.memory_space<vmem>>)
      tpu.yield
    }) : () -> ()
    "tpu.region"() ({
      %run_scoped3A = tpu.sem_alloc : memref<!tpu.dma_semaphore, #tpu.memory_space<semaphore_mem>>
      %dma_start3A_142 = arith.constant 0 : i32
      %dma_start3A_143 = arith.constant 0 : i32
      %dma_start3A_144 = tpu.memref_slice %arg4[%add3A, %dma_start3A_142, %dma_start3A_143] : memref<32x125x80xi32, #tpu.memory_space<hbm>> -> memref<1x125x80xi32, #tpu.memory_space<hbm>>
      %dma_start3A_145 = tpu.memref_squeeze %dma_start3A_144 : memref<1x125x80xi32, #tpu.memory_space<hbm>> -> memref<125x80xi32, #tpu.memory_space<hbm>>
      %dma_start3A_146 = arith.constant 0 : i32
      %dma_start3A_147 = arith.constant 0 : i32
      %dma_start3A_148 = tpu.memref_slice %arg4[%add3A, %dma_start3A_146, %dma_start3A_147] : memref<32x125x80xi32, #tpu.memory_space<hbm>> -> memref<1x125x80xi32, #tpu.memory_space<hbm>>
      %dma_start3A_149 = tpu.memref_squeeze %dma_start3A_148 : memref<1x125x80xi32, #tpu.memory_space<hbm>> -> memref<125x80xi32, #tpu.memory_space<hbm>>
      tpu.enqueue_dma source(%dma_start3A_149 : memref<125x80xi32, #tpu.memory_space<hbm>>) target(%arg7 : memref<125x80xi32, #tpu.memory_space<vmem>>) target_semaphore(%run_scoped3A : memref<!tpu.dma_semaphore, #tpu.memory_space<semaphore_mem>>)
      %dma_wait3A = arith.constant 0 : i32
      %dma_wait3A_150 = arith.constant 0 : i32
      %dma_wait3A_151 = tpu.memref_slice %arg4[%add3A, %dma_wait3A, %dma_wait3A_150] : memref<32x125x80xi32, #tpu.memory_space<hbm>> -> memref<1x125x80xi32, #tpu.memory_space<hbm>>
      %dma_wait3A_152 = tpu.memref_squeeze %dma_wait3A_151 : memref<1x125x80xi32, #tpu.memory_space<hbm>> -> memref<125x80xi32, #tpu.memory_space<hbm>>
      %dma_wait3A_153 = arith.constant 0 : i32
      %dma_wait3A_154 = arith.constant 0 : i32
      %dma_wait3A_155 = tpu.memref_slice %arg4[%add3A, %dma_wait3A_153, %dma_wait3A_154] : memref<32x125x80xi32, #tpu.memory_space<hbm>> -> memref<1x125x80xi32, #tpu.memory_space<hbm>>
      %dma_wait3A_156 = tpu.memref_squeeze %dma_wait3A_155 : memref<1x125x80xi32, #tpu.memory_space<hbm>> -> memref<125x80xi32, #tpu.memory_space<hbm>>
      tpu.wait_dma2 semaphore(%run_scoped3A : memref<!tpu.dma_semaphore, #tpu.memory_space<semaphore_mem>>) src(%dma_wait3A_156 : memref<125x80xi32, #tpu.memory_space<hbm>>) dst(%arg7 : memref<125x80xi32, #tpu.memory_space<vmem>>)
      tpu.yield
    }) : () -> ()
    %dma_start3A = arith.constant 0 : i32
    %dma_start3A_71 = arith.constant 0 : i32
    %dma_start3A_72 = arith.constant 0 : i32
    %dma_start3A_73 = arith.constant 0 : i32
    %dma_start3A_74 = tpu.memref_slice %arg8[%dma_start3A_71, %dma_start3A_72, %dma_start3A_73] : memref<5x80x128xbf16, #tpu.memory_space<vmem>> -> memref<1x80x128xbf16, #tpu.memory_space<vmem>>
    %dma_start3A_75 = tpu.memref_squeeze %dma_start3A_74 : memref<1x80x128xbf16, #tpu.memory_space<vmem>> -> memref<80x128xbf16, #tpu.memory_space<vmem>>
    %dma_start3A_76 = arith.constant 0 : i32
    %dma_start3A_77 = tpu.memref_slice %arg6[%dma_start3A, %dma_start3A_76] : memref<125x80xi32, #tpu.memory_space<vmem>> -> memref<1x80xi32, #tpu.memory_space<vmem>>
    %dma_start3A_78 = tpu.memref_squeeze %dma_start3A_77 : memref<1x80xi32, #tpu.memory_space<vmem>> -> memref<80xi32, #tpu.memory_space<vmem>>
    %dma_start3A_79 = arith.constant 0 : i32
    %dma_start3A_80 = arith.constant 0 : i32
    %dma_start3A_81 = tpu.memref_slice %arg2[%dma_start3A_79, %dma_start3A_80] : memref<10240x128xbf16, #tpu.memory_space<hbm>> -> memref<10240x128xbf16, #tpu.memory_space<hbm>>
    tpu.enqueue_indirect_dma source(%dma_start3A_81 : memref<10240x128xbf16, #tpu.memory_space<hbm>>) target(%dma_start3A_75 : memref<80x128xbf16, #tpu.memory_space<vmem>>) offsets(%dma_start3A_78 : memref<80xi32, #tpu.memory_space<vmem>>) semaphore(%arg11 : memref<!tpu.dma_semaphore, #tpu.memory_space<semaphore_mem>>)
    %dma_start3A_82 = arith.constant 1 : i32
    %dma_start3A_83 = arith.constant 1 : i32
    %dma_start3A_84 = arith.constant 0 : i32
    %dma_start3A_85 = arith.constant 0 : i32
    %dma_start3A_86 = tpu.memref_slice %arg8[%dma_start3A_83, %dma_start3A_84, %dma_start3A_85] : memref<5x80x128xbf16, #tpu.memory_space<vmem>> -> memref<1x80x128xbf16, #tpu.memory_space<vmem>>
    %dma_start3A_87 = tpu.memref_squeeze %dma_start3A_86 : memref<1x80x128xbf16, #tpu.memory_space<vmem>> -> memref<80x128xbf16, #tpu.memory_space<vmem>>
    %dma_start3A_88 = arith.constant 0 : i32
    %dma_start3A_89 = tpu.memref_slice %arg6[%dma_start3A_82, %dma_start3A_88] : memref<125x80xi32, #tpu.memory_space<vmem>> -> memref<1x80xi32, #tpu.memory_space<vmem>>
    %dma_start3A_90 = tpu.memref_squeeze %dma_start3A_89 : memref<1x80xi32, #tpu.memory_space<vmem>> -> memref<80xi32, #tpu.memory_space<vmem>>
    %dma_start3A_91 = arith.constant 0 : i32
    %dma_start3A_92 = arith.constant 0 : i32
    %dma_start3A_93 = tpu.memref_slice %arg2[%dma_start3A_91, %dma_start3A_92] : memref<10240x128xbf16, #tpu.memory_space<hbm>> -> memref<10240x128xbf16, #tpu.memory_space<hbm>>
    tpu.enqueue_indirect_dma source(%dma_start3A_93 : memref<10240x128xbf16, #tpu.memory_space<hbm>>) target(%dma_start3A_87 : memref<80x128xbf16, #tpu.memory_space<vmem>>) offsets(%dma_start3A_90 : memref<80xi32, #tpu.memory_space<vmem>>) semaphore(%arg12 : memref<!tpu.dma_semaphore, #tpu.memory_space<semaphore_mem>>)
    %dma_start3A_94 = arith.constant 2 : i32
    %dma_start3A_95 = arith.constant 2 : i32
    %dma_start3A_96 = arith.constant 0 : i32
    %dma_start3A_97 = arith.constant 0 : i32
    %dma_start3A_98 = tpu.memref_slice %arg8[%dma_start3A_95, %dma_start3A_96, %dma_start3A_97] : memref<5x80x128xbf16, #tpu.memory_space<vmem>> -> memref<1x80x128xbf16, #tpu.memory_space<vmem>>
    %dma_start3A_99 = tpu.memref_squeeze %dma_start3A_98 : memref<1x80x128xbf16, #tpu.memory_space<vmem>> -> memref<80x128xbf16, #tpu.memory_space<vmem>>
    %dma_start3A_100 = arith.constant 0 : i32
    %dma_start3A_101 = tpu.memref_slice %arg6[%dma_start3A_94, %dma_start3A_100] : memref<125x80xi32, #tpu.memory_space<vmem>> -> memref<1x80xi32, #tpu.memory_space<vmem>>
    %dma_start3A_102 = tpu.memref_squeeze %dma_start3A_101 : memref<1x80xi32, #tpu.memory_space<vmem>> -> memref<80xi32, #tpu.memory_space<vmem>>
    %dma_start3A_103 = arith.constant 0 : i32
    %dma_start3A_104 = arith.constant 0 : i32
    %dma_start3A_105 = tpu.memref_slice %arg2[%dma_start3A_103, %dma_start3A_104] : memref<10240x128xbf16, #tpu.memory_space<hbm>> -> memref<10240x128xbf16, #tpu.memory_space<hbm>>
    tpu.enqueue_indirect_dma source(%dma_start3A_105 : memref<10240x128xbf16, #tpu.memory_space<hbm>>) target(%dma_start3A_99 : memref<80x128xbf16, #tpu.memory_space<vmem>>) offsets(%dma_start3A_102 : memref<80xi32, #tpu.memory_space<vmem>>) semaphore(%arg13 : memref<!tpu.dma_semaphore, #tpu.memory_space<semaphore_mem>>)
    %dma_start3A_106 = arith.constant 3 : i32
    %dma_start3A_107 = arith.constant 3 : i32
    %dma_start3A_108 = arith.constant 0 : i32
    %dma_start3A_109 = arith.constant 0 : i32
    %dma_start3A_110 = tpu.memref_slice %arg8[%dma_start3A_107, %dma_start3A_108, %dma_start3A_109] : memref<5x80x128xbf16, #tpu.memory_space<vmem>> -> memref<1x80x128xbf16, #tpu.memory_space<vmem>>
    %dma_start3A_111 = tpu.memref_squeeze %dma_start3A_110 : memref<1x80x128xbf16, #tpu.memory_space<vmem>> -> memref<80x128xbf16, #tpu.memory_space<vmem>>
    %dma_start3A_112 = arith.constant 0 : i32
    %dma_start3A_113 = tpu.memref_slice %arg6[%dma_start3A_106, %dma_start3A_112] : memref<125x80xi32, #tpu.memory_space<vmem>> -> memref<1x80xi32, #tpu.memory_space<vmem>>
    %dma_start3A_114 = tpu.memref_squeeze %dma_start3A_113 : memref<1x80xi32, #tpu.memory_space<vmem>> -> memref<80xi32, #tpu.memory_space<vmem>>
    %dma_start3A_115 = arith.constant 0 : i32
    %dma_start3A_116 = arith.constant 0 : i32
    %dma_start3A_117 = tpu.memref_slice %arg2[%dma_start3A_115, %dma_start3A_116] : memref<10240x128xbf16, #tpu.memory_space<hbm>> -> memref<10240x128xbf16, #tpu.memory_space<hbm>>
    tpu.enqueue_indirect_dma source(%dma_start3A_117 : memref<10240x128xbf16, #tpu.memory_space<hbm>>) target(%dma_start3A_111 : memref<80x128xbf16, #tpu.memory_space<vmem>>) offsets(%dma_start3A_114 : memref<80xi32, #tpu.memory_space<vmem>>) semaphore(%arg14 : memref<!tpu.dma_semaphore, #tpu.memory_space<semaphore_mem>>)
    %dma_start3A_118 = arith.constant 4 : i32
    %dma_start3A_119 = arith.constant 4 : i32
    %dma_start3A_120 = arith.constant 0 : i32
    %dma_start3A_121 = arith.constant 0 : i32
    %dma_start3A_122 = tpu.memref_slice %arg8[%dma_start3A_119, %dma_start3A_120, %dma_start3A_121] : memref<5x80x128xbf16, #tpu.memory_space<vmem>> -> memref<1x80x128xbf16, #tpu.memory_space<vmem>>
    %dma_start3A_123 = tpu.memref_squeeze %dma_start3A_122 : memref<1x80x128xbf16, #tpu.memory_space<vmem>> -> memref<80x128xbf16, #tpu.memory_space<vmem>>
    %dma_start3A_124 = arith.constant 0 : i32
    %dma_start3A_125 = tpu.memref_slice %arg6[%dma_start3A_118, %dma_start3A_124] : memref<125x80xi32, #tpu.memory_space<vmem>> -> memref<1x80xi32, #tpu.memory_space<vmem>>
    %dma_start3A_126 = tpu.memref_squeeze %dma_start3A_125 : memref<1x80xi32, #tpu.memory_space<vmem>> -> memref<80xi32, #tpu.memory_space<vmem>>
    %dma_start3A_127 = arith.constant 0 : i32
    %dma_start3A_128 = arith.constant 0 : i32
    %dma_start3A_129 = tpu.memref_slice %arg2[%dma_start3A_127, %dma_start3A_128] : memref<10240x128xbf16, #tpu.memory_space<hbm>> -> memref<10240x128xbf16, #tpu.memory_space<hbm>>
    tpu.enqueue_indirect_dma source(%dma_start3A_129 : memref<10240x128xbf16, #tpu.memory_space<hbm>>) target(%dma_start3A_123 : memref<80x128xbf16, #tpu.memory_space<vmem>>) offsets(%dma_start3A_126 : memref<80xi32, #tpu.memory_space<vmem>>) semaphore(%arg15 : memref<!tpu.dma_semaphore, #tpu.memory_space<semaphore_mem>>)
    %barrier3A = arith.constant 0 : index
    tpu.barrier barrier_id(%barrier3A)
    %scan3A_130 = arith.constant 0 : i32
    %scan3A_131 = arith.constant 0 : i32
    %scan3A_132 = arith.constant 25 : i32
    %scan3A_133 = arith.addi %scan3A_131, %scan3A_132 : i32
    %scan3A_134 = arith.constant 1 : i32
    %scan3A_135 = scf.for %scan3A_142 = %scan3A_131 to %scan3A_133 step %scan3A_134 iter_args(%scan3A_143 = %scan3A_130) -> (i32)  : i32 {
      %mul3A_144 = arith.constant 5 : i32
      %mul3A_145 = arith.muli %scan3A_142, %mul3A_144 : i32
      %add3A_146 = arith.constant 0 : i32
      %add3A_147 = arith.addi %mul3A_145, %add3A_146 : i32
      %dma_wait3A = arith.constant 0 : i32
      %dma_wait3A_148 = arith.constant 0 : i32
      %dma_wait3A_149 = arith.constant 0 : i32
      %dma_wait3A_150 = tpu.memref_slice %arg8[%dma_wait3A, %dma_wait3A_148, %dma_wait3A_149] : memref<5x80x128xbf16, #tpu.memory_space<vmem>> -> memref<1x80x128xbf16, #tpu.memory_space<vmem>>
      %dma_wait3A_151 = tpu.memref_squeeze %dma_wait3A_150 : memref<1x80x128xbf16, #tpu.memory_space<vmem>> -> memref<80x128xbf16, #tpu.memory_space<vmem>>
      %dma_wait3A_152 = arith.constant 0 : i32
      %dma_wait3A_153 = tpu.memref_slice %arg6[%add3A_147, %dma_wait3A_152] : memref<125x80xi32, #tpu.memory_space<vmem>> -> memref<1x80xi32, #tpu.memory_space<vmem>>
      %dma_wait3A_154 = tpu.memref_squeeze %dma_wait3A_153 : memref<1x80xi32, #tpu.memory_space<vmem>> -> memref<80xi32, #tpu.memory_space<vmem>>
      %dma_wait3A_155 = arith.constant 0 : i32
      %dma_wait3A_156 = arith.constant 0 : i32
      %dma_wait3A_157 = tpu.memref_slice %arg2[%dma_wait3A_155, %dma_wait3A_156] : memref<10240x128xbf16, #tpu.memory_space<hbm>> -> memref<10240x128xbf16, #tpu.memory_space<hbm>>
      tpu.wait_indirect_dma semaphore(%arg11 : memref<!tpu.dma_semaphore, #tpu.memory_space<semaphore_mem>>) src(%dma_wait3A_157 : memref<10240x128xbf16, #tpu.memory_space<hbm>>) dst(%dma_wait3A_151 : memref<80x128xbf16, #tpu.memory_space<vmem>>)
      %run_scoped3A = arith.constant 0 : i32
      "tpu.region"() ({
        %run_scoped3A_255 = tpu.sem_alloc : memref<!tpu.dma_semaphore, #tpu.memory_space<semaphore_mem>>
        %dma_start3A_256 = arith.constant 0 : i32
        %dma_start3A_257 = arith.constant 0 : i32
        %dma_start3A_258 = tpu.memref_slice %arg8[%run_scoped3A, %dma_start3A_256, %dma_start3A_257] : memref<5x80x128xbf16, #tpu.memory_space<vmem>> -> memref<1x80x128xbf16, #tpu.memory_space<vmem>>
        %dma_start3A_259 = tpu.memref_squeeze %dma_start3A_258 : memref<1x80x128xbf16, #tpu.memory_space<vmem>> -> memref<80x128xbf16, #tpu.memory_space<vmem>>
        %dma_start3A_260 = arith.constant 0 : i32
        %dma_start3A_261 = tpu.memref_slice %arg7[%add3A_147, %dma_start3A_260] : memref<125x80xi32, #tpu.memory_space<vmem>> -> memref<1x80xi32, #tpu.memory_space<vmem>>
        %dma_start3A_262 = tpu.memref_squeeze %dma_start3A_261 : memref<1x80xi32, #tpu.memory_space<vmem>> -> memref<80xi32, #tpu.memory_space<vmem>>
        %dma_start3A_263 = arith.constant 0 : i32
        %dma_start3A_264 = arith.constant 0 : i32
        %dma_start3A_265 = tpu.memref_slice %arg10[%dma_start3A_263, %dma_start3A_264] : memref<10240x128xbf16, #tpu.memory_space<vmem_shared>> -> memref<10240x128xbf16, #tpu.memory_space<vmem_shared>>
        tpu.enqueue_indirect_dma source(%dma_start3A_259 : memref<80x128xbf16, #tpu.memory_space<vmem>>) target(%dma_start3A_265 : memref<10240x128xbf16, #tpu.memory_space<vmem_shared>>) offsets(%dma_start3A_262 : memref<80xi32, #tpu.memory_space<vmem>>) semaphore(%run_scoped3A_255 : memref<!tpu.dma_semaphore, #tpu.memory_space<semaphore_mem>>) {add = true}
        %dma_wait3A_266 = arith.constant 0 : i32
        %dma_wait3A_267 = arith.constant 0 : i32
        %dma_wait3A_268 = tpu.memref_slice %arg8[%run_scoped3A, %dma_wait3A_266, %dma_wait3A_267] : memref<5x80x128xbf16, #tpu.memory_space<vmem>> -> memref<1x80x128xbf16, #tpu.memory_space<vmem>>
        %dma_wait3A_269 = tpu.memref_squeeze %dma_wait3A_268 : memref<1x80x128xbf16, #tpu.memory_space<vmem>> -> memref<80x128xbf16, #tpu.memory_space<vmem>>
        %dma_wait3A_270 = arith.constant 0 : i32
        %dma_wait3A_271 = tpu.memref_slice %arg7[%add3A_147, %dma_wait3A_270] : memref<125x80xi32, #tpu.memory_space<vmem>> -> memref<1x80xi32, #tpu.memory_space<vmem>>
        %dma_wait3A_272 = tpu.memref_squeeze %dma_wait3A_271 : memref<1x80xi32, #tpu.memory_space<vmem>> -> memref<80xi32, #tpu.memory_space<vmem>>
        %dma_wait3A_273 = arith.constant 0 : i32
        %dma_wait3A_274 = arith.constant 0 : i32
        %dma_wait3A_275 = tpu.memref_slice %arg10[%dma_wait3A_273, %dma_wait3A_274] : memref<10240x128xbf16, #tpu.memory_space<vmem_shared>> -> memref<10240x128xbf16, #tpu.memory_space<vmem_shared>>
        tpu.wait_indirect_dma semaphore(%run_scoped3A_255 : memref<!tpu.dma_semaphore, #tpu.memory_space<semaphore_mem>>) src(%dma_wait3A_269 : memref<80x128xbf16, #tpu.memory_space<vmem>>) dst(%dma_wait3A_275 : memref<10240x128xbf16, #tpu.memory_space<vmem_shared>>)
        tpu.yield
      }) : () -> ()
      %add3A_158 = arith.constant 5 : i32
      %add3A_159 = arith.addi %add3A_147, %add3A_158 : i32
      %lt3A = arith.constant 125 : i32
      %lt3A_160 = arith.cmpi slt, %add3A_159, %lt3A : i32
      %convert_element_type3A = arith.extui %lt3A_160 : i1 to i32
      %cond3A = arith.constant 0 : i32
      %cond3A_161 = arith.cmpi ne, %convert_element_type3A, %cond3A : i32
      scf.if %cond3A_161 {
        %dma_start3A_255 = arith.constant 0 : i32
        %dma_start3A_256 = arith.constant 0 : i32
        %dma_start3A_257 = arith.constant 0 : i32
        %dma_start3A_258 = tpu.memref_slice %arg8[%dma_start3A_255, %dma_start3A_256, %dma_start3A_257] : memref<5x80x128xbf16, #tpu.memory_space<vmem>> -> memref<1x80x128xbf16, #tpu.memory_space<vmem>>
        %dma_start3A_259 = tpu.memref_squeeze %dma_start3A_258 : memref<1x80x128xbf16, #tpu.memory_space<vmem>> -> memref<80x128xbf16, #tpu.memory_space<vmem>>
        %dma_start3A_260 = arith.constant 0 : i32
        %dma_start3A_261 = tpu.memref_slice %arg6[%add3A_159, %dma_start3A_260] : memref<125x80xi32, #tpu.memory_space<vmem>> -> memref<1x80xi32, #tpu.memory_space<vmem>>
        %dma_start3A_262 = tpu.memref_squeeze %dma_start3A_261 : memref<1x80xi32, #tpu.memory_space<vmem>> -> memref<80xi32, #tpu.memory_space<vmem>>
        %dma_start3A_263 = arith.constant 0 : i32
        %dma_start3A_264 = arith.constant 0 : i32
        %dma_start3A_265 = tpu.memref_slice %arg2[%dma_start3A_263, %dma_start3A_264] : memref<10240x128xbf16, #tpu.memory_space<hbm>> -> memref<10240x128xbf16, #tpu.memory_space<hbm>>
        tpu.enqueue_indirect_dma source(%dma_start3A_265 : memref<10240x128xbf16, #tpu.memory_space<hbm>>) target(%dma_start3A_259 : memref<80x128xbf16, #tpu.memory_space<vmem>>) offsets(%dma_start3A_262 : memref<80xi32, #tpu.memory_space<vmem>>) semaphore(%arg11 : memref<!tpu.dma_semaphore, #tpu.memory_space<semaphore_mem>>)
      } else {
      }
      %mul3A_162 = arith.constant 5 : i32
      %mul3A_163 = arith.muli %scan3A_142, %mul3A_162 : i32
      %add3A_164 = arith.constant 1 : i32
      %add3A_165 = arith.addi %mul3A_163, %add3A_164 : i32
      %dma_wait3A_166 = arith.constant 1 : i32
      %dma_wait3A_167 = arith.constant 0 : i32
      %dma_wait3A_168 = arith.constant 0 : i32
      %dma_wait3A_169 = tpu.memref_slice %arg8[%dma_wait3A_166, %dma_wait3A_167, %dma_wait3A_168] : memref<5x80x128xbf16, #tpu.memory_space<vmem>> -> memref<1x80x128xbf16, #tpu.memory_space<vmem>>
      %dma_wait3A_170 = tpu.memref_squeeze %dma_wait3A_169 : memref<1x80x128xbf16, #tpu.memory_space<vmem>> -> memref<80x128xbf16, #tpu.memory_space<vmem>>
      %dma_wait3A_171 = arith.constant 0 : i32
      %dma_wait3A_172 = tpu.memref_slice %arg6[%add3A_165, %dma_wait3A_171] : memref<125x80xi32, #tpu.memory_space<vmem>> -> memref<1x80xi32, #tpu.memory_space<vmem>>
      %dma_wait3A_173 = tpu.memref_squeeze %dma_wait3A_172 : memref<1x80xi32, #tpu.memory_space<vmem>> -> memref<80xi32, #tpu.memory_space<vmem>>
      %dma_wait3A_174 = arith.constant 0 : i32
      %dma_wait3A_175 = arith.constant 0 : i32
      %dma_wait3A_176 = tpu.memref_slice %arg2[%dma_wait3A_174, %dma_wait3A_175] : memref<10240x128xbf16, #tpu.memory_space<hbm>> -> memref<10240x128xbf16, #tpu.memory_space<hbm>>
      tpu.wait_indirect_dma semaphore(%arg12 : memref<!tpu.dma_semaphore, #tpu.memory_space<semaphore_mem>>) src(%dma_wait3A_176 : memref<10240x128xbf16, #tpu.memory_space<hbm>>) dst(%dma_wait3A_170 : memref<80x128xbf16, #tpu.memory_space<vmem>>)
      %run_scoped3A_177 = arith.constant 1 : i32
      "tpu.region"() ({
        %run_scoped3A_255 = tpu.sem_alloc : memref<!tpu.dma_semaphore, #tpu.memory_space<semaphore_mem>>
        %dma_start3A_256 = arith.constant 0 : i32
        %dma_start3A_257 = arith.constant 0 : i32
        %dma_start3A_258 = tpu.memref_slice %arg8[%run_scoped3A_177, %dma_start3A_256, %dma_start3A_257] : memref<5x80x128xbf16, #tpu.memory_space<vmem>> -> memref<1x80x128xbf16, #tpu.memory_space<vmem>>
        %dma_start3A_259 = tpu.memref_squeeze %dma_start3A_258 : memref<1x80x128xbf16, #tpu.memory_space<vmem>> -> memref<80x128xbf16, #tpu.memory_space<vmem>>
        %dma_start3A_260 = arith.constant 0 : i32
        %dma_start3A_261 = tpu.memref_slice %arg7[%add3A_165, %dma_start3A_260] : memref<125x80xi32, #tpu.memory_space<vmem>> -> memref<1x80xi32, #tpu.memory_space<vmem>>
        %dma_start3A_262 = tpu.memref_squeeze %dma_start3A_261 : memref<1x80xi32, #tpu.memory_space<vmem>> -> memref<80xi32, #tpu.memory_space<vmem>>
        %dma_start3A_263 = arith.constant 0 : i32
        %dma_start3A_264 = arith.constant 0 : i32
        %dma_start3A_265 = tpu.memref_slice %arg10[%dma_start3A_263, %dma_start3A_264] : memref<10240x128xbf16, #tpu.memory_space<vmem_shared>> -> memref<10240x128xbf16, #tpu.memory_space<vmem_shared>>
        tpu.enqueue_indirect_dma source(%dma_start3A_259 : memref<80x128xbf16, #tpu.memory_space<vmem>>) target(%dma_start3A_265 : memref<10240x128xbf16, #tpu.memory_space<vmem_shared>>) offsets(%dma_start3A_262 : memref<80xi32, #tpu.memory_space<vmem>>) semaphore(%run_scoped3A_255 : memref<!tpu.dma_semaphore, #tpu.memory_space<semaphore_mem>>) {add = true}
        %dma_wait3A_266 = arith.constant 0 : i32
        %dma_wait3A_267 = arith.constant 0 : i32
        %dma_wait3A_268 = tpu.memref_slice %arg8[%run_scoped3A_177, %dma_wait3A_266, %dma_wait3A_267] : memref<5x80x128xbf16, #tpu.memory_space<vmem>> -> memref<1x80x128xbf16, #tpu.memory_space<vmem>>
        %dma_wait3A_269 = tpu.memref_squeeze %dma_wait3A_268 : memref<1x80x128xbf16, #tpu.memory_space<vmem>> -> memref<80x128xbf16, #tpu.memory_space<vmem>>
        %dma_wait3A_270 = arith.constant 0 : i32
        %dma_wait3A_271 = tpu.memref_slice %arg7[%add3A_165, %dma_wait3A_270] : memref<125x80xi32, #tpu.memory_space<vmem>> -> memref<1x80xi32, #tpu.memory_space<vmem>>
        %dma_wait3A_272 = tpu.memref_squeeze %dma_wait3A_271 : memref<1x80xi32, #tpu.memory_space<vmem>> -> memref<80xi32, #tpu.memory_space<vmem>>
        %dma_wait3A_273 = arith.constant 0 : i32
        %dma_wait3A_274 = arith.constant 0 : i32
        %dma_wait3A_275 = tpu.memref_slice %arg10[%dma_wait3A_273, %dma_wait3A_274] : memref<10240x128xbf16, #tpu.memory_space<vmem_shared>> -> memref<10240x128xbf16, #tpu.memory_space<vmem_shared>>
        tpu.wait_indirect_dma semaphore(%run_scoped3A_255 : memref<!tpu.dma_semaphore, #tpu.memory_space<semaphore_mem>>) src(%dma_wait3A_269 : memref<80x128xbf16, #tpu.memory_space<vmem>>) dst(%dma_wait3A_275 : memref<10240x128xbf16, #tpu.memory_space<vmem_shared>>)
        tpu.yield
      }) : () -> ()
      %add3A_178 = arith.constant 5 : i32
      %add3A_179 = arith.addi %add3A_165, %add3A_178 : i32
      %lt3A_180 = arith.constant 125 : i32
      %lt3A_181 = arith.cmpi slt, %add3A_179, %lt3A_180 : i32
      %convert_element_type3A_182 = arith.extui %lt3A_181 : i1 to i32
      %cond3A_183 = arith.constant 0 : i32
      %cond3A_184 = arith.cmpi ne, %convert_element_type3A_182, %cond3A_183 : i32
      scf.if %cond3A_184 {
        %dma_start3A_255 = arith.constant 1 : i32
        %dma_start3A_256 = arith.constant 0 : i32
        %dma_start3A_257 = arith.constant 0 : i32
        %dma_start3A_258 = tpu.memref_slice %arg8[%dma_start3A_255, %dma_start3A_256, %dma_start3A_257] : memref<5x80x128xbf16, #tpu.memory_space<vmem>> -> memref<1x80x128xbf16, #tpu.memory_space<vmem>>
        %dma_start3A_259 = tpu.memref_squeeze %dma_start3A_258 : memref<1x80x128xbf16, #tpu.memory_space<vmem>> -> memref<80x128xbf16, #tpu.memory_space<vmem>>
        %dma_start3A_260 = arith.constant 0 : i32
        %dma_start3A_261 = tpu.memref_slice %arg6[%add3A_179, %dma_start3A_260] : memref<125x80xi32, #tpu.memory_space<vmem>> -> memref<1x80xi32, #tpu.memory_space<vmem>>
        %dma_start3A_262 = tpu.memref_squeeze %dma_start3A_261 : memref<1x80xi32, #tpu.memory_space<vmem>> -> memref<80xi32, #tpu.memory_space<vmem>>
        %dma_start3A_263 = arith.constant 0 : i32
        %dma_start3A_264 = arith.constant 0 : i32
        %dma_start3A_265 = tpu.memref_slice %arg2[%dma_start3A_263, %dma_start3A_264] : memref<10240x128xbf16, #tpu.memory_space<hbm>> -> memref<10240x128xbf16, #tpu.memory_space<hbm>>
        tpu.enqueue_indirect_dma source(%dma_start3A_265 : memref<10240x128xbf16, #tpu.memory_space<hbm>>) target(%dma_start3A_259 : memref<80x128xbf16, #tpu.memory_space<vmem>>) offsets(%dma_start3A_262 : memref<80xi32, #tpu.memory_space<vmem>>) semaphore(%arg12 : memref<!tpu.dma_semaphore, #tpu.memory_space<semaphore_mem>>)
      } else {
      }
      %mul3A_185 = arith.constant 5 : i32
      %mul3A_186 = arith.muli %scan3A_142, %mul3A_185 : i32
      %add3A_187 = arith.constant 2 : i32
      %add3A_188 = arith.addi %mul3A_186, %add3A_187 : i32
      %dma_wait3A_189 = arith.constant 2 : i32
      %dma_wait3A_190 = arith.constant 0 : i32
      %dma_wait3A_191 = arith.constant 0 : i32
      %dma_wait3A_192 = tpu.memref_slice %arg8[%dma_wait3A_189, %dma_wait3A_190, %dma_wait3A_191] : memref<5x80x128xbf16, #tpu.memory_space<vmem>> -> memref<1x80x128xbf16, #tpu.memory_space<vmem>>
      %dma_wait3A_193 = tpu.memref_squeeze %dma_wait3A_192 : memref<1x80x128xbf16, #tpu.memory_space<vmem>> -> memref<80x128xbf16, #tpu.memory_space<vmem>>
      %dma_wait3A_194 = arith.constant 0 : i32
      %dma_wait3A_195 = tpu.memref_slice %arg6[%add3A_188, %dma_wait3A_194] : memref<125x80xi32, #tpu.memory_space<vmem>> -> memref<1x80xi32, #tpu.memory_space<vmem>>
      %dma_wait3A_196 = tpu.memref_squeeze %dma_wait3A_195 : memref<1x80xi32, #tpu.memory_space<vmem>> -> memref<80xi32, #tpu.memory_space<vmem>>
      %dma_wait3A_197 = arith.constant 0 : i32
      %dma_wait3A_198 = arith.constant 0 : i32
      %dma_wait3A_199 = tpu.memref_slice %arg2[%dma_wait3A_197, %dma_wait3A_198] : memref<10240x128xbf16, #tpu.memory_space<hbm>> -> memref<10240x128xbf16, #tpu.memory_space<hbm>>
      tpu.wait_indirect_dma semaphore(%arg13 : memref<!tpu.dma_semaphore, #tpu.memory_space<semaphore_mem>>) src(%dma_wait3A_199 : memref<10240x128xbf16, #tpu.memory_space<hbm>>) dst(%dma_wait3A_193 : memref<80x128xbf16, #tpu.memory_space<vmem>>)
      %run_scoped3A_200 = arith.constant 2 : i32
      "tpu.region"() ({
        %run_scoped3A_255 = tpu.sem_alloc : memref<!tpu.dma_semaphore, #tpu.memory_space<semaphore_mem>>
        %dma_start3A_256 = arith.constant 0 : i32
        %dma_start3A_257 = arith.constant 0 : i32
        %dma_start3A_258 = tpu.memref_slice %arg8[%run_scoped3A_200, %dma_start3A_256, %dma_start3A_257] : memref<5x80x128xbf16, #tpu.memory_space<vmem>> -> memref<1x80x128xbf16, #tpu.memory_space<vmem>>
        %dma_start3A_259 = tpu.memref_squeeze %dma_start3A_258 : memref<1x80x128xbf16, #tpu.memory_space<vmem>> -> memref<80x128xbf16, #tpu.memory_space<vmem>>
        %dma_start3A_260 = arith.constant 0 : i32
        %dma_start3A_261 = tpu.memref_slice %arg7[%add3A_188, %dma_start3A_260] : memref<125x80xi32, #tpu.memory_space<vmem>> -> memref<1x80xi32, #tpu.memory_space<vmem>>
        %dma_start3A_262 = tpu.memref_squeeze %dma_start3A_261 : memref<1x80xi32, #tpu.memory_space<vmem>> -> memref<80xi32, #tpu.memory_space<vmem>>
        %dma_start3A_263 = arith.constant 0 : i32
        %dma_start3A_264 = arith.constant 0 : i32
        %dma_start3A_265 = tpu.memref_slice %arg10[%dma_start3A_263, %dma_start3A_264] : memref<10240x128xbf16, #tpu.memory_space<vmem_shared>> -> memref<10240x128xbf16, #tpu.memory_space<vmem_shared>>
        tpu.enqueue_indirect_dma source(%dma_start3A_259 : memref<80x128xbf16, #tpu.memory_space<vmem>>) target(%dma_start3A_265 : memref<10240x128xbf16, #tpu.memory_space<vmem_shared>>) offsets(%dma_start3A_262 : memref<80xi32, #tpu.memory_space<vmem>>) semaphore(%run_scoped3A_255 : memref<!tpu.dma_semaphore, #tpu.memory_space<semaphore_mem>>) {add = true}
        %dma_wait3A_266 = arith.constant 0 : i32
        %dma_wait3A_267 = arith.constant 0 : i32
        %dma_wait3A_268 = tpu.memref_slice %arg8[%run_scoped3A_200, %dma_wait3A_266, %dma_wait3A_267] : memref<5x80x128xbf16, #tpu.memory_space<vmem>> -> memref<1x80x128xbf16, #tpu.memory_space<vmem>>
        %dma_wait3A_269 = tpu.memref_squeeze %dma_wait3A_268 : memref<1x80x128xbf16, #tpu.memory_space<vmem>> -> memref<80x128xbf16, #tpu.memory_space<vmem>>
        %dma_wait3A_270 = arith.constant 0 : i32
        %dma_wait3A_271 = tpu.memref_slice %arg7[%add3A_188, %dma_wait3A_270] : memref<125x80xi32, #tpu.memory_space<vmem>> -> memref<1x80xi32, #tpu.memory_space<vmem>>
        %dma_wait3A_272 = tpu.memref_squeeze %dma_wait3A_271 : memref<1x80xi32, #tpu.memory_space<vmem>> -> memref<80xi32, #tpu.memory_space<vmem>>
        %dma_wait3A_273 = arith.constant 0 : i32
        %dma_wait3A_274 = arith.constant 0 : i32
        %dma_wait3A_275 = tpu.memref_slice %arg10[%dma_wait3A_273, %dma_wait3A_274] : memref<10240x128xbf16, #tpu.memory_space<vmem_shared>> -> memref<10240x128xbf16, #tpu.memory_space<vmem_shared>>
        tpu.wait_indirect_dma semaphore(%run_scoped3A_255 : memref<!tpu.dma_semaphore, #tpu.memory_space<semaphore_mem>>) src(%dma_wait3A_269 : memref<80x128xbf16, #tpu.memory_space<vmem>>) dst(%dma_wait3A_275 : memref<10240x128xbf16, #tpu.memory_space<vmem_shared>>)
        tpu.yield
      }) : () -> ()
      %add3A_201 = arith.constant 5 : i32
      %add3A_202 = arith.addi %add3A_188, %add3A_201 : i32
      %lt3A_203 = arith.constant 125 : i32
      %lt3A_204 = arith.cmpi slt, %add3A_202, %lt3A_203 : i32
      %convert_element_type3A_205 = arith.extui %lt3A_204 : i1 to i32
      %cond3A_206 = arith.constant 0 : i32
      %cond3A_207 = arith.cmpi ne, %convert_element_type3A_205, %cond3A_206 : i32
      scf.if %cond3A_207 {
        %dma_start3A_255 = arith.constant 2 : i32
        %dma_start3A_256 = arith.constant 0 : i32
        %dma_start3A_257 = arith.constant 0 : i32
        %dma_start3A_258 = tpu.memref_slice %arg8[%dma_start3A_255, %dma_start3A_256, %dma_start3A_257] : memref<5x80x128xbf16, #tpu.memory_space<vmem>> -> memref<1x80x128xbf16, #tpu.memory_space<vmem>>
        %dma_start3A_259 = tpu.memref_squeeze %dma_start3A_258 : memref<1x80x128xbf16, #tpu.memory_space<vmem>> -> memref<80x128xbf16, #tpu.memory_space<vmem>>
        %dma_start3A_260 = arith.constant 0 : i32
        %dma_start3A_261 = tpu.memref_slice %arg6[%add3A_202, %dma_start3A_260] : memref<125x80xi32, #tpu.memory_space<vmem>> -> memref<1x80xi32, #tpu.memory_space<vmem>>
        %dma_start3A_262 = tpu.memref_squeeze %dma_start3A_261 : memref<1x80xi32, #tpu.memory_space<vmem>> -> memref<80xi32, #tpu.memory_space<vmem>>
        %dma_start3A_263 = arith.constant 0 : i32
        %dma_start3A_264 = arith.constant 0 : i32
        %dma_start3A_265 = tpu.memref_slice %arg2[%dma_start3A_263, %dma_start3A_264] : memref<10240x128xbf16, #tpu.memory_space<hbm>> -> memref<10240x128xbf16, #tpu.memory_space<hbm>>
        tpu.enqueue_indirect_dma source(%dma_start3A_265 : memref<10240x128xbf16, #tpu.memory_space<hbm>>) target(%dma_start3A_259 : memref<80x128xbf16, #tpu.memory_space<vmem>>) offsets(%dma_start3A_262 : memref<80xi32, #tpu.memory_space<vmem>>) semaphore(%arg13 : memref<!tpu.dma_semaphore, #tpu.memory_space<semaphore_mem>>)
      } else {
      }
      %mul3A_208 = arith.constant 5 : i32
      %mul3A_209 = arith.muli %scan3A_142, %mul3A_208 : i32
      %add3A_210 = arith.constant 3 : i32
      %add3A_211 = arith.addi %mul3A_209, %add3A_210 : i32
      %dma_wait3A_212 = arith.constant 3 : i32
      %dma_wait3A_213 = arith.constant 0 : i32
      %dma_wait3A_214 = arith.constant 0 : i32
      %dma_wait3A_215 = tpu.memref_slice %arg8[%dma_wait3A_212, %dma_wait3A_213, %dma_wait3A_214] : memref<5x80x128xbf16, #tpu.memory_space<vmem>> -> memref<1x80x128xbf16, #tpu.memory_space<vmem>>
      %dma_wait3A_216 = tpu.memref_squeeze %dma_wait3A_215 : memref<1x80x128xbf16, #tpu.memory_space<vmem>> -> memref<80x128xbf16, #tpu.memory_space<vmem>>
      %dma_wait3A_217 = arith.constant 0 : i32
      %dma_wait3A_218 = tpu.memref_slice %arg6[%add3A_211, %dma_wait3A_217] : memref<125x80xi32, #tpu.memory_space<vmem>> -> memref<1x80xi32, #tpu.memory_space<vmem>>
      %dma_wait3A_219 = tpu.memref_squeeze %dma_wait3A_218 : memref<1x80xi32, #tpu.memory_space<vmem>> -> memref<80xi32, #tpu.memory_space<vmem>>
      %dma_wait3A_220 = arith.constant 0 : i32
      %dma_wait3A_221 = arith.constant 0 : i32
      %dma_wait3A_222 = tpu.memref_slice %arg2[%dma_wait3A_220, %dma_wait3A_221] : memref<10240x128xbf16, #tpu.memory_space<hbm>> -> memref<10240x128xbf16, #tpu.memory_space<hbm>>
      tpu.wait_indirect_dma semaphore(%arg14 : memref<!tpu.dma_semaphore, #tpu.memory_space<semaphore_mem>>) src(%dma_wait3A_222 : memref<10240x128xbf16, #tpu.memory_space<hbm>>) dst(%dma_wait3A_216 : memref<80x128xbf16, #tpu.memory_space<vmem>>)
      %run_scoped3A_223 = arith.constant 3 : i32
      "tpu.region"() ({
        %run_scoped3A_255 = tpu.sem_alloc : memref<!tpu.dma_semaphore, #tpu.memory_space<semaphore_mem>>
        %dma_start3A_256 = arith.constant 0 : i32
        %dma_start3A_257 = arith.constant 0 : i32
        %dma_start3A_258 = tpu.memref_slice %arg8[%run_scoped3A_223, %dma_start3A_256, %dma_start3A_257] : memref<5x80x128xbf16, #tpu.memory_space<vmem>> -> memref<1x80x128xbf16, #tpu.memory_space<vmem>>
        %dma_start3A_259 = tpu.memref_squeeze %dma_start3A_258 : memref<1x80x128xbf16, #tpu.memory_space<vmem>> -> memref<80x128xbf16, #tpu.memory_space<vmem>>
        %dma_start3A_260 = arith.constant 0 : i32
        %dma_start3A_261 = tpu.memref_slice %arg7[%add3A_211, %dma_start3A_260] : memref<125x80xi32, #tpu.memory_space<vmem>> -> memref<1x80xi32, #tpu.memory_space<vmem>>
        %dma_start3A_262 = tpu.memref_squeeze %dma_start3A_261 : memref<1x80xi32, #tpu.memory_space<vmem>> -> memref<80xi32, #tpu.memory_space<vmem>>
        %dma_start3A_263 = arith.constant 0 : i32
        %dma_start3A_264 = arith.constant 0 : i32
        %dma_start3A_265 = tpu.memref_slice %arg10[%dma_start3A_263, %dma_start3A_264] : memref<10240x128xbf16, #tpu.memory_space<vmem_shared>> -> memref<10240x128xbf16, #tpu.memory_space<vmem_shared>>
        tpu.enqueue_indirect_dma source(%dma_start3A_259 : memref<80x128xbf16, #tpu.memory_space<vmem>>) target(%dma_start3A_265 : memref<10240x128xbf16, #tpu.memory_space<vmem_shared>>) offsets(%dma_start3A_262 : memref<80xi32, #tpu.memory_space<vmem>>) semaphore(%run_scoped3A_255 : memref<!tpu.dma_semaphore, #tpu.memory_space<semaphore_mem>>) {add = true}
        %dma_wait3A_266 = arith.constant 0 : i32
        %dma_wait3A_267 = arith.constant 0 : i32
        %dma_wait3A_268 = tpu.memref_slice %arg8[%run_scoped3A_223, %dma_wait3A_266, %dma_wait3A_267] : memref<5x80x128xbf16, #tpu.memory_space<vmem>> -> memref<1x80x128xbf16, #tpu.memory_space<vmem>>
        %dma_wait3A_269 = tpu.memref_squeeze %dma_wait3A_268 : memref<1x80x128xbf16, #tpu.memory_space<vmem>> -> memref<80x128xbf16, #tpu.memory_space<vmem>>
        %dma_wait3A_270 = arith.constant 0 : i32
        %dma_wait3A_271 = tpu.memref_slice %arg7[%add3A_211, %dma_wait3A_270] : memref<125x80xi32, #tpu.memory_space<vmem>> -> memref<1x80xi32, #tpu.memory_space<vmem>>
        %dma_wait3A_272 = tpu.memref_squeeze %dma_wait3A_271 : memref<1x80xi32, #tpu.memory_space<vmem>> -> memref<80xi32, #tpu.memory_space<vmem>>
        %dma_wait3A_273 = arith.constant 0 : i32
        %dma_wait3A_274 = arith.constant 0 : i32
        %dma_wait3A_275 = tpu.memref_slice %arg10[%dma_wait3A_273, %dma_wait3A_274] : memref<10240x128xbf16, #tpu.memory_space<vmem_shared>> -> memref<10240x128xbf16, #tpu.memory_space<vmem_shared>>
        tpu.wait_indirect_dma semaphore(%run_scoped3A_255 : memref<!tpu.dma_semaphore, #tpu.memory_space<semaphore_mem>>) src(%dma_wait3A_269 : memref<80x128xbf16, #tpu.memory_space<vmem>>) dst(%dma_wait3A_275 : memref<10240x128xbf16, #tpu.memory_space<vmem_shared>>)
        tpu.yield
      }) : () -> ()
      %add3A_224 = arith.constant 5 : i32
      %add3A_225 = arith.addi %add3A_211, %add3A_224 : i32
      %lt3A_226 = arith.constant 125 : i32
      %lt3A_227 = arith.cmpi slt, %add3A_225, %lt3A_226 : i32
      %convert_element_type3A_228 = arith.extui %lt3A_227 : i1 to i32
      %cond3A_229 = arith.constant 0 : i32
      %cond3A_230 = arith.cmpi ne, %convert_element_type3A_228, %cond3A_229 : i32
      scf.if %cond3A_230 {
        %dma_start3A_255 = arith.constant 3 : i32
        %dma_start3A_256 = arith.constant 0 : i32
        %dma_start3A_257 = arith.constant 0 : i32
        %dma_start3A_258 = tpu.memref_slice %arg8[%dma_start3A_255, %dma_start3A_256, %dma_start3A_257] : memref<5x80x128xbf16, #tpu.memory_space<vmem>> -> memref<1x80x128xbf16, #tpu.memory_space<vmem>>
        %dma_start3A_259 = tpu.memref_squeeze %dma_start3A_258 : memref<1x80x128xbf16, #tpu.memory_space<vmem>> -> memref<80x128xbf16, #tpu.memory_space<vmem>>
        %dma_start3A_260 = arith.constant 0 : i32
        %dma_start3A_261 = tpu.memref_slice %arg6[%add3A_225, %dma_start3A_260] : memref<125x80xi32, #tpu.memory_space<vmem>> -> memref<1x80xi32, #tpu.memory_space<vmem>>
        %dma_start3A_262 = tpu.memref_squeeze %dma_start3A_261 : memref<1x80xi32, #tpu.memory_space<vmem>> -> memref<80xi32, #tpu.memory_space<vmem>>
        %dma_start3A_263 = arith.constant 0 : i32
        %dma_start3A_264 = arith.constant 0 : i32
        %dma_start3A_265 = tpu.memref_slice %arg2[%dma_start3A_263, %dma_start3A_264] : memref<10240x128xbf16, #tpu.memory_space<hbm>> -> memref<10240x128xbf16, #tpu.memory_space<hbm>>
        tpu.enqueue_indirect_dma source(%dma_start3A_265 : memref<10240x128xbf16, #tpu.memory_space<hbm>>) target(%dma_start3A_259 : memref<80x128xbf16, #tpu.memory_space<vmem>>) offsets(%dma_start3A_262 : memref<80xi32, #tpu.memory_space<vmem>>) semaphore(%arg14 : memref<!tpu.dma_semaphore, #tpu.memory_space<semaphore_mem>>)
      } else {
      }
      %mul3A_231 = arith.constant 5 : i32
      %mul3A_232 = arith.muli %scan3A_142, %mul3A_231 : i32
      %add3A_233 = arith.constant 4 : i32
      %add3A_234 = arith.addi %mul3A_232, %add3A_233 : i32
      %dma_wait3A_235 = arith.constant 4 : i32
      %dma_wait3A_236 = arith.constant 0 : i32
      %dma_wait3A_237 = arith.constant 0 : i32
      %dma_wait3A_238 = tpu.memref_slice %arg8[%dma_wait3A_235, %dma_wait3A_236, %dma_wait3A_237] : memref<5x80x128xbf16, #tpu.memory_space<vmem>> -> memref<1x80x128xbf16, #tpu.memory_space<vmem>>
      %dma_wait3A_239 = tpu.memref_squeeze %dma_wait3A_238 : memref<1x80x128xbf16, #tpu.memory_space<vmem>> -> memref<80x128xbf16, #tpu.memory_space<vmem>>
      %dma_wait3A_240 = arith.constant 0 : i32
      %dma_wait3A_241 = tpu.memref_slice %arg6[%add3A_234, %dma_wait3A_240] : memref<125x80xi32, #tpu.memory_space<vmem>> -> memref<1x80xi32, #tpu.memory_space<vmem>>
      %dma_wait3A_242 = tpu.memref_squeeze %dma_wait3A_241 : memref<1x80xi32, #tpu.memory_space<vmem>> -> memref<80xi32, #tpu.memory_space<vmem>>
      %dma_wait3A_243 = arith.constant 0 : i32
      %dma_wait3A_244 = arith.constant 0 : i32
      %dma_wait3A_245 = tpu.memref_slice %arg2[%dma_wait3A_243, %dma_wait3A_244] : memref<10240x128xbf16, #tpu.memory_space<hbm>> -> memref<10240x128xbf16, #tpu.memory_space<hbm>>
      tpu.wait_indirect_dma semaphore(%arg15 : memref<!tpu.dma_semaphore, #tpu.memory_space<semaphore_mem>>) src(%dma_wait3A_245 : memref<10240x128xbf16, #tpu.memory_space<hbm>>) dst(%dma_wait3A_239 : memref<80x128xbf16, #tpu.memory_space<vmem>>)
      %run_scoped3A_246 = arith.constant 4 : i32
      "tpu.region"() ({
        %run_scoped3A_255 = tpu.sem_alloc : memref<!tpu.dma_semaphore, #tpu.memory_space<semaphore_mem>>
        %dma_start3A_256 = arith.constant 0 : i32
        %dma_start3A_257 = arith.constant 0 : i32
        %dma_start3A_258 = tpu.memref_slice %arg8[%run_scoped3A_246, %dma_start3A_256, %dma_start3A_257] : memref<5x80x128xbf16, #tpu.memory_space<vmem>> -> memref<1x80x128xbf16, #tpu.memory_space<vmem>>
        %dma_start3A_259 = tpu.memref_squeeze %dma_start3A_258 : memref<1x80x128xbf16, #tpu.memory_space<vmem>> -> memref<80x128xbf16, #tpu.memory_space<vmem>>
        %dma_start3A_260 = arith.constant 0 : i32
        %dma_start3A_261 = tpu.memref_slice %arg7[%add3A_234, %dma_start3A_260] : memref<125x80xi32, #tpu.memory_space<vmem>> -> memref<1x80xi32, #tpu.memory_space<vmem>>
        %dma_start3A_262 = tpu.memref_squeeze %dma_start3A_261 : memref<1x80xi32, #tpu.memory_space<vmem>> -> memref<80xi32, #tpu.memory_space<vmem>>
        %dma_start3A_263 = arith.constant 0 : i32
        %dma_start3A_264 = arith.constant 0 : i32
        %dma_start3A_265 = tpu.memref_slice %arg10[%dma_start3A_263, %dma_start3A_264] : memref<10240x128xbf16, #tpu.memory_space<vmem_shared>> -> memref<10240x128xbf16, #tpu.memory_space<vmem_shared>>
        tpu.enqueue_indirect_dma source(%dma_start3A_259 : memref<80x128xbf16, #tpu.memory_space<vmem>>) target(%dma_start3A_265 : memref<10240x128xbf16, #tpu.memory_space<vmem_shared>>) offsets(%dma_start3A_262 : memref<80xi32, #tpu.memory_space<vmem>>) semaphore(%run_scoped3A_255 : memref<!tpu.dma_semaphore, #tpu.memory_space<semaphore_mem>>) {add = true}
        %dma_wait3A_266 = arith.constant 0 : i32
        %dma_wait3A_267 = arith.constant 0 : i32
        %dma_wait3A_268 = tpu.memref_slice %arg8[%run_scoped3A_246, %dma_wait3A_266, %dma_wait3A_267] : memref<5x80x128xbf16, #tpu.memory_space<vmem>> -> memref<1x80x128xbf16, #tpu.memory_space<vmem>>
        %dma_wait3A_269 = tpu.memref_squeeze %dma_wait3A_268 : memref<1x80x128xbf16, #tpu.memory_space<vmem>> -> memref<80x128xbf16, #tpu.memory_space<vmem>>
        %dma_wait3A_270 = arith.constant 0 : i32
        %dma_wait3A_271 = tpu.memref_slice %arg7[%add3A_234, %dma_wait3A_270] : memref<125x80xi32, #tpu.memory_space<vmem>> -> memref<1x80xi32, #tpu.memory_space<vmem>>
        %dma_wait3A_272 = tpu.memref_squeeze %dma_wait3A_271 : memref<1x80xi32, #tpu.memory_space<vmem>> -> memref<80xi32, #tpu.memory_space<vmem>>
        %dma_wait3A_273 = arith.constant 0 : i32
        %dma_wait3A_274 = arith.constant 0 : i32
        %dma_wait3A_275 = tpu.memref_slice %arg10[%dma_wait3A_273, %dma_wait3A_274] : memref<10240x128xbf16, #tpu.memory_space<vmem_shared>> -> memref<10240x128xbf16, #tpu.memory_space<vmem_shared>>
        tpu.wait_indirect_dma semaphore(%run_scoped3A_255 : memref<!tpu.dma_semaphore, #tpu.memory_space<semaphore_mem>>) src(%dma_wait3A_269 : memref<80x128xbf16, #tpu.memory_space<vmem>>) dst(%dma_wait3A_275 : memref<10240x128xbf16, #tpu.memory_space<vmem_shared>>)
        tpu.yield
      }) : () -> ()
      %add3A_247 = arith.constant 5 : i32
      %add3A_248 = arith.addi %add3A_234, %add3A_247 : i32
      %lt3A_249 = arith.constant 125 : i32
      %lt3A_250 = arith.cmpi slt, %add3A_248, %lt3A_249 : i32
      %convert_element_type3A_251 = arith.extui %lt3A_250 : i1 to i32
      %cond3A_252 = arith.constant 0 : i32
      %cond3A_253 = arith.cmpi ne, %convert_element_type3A_251, %cond3A_252 : i32
      scf.if %cond3A_253 {
        %dma_start3A_255 = arith.constant 4 : i32
        %dma_start3A_256 = arith.constant 0 : i32
        %dma_start3A_257 = arith.constant 0 : i32
        %dma_start3A_258 = tpu.memref_slice %arg8[%dma_start3A_255, %dma_start3A_256, %dma_start3A_257] : memref<5x80x128xbf16, #tpu.memory_space<vmem>> -> memref<1x80x128xbf16, #tpu.memory_space<vmem>>
        %dma_start3A_259 = tpu.memref_squeeze %dma_start3A_258 : memref<1x80x128xbf16, #tpu.memory_space<vmem>> -> memref<80x128xbf16, #tpu.memory_space<vmem>>
        %dma_start3A_260 = arith.constant 0 : i32
        %dma_start3A_261 = tpu.memref_slice %arg6[%add3A_248, %dma_start3A_260] : memref<125x80xi32, #tpu.memory_space<vmem>> -> memref<1x80xi32, #tpu.memory_space<vmem>>
        %dma_start3A_262 = tpu.memref_squeeze %dma_start3A_261 : memref<1x80xi32, #tpu.memory_space<vmem>> -> memref<80xi32, #tpu.memory_space<vmem>>
        %dma_start3A_263 = arith.constant 0 : i32
        %dma_start3A_264 = arith.constant 0 : i32
        %dma_start3A_265 = tpu.memref_slice %arg2[%dma_start3A_263, %dma_start3A_264] : memref<10240x128xbf16, #tpu.memory_space<hbm>> -> memref<10240x128xbf16, #tpu.memory_space<hbm>>
        tpu.enqueue_indirect_dma source(%dma_start3A_265 : memref<10240x128xbf16, #tpu.memory_space<hbm>>) target(%dma_start3A_259 : memref<80x128xbf16, #tpu.memory_space<vmem>>) offsets(%dma_start3A_262 : memref<80xi32, #tpu.memory_space<vmem>>) semaphore(%arg15 : memref<!tpu.dma_semaphore, #tpu.memory_space<semaphore_mem>>)
      } else {
      }
      %scan3A_254 = arith.constant 0 : i32
      scf.yield %scan3A_254 : i32
    }
    %scan3A_136 = arith.constant 25 : i32
    %barrier3A_137 = arith.constant 0 : index
    tpu.barrier barrier_id(%barrier3A_137)
    %mul3A_138 = arith.constant 640 : i32
    %mul3A_139 = arith.muli %arg1, %mul3A_138 : i32
    %mul3A_140 = arith.constant 640 : i32
    %mul3A_141 = arith.muli %arg1, %mul3A_140 : i32
    "tpu.region"() ({
      %run_scoped3A = tpu.sem_alloc : memref<!tpu.dma_semaphore, #tpu.memory_space<semaphore_mem>>
      %dma_start3A_142 = arith.constant 0 : i32
      %dma_start3A_143 = tpu.memref_slice %arg5[%arg0, %mul3A_141, %dma_start3A_142] : memref<2x10240x128xbf16, #tpu.memory_space<hbm>> -> memref<1x640x128xbf16, #tpu.memory_space<hbm>>
      %dma_start3A_144 = tpu.memref_squeeze %dma_start3A_143 : memref<1x640x128xbf16, #tpu.memory_space<hbm>> -> memref<640x128xbf16, #tpu.memory_space<hbm>>
      %dma_start3A_145 = arith.constant 0 : i32
      %dma_start3A_146 = tpu.memref_slice %arg10[%mul3A_139, %dma_start3A_145] : memref<10240x128xbf16, #tpu.memory_space<vmem_shared>> -> memref<640x128xbf16, #tpu.memory_space<vmem_shared>>
      tpu.enqueue_dma source(%dma_start3A_146 : memref<640x128xbf16, #tpu.memory_space<vmem_shared>>) target(%dma_start3A_144 : memref<640x128xbf16, #tpu.memory_space<hbm>>) target_semaphore(%run_scoped3A : memref<!tpu.dma_semaphore, #tpu.memory_space<semaphore_mem>>)
      %dma_wait3A = arith.constant 0 : i32
      %dma_wait3A_147 = tpu.memref_slice %arg5[%arg0, %mul3A_141, %dma_wait3A] : memref<2x10240x128xbf16, #tpu.memory_space<hbm>> -> memref<1x640x128xbf16, #tpu.memory_space<hbm>>
      %dma_wait3A_148 = tpu.memref_squeeze %dma_wait3A_147 : memref<1x640x128xbf16, #tpu.memory_space<hbm>> -> memref<640x128xbf16, #tpu.memory_space<hbm>>
      %dma_wait3A_149 = arith.constant 0 : i32
      %dma_wait3A_150 = tpu.memref_slice %arg10[%mul3A_139, %dma_wait3A_149] : memref<10240x128xbf16, #tpu.memory_space<vmem_shared>> -> memref<640x128xbf16, #tpu.memory_space<vmem_shared>>
      tpu.wait_dma2 semaphore(%run_scoped3A : memref<!tpu.dma_semaphore, #tpu.memory_space<semaphore_mem>>) src(%dma_wait3A_150 : memref<640x128xbf16, #tpu.memory_space<vmem_shared>>) dst(%dma_wait3A_148 : memref<640x128xbf16, #tpu.memory_space<hbm>>)
      tpu.yield
    }) : () -> ()
    return
  }
}

module attributes {stable_mosaic.version = 14 : i64} {
  func.func @body(%arg0: i32, %arg1: memref<1024x128xf32, #tpu.memory_space<vmem>>, %arg2: memref<2x8x128xf32, #tpu.memory_space<vmem>>, %arg3: memref<1024x128xbf16, #tpu.memory_space<vmem>>) attributes {dimension_semantics = [#tpu.dimension_semantics<arbitrary>], iteration_bounds = array<i64: 10>, scalar_prefetch = 0 : i64, scratch_operands = 0 : i64, tpu.core_type = #tpu.core_type<tc>, window_params = [{transform_indices = @transform_0, window_bounds = array<i64: 1024, 128>}, {transform_indices = @transform_1, window_bounds = array<i64: 2, 8, 128>}, {transform_indices = @transform_2, window_bounds = array<i64: 1024, 128>}]} {
    %get3A = arith.constant 0 : index
    %get3A_0 = arith.constant 0 : index
    %get3A_1 = arith.constant 0 : index
    %get3A_2 = vector.load %arg2[%get3A, %get3A_0, %get3A_1] : memref<2x8x128xf32, #tpu.memory_space<vmem>>, vector<1x8x128xf32>
    %get3A_3 = vector.shape_cast %get3A_2 : vector<1x8x128xf32> to vector<8x128xf32>
    %get3A_4 = arith.constant 1 : index
    %get3A_5 = arith.constant 0 : index
    %get3A_6 = arith.constant 0 : index
    %get3A_7 = vector.load %arg2[%get3A_4, %get3A_5, %get3A_6] : memref<2x8x128xf32, #tpu.memory_space<vmem>>, vector<1x8x128xf32>
    %get3A_8 = vector.shape_cast %get3A_7 : vector<1x8x128xf32> to vector<8x128xf32>
    %add3A = arith.addf %get3A_3, %get3A_8 : vector<8x128xf32>
    %gt3A = arith.constant 0.000000e+00 : f32
    %gt3A_9 = vector.broadcast %gt3A : f32 to vector<8x128xf32>
    %gt3A_10 = arith.cmpf ogt, %add3A, %gt3A_9 : vector<8x128xf32>
    %max3A = arith.constant 1.000000e+00 : f32
    %max3A_11 = vector.broadcast %max3A : f32 to vector<8x128xf32>
    %max3A_12 = arith.maximumf %add3A, %max3A_11 : vector<8x128xf32>
    %rsqrt3A = math.rsqrt %max3A_12 : vector<8x128xf32>
    %jit3A = arith.constant 0.000000e+00 : f32
    %broadcast_in_dim3A = vector.broadcast %jit3A : f32 to vector<8x128xf32>
    %select_n3A = arith.select %gt3A_10, %rsqrt3A, %broadcast_in_dim3A : vector<8x128xi1>, vector<8x128xf32>
    %get3A_13 = arith.constant 0 : index
    %get3A_14 = arith.constant 0 : index
    %get3A_15 = vector.load %arg1[%get3A_13, %get3A_14] : memref<1024x128xf32, #tpu.memory_space<vmem>>, vector<1024x128xf32>
    %reshape3A = vector.shape_cast %get3A_15 : vector<1024x128xf32> to vector<8x128x128xf32>
    %broadcast_in_dim3A_16 = vector.shape_cast %select_n3A : vector<8x128xf32> to vector<8x128x1xf32>
    %mul3A = vector.broadcast %broadcast_in_dim3A_16 : vector<8x128x1xf32> to vector<8x128x128xf32>
    %mul3A_17 = arith.mulf %reshape3A, %mul3A : vector<8x128x128xf32>
    %reshape3A_18 = vector.shape_cast %mul3A_17 : vector<8x128x128xf32> to vector<1024x128xf32>
    %convert_element_type3A = arith.truncf %reshape3A_18 : vector<1024x128xf32> to vector<1024x128xbf16>
    %swap3A = arith.constant 0 : index
    %swap3A_19 = arith.constant 0 : index
    %swap3A_20 = vector.load %arg3[%swap3A, %swap3A_19] : memref<1024x128xbf16, #tpu.memory_space<vmem>>, vector<1024x128xbf16>
    tpu.vector_store %arg3[%swap3A, %swap3A_19], %convert_element_type3A {strides = array<i32>} : memref<1024x128xbf16, #tpu.memory_space<vmem>>, vector<1024x128xbf16>,
    return
  }
  func.func @transform_0(%arg0: i32) -> (i32, i32) {
    %c0_i32 = arith.constant 0 : i32
    %c0_i32_0 = arith.constant 0 : i32
    return %arg0, %c0_i32 : i32, i32
  }
  func.func @transform_1(%arg0: i32) -> (i32, i32, i32) {
    %c0_i32 = arith.constant 0 : i32
    %c0_i32_0 = arith.constant 0 : i32
    %c0_i32_1 = arith.constant 0 : i32
    return %c0_i32, %arg0, %c0_i32_0 : i32, i32, i32
  }
  func.func @transform_2(%arg0: i32) -> (i32, i32) {
    %c0_i32 = arith.constant 0 : i32
    %c0_i32_0 = arith.constant 0 : i32
    return %arg0, %c0_i32 : i32, i32
  }
}

module attributes {stable_mosaic.version = 14 : i64} {
  func.func @body(%arg0: i32, %arg1: memref<1024x128xf32, #tpu.memory_space<vmem>>, %arg2: memref<128x256xf32, #tpu.memory_space<vmem>>, %arg3: memref<128x256xf32, #tpu.memory_space<vmem>>, %arg4: memref<1x256xf32, #tpu.memory_space<vmem>>, %arg5: memref<1x256xf32, #tpu.memory_space<vmem>>, %arg6: memref<256x128xf32, #tpu.memory_space<vmem>>, %arg7: memref<128x256xf32, #tpu.memory_space<vmem>>, %arg8: memref<1x256xf32, #tpu.memory_space<vmem>>, %arg9: memref<256x128xf32, #tpu.memory_space<vmem>>, %arg10: memref<256x128xf32, #tpu.memory_space<vmem>>, %arg11: memref<1x256xf32, #tpu.memory_space<vmem>>, %arg12: memref<256x128xf32, #tpu.memory_space<vmem>>, %arg13: memref<1024x128xf32, #tpu.memory_space<vmem>>) attributes {dimension_semantics = [#tpu.dimension_semantics<arbitrary>], iteration_bounds = array<i64: 10>, scalar_prefetch = 0 : i64, scratch_operands = 0 : i64, tpu.core_type = #tpu.core_type<tc>, window_params = [{transform_indices = @transform_0, window_bounds = array<i64: 1024, 128>}, {pipeline_mode = #tpu.pipeline_mode<synchronous>, transform_indices = @transform_1, window_bounds = array<i64: 128, 256>}, {pipeline_mode = #tpu.pipeline_mode<synchronous>, transform_indices = @transform_2, window_bounds = array<i64: 128, 256>}, {pipeline_mode = #tpu.pipeline_mode<synchronous>, transform_indices = @transform_3, window_bounds = array<i64: 1, 256>}, {pipeline_mode = #tpu.pipeline_mode<synchronous>, transform_indices = @transform_4, window_bounds = array<i64: 1, 256>}, {pipeline_mode = #tpu.pipeline_mode<synchronous>, transform_indices = @transform_5, window_bounds = array<i64: 256, 128>}, {pipeline_mode = #tpu.pipeline_mode<synchronous>, transform_indices = @transform_6, window_bounds = array<i64: 128, 256>}, {pipeline_mode = #tpu.pipeline_mode<synchronous>, transform_indices = @transform_7, window_bounds = array<i64: 1, 256>}, {pipeline_mode = #tpu.pipeline_mode<synchronous>, transform_indices = @transform_8, window_bounds = array<i64: 256, 128>}, {pipeline_mode = #tpu.pipeline_mode<synchronous>, transform_indices = @transform_9, window_bounds = array<i64: 256, 128>}, {pipeline_mode = #tpu.pipeline_mode<synchronous>, transform_indices = @transform_10, window_bounds = array<i64: 1, 256>}, {pipeline_mode = #tpu.pipeline_mode<synchronous>, transform_indices = @transform_11, window_bounds = array<i64: 256, 128>}, {transform_indices = @transform_12, window_bounds = array<i64: 1024, 128>}]} {
    %get3A = arith.constant 0 : index
    %get3A_0 = arith.constant 0 : index
    %get3A_1 = vector.load %arg1[%get3A, %get3A_0] : memref<1024x128xf32, #tpu.memory_space<vmem>>, vector<1024x128xf32>
    %convert_element_type3A = arith.truncf %get3A_1 : vector<1024x128xf32> to vector<1024x128xbf16>
    %get3A_2 = arith.constant 0 : index
    %get3A_3 = arith.constant 0 : index
    %get3A_4 = vector.load %arg2[%get3A_2, %get3A_3] : memref<128x256xf32, #tpu.memory_space<vmem>>, vector<128x256xf32>
    %convert_element_type3A_5 = arith.truncf %get3A_4 : vector<128x256xf32> to vector<128x256xbf16>
    %dot_general3A = arith.constant dense<0.000000e+00> : vector<1024x256xf32>
    %dot_general3A_6 = tpu.matmul %convert_element_type3A, %convert_element_type3A_5, %dot_general3A {dimension_numbers = #tpu.dot_dimension_numbers<[1], [0], [0], [1], [0, 0, 1, 1], [], []>, transpose_lhs_hint = false} : vector<1024x128xbf16>, vector<128x256xbf16>, vector<1024x256xf32> -> vector<1024x256xf32>
    %get3A_7 = arith.constant 0 : index
    %get3A_8 = arith.constant 0 : index
    %get3A_9 = vector.load %arg4[%get3A_7, %get3A_8] : memref<1x256xf32, #tpu.memory_space<vmem>>, vector<1x256xf32>
    %mul3A = vector.broadcast %get3A_9 : vector<1x256xf32> to vector<1024x256xf32>
    %mul3A_10 = arith.mulf %dot_general3A_6, %mul3A : vector<1024x256xf32>
    %get3A_11 = arith.constant 0 : index
    %get3A_12 = arith.constant 0 : index
    %get3A_13 = vector.load %arg5[%get3A_11, %get3A_12] : memref<1x256xf32, #tpu.memory_space<vmem>>, vector<1x256xf32>
    %add3A = vector.broadcast %get3A_13 : vector<1x256xf32> to vector<1024x256xf32>
    %add3A_14 = arith.addf %mul3A_10, %add3A : vector<1024x256xf32>
    %logistic3A = arith.negf %add3A_14 : vector<1024x256xf32>
    %logistic3A_15 = math.exp %logistic3A : vector<1024x256xf32>
    %logistic3A_16 = arith.constant 1.000000e+00 : f32
    %logistic3A_17 = vector.broadcast %logistic3A_16 : f32 to vector<1024x256xf32>
    %logistic3A_18 = arith.addf %logistic3A_17, %logistic3A_15 : vector<1024x256xf32>
    %logistic3A_19 = arith.divf %logistic3A_17, %logistic3A_18 : vector<1024x256xf32>
    %mul3A_20 = arith.mulf %add3A_14, %logistic3A_19 : vector<1024x256xf32>
    %convert_element_type3A_21 = arith.truncf %mul3A_20 : vector<1024x256xf32> to vector<1024x256xbf16>
    %get3A_22 = arith.constant 0 : index
    %get3A_23 = arith.constant 0 : index
    %get3A_24 = vector.load %arg3[%get3A_22, %get3A_23] : memref<128x256xf32, #tpu.memory_space<vmem>>, vector<128x256xf32>
    %convert_element_type3A_25 = arith.truncf %get3A_24 : vector<128x256xf32> to vector<128x256xbf16>
    %dot_general3A_26 = arith.constant dense<0.000000e+00> : vector<1024x256xf32>
    %dot_general3A_27 = tpu.matmul %convert_element_type3A, %convert_element_type3A_25, %dot_general3A_26 {dimension_numbers = #tpu.dot_dimension_numbers<[1], [0], [0], [1], [0, 0, 1, 1], [], []>, transpose_lhs_hint = false} : vector<1024x128xbf16>, vector<128x256xbf16>, vector<1024x256xf32> -> vector<1024x256xf32>
    %get3A_28 = arith.constant 0 : index
    %get3A_29 = arith.constant 0 : index
    %get3A_30 = vector.load %arg6[%get3A_28, %get3A_29] : memref<256x128xf32, #tpu.memory_space<vmem>>, vector<256x128xf32>
    %convert_element_type3A_31 = arith.truncf %get3A_30 : vector<256x128xf32> to vector<256x128xbf16>
    %dot_general3A_32 = arith.constant dense<0.000000e+00> : vector<1024x128xf32>
    %dot_general3A_33 = tpu.matmul %convert_element_type3A_21, %convert_element_type3A_31, %dot_general3A_32 {dimension_numbers = #tpu.dot_dimension_numbers<[1], [0], [0], [1], [0, 0, 1, 1], [], []>, transpose_lhs_hint = false} : vector<1024x256xbf16>, vector<256x128xbf16>, vector<1024x128xf32> -> vector<1024x128xf32>
    %convert_element_type3A_34 = arith.truncf %dot_general3A_33 : vector<1024x128xf32> to vector<1024x128xbf16>
    %get3A_35 = arith.constant 0 : index
    %get3A_36 = arith.constant 0 : index
    %get3A_37 = vector.load %arg7[%get3A_35, %get3A_36] : memref<128x256xf32, #tpu.memory_space<vmem>>, vector<128x256xf32>
    %convert_element_type3A_38 = arith.truncf %get3A_37 : vector<128x256xf32> to vector<128x256xbf16>
    %dot_general3A_39 = arith.constant dense<0.000000e+00> : vector<1024x256xf32>
    %dot_general3A_40 = tpu.matmul %convert_element_type3A_34, %convert_element_type3A_38, %dot_general3A_39 {dimension_numbers = #tpu.dot_dimension_numbers<[1], [0], [0], [1], [0, 0, 1, 1], [], []>, transpose_lhs_hint = false} : vector<1024x128xbf16>, vector<128x256xbf16>, vector<1024x256xf32> -> vector<1024x256xf32>
    %get3A_41 = arith.constant 0 : index
    %get3A_42 = arith.constant 0 : index
    %get3A_43 = vector.load %arg8[%get3A_41, %get3A_42] : memref<1x256xf32, #tpu.memory_space<vmem>>, vector<1x256xf32>
    %add3A_44 = vector.broadcast %get3A_43 : vector<1x256xf32> to vector<1024x256xf32>
    %add3A_45 = arith.addf %dot_general3A_40, %add3A_44 : vector<1024x256xf32>
    %max3A = arith.constant 0.000000e+00 : f32
    %max3A_46 = vector.broadcast %max3A : f32 to vector<1024x256xf32>
    %max3A_47 = arith.maximumf %add3A_45, %max3A_46 : vector<1024x256xf32>
    %abs3A = math.absf %add3A_45 : vector<1024x256xf32>
    %neg3A = arith.constant 0.000000e+00 : f32
    %neg3A_48 = vector.broadcast %neg3A : f32 to vector<1024x256xf32>
    %neg3A_49 = arith.subf %neg3A_48, %abs3A : vector<1024x256xf32>
    %exp3A = math.exp %neg3A_49 : vector<1024x256xf32>
    %log1p3A = math.log1p %exp3A : vector<1024x256xf32>
    %add3A_50 = arith.addf %max3A_47, %log1p3A : vector<1024x256xf32>
    %get3A_51 = arith.constant 0 : index
    %get3A_52 = arith.constant 0 : index
    %get3A_53 = vector.load %arg9[%get3A_51, %get3A_52] : memref<256x128xf32, #tpu.memory_space<vmem>>, vector<256x128xf32>
    %convert_element_type3A_54 = arith.truncf %get3A_53 : vector<256x128xf32> to vector<256x128xbf16>
    %dot_general3A_55 = arith.constant dense<0.000000e+00> : vector<1024x128xf32>
    %dot_general3A_56 = tpu.matmul %convert_element_type3A_21, %convert_element_type3A_54, %dot_general3A_55 {dimension_numbers = #tpu.dot_dimension_numbers<[1], [0], [0], [1], [0, 0, 1, 1], [], []>, transpose_lhs_hint = false} : vector<1024x256xbf16>, vector<256x128xbf16>, vector<1024x128xf32> -> vector<1024x128xf32>
    %get3A_57 = arith.constant 0 : index
    %get3A_58 = arith.constant 0 : index
    %get3A_59 = vector.load %arg10[%get3A_57, %get3A_58] : memref<256x128xf32, #tpu.memory_space<vmem>>, vector<256x128xf32>
    %convert_element_type3A_60 = arith.truncf %get3A_59 : vector<256x128xf32> to vector<256x128xbf16>
    %dot_general3A_61 = arith.constant dense<0.000000e+00> : vector<1024x128xf32>
    %dot_general3A_62 = tpu.matmul %convert_element_type3A_21, %convert_element_type3A_60, %dot_general3A_61 {dimension_numbers = #tpu.dot_dimension_numbers<[1], [0], [0], [1], [0, 0, 1, 1], [], []>, transpose_lhs_hint = false} : vector<1024x256xbf16>, vector<256x128xbf16>, vector<1024x128xf32> -> vector<1024x128xf32>
    %mul3A_63 = arith.mulf %dot_general3A_56, %dot_general3A_62 : vector<1024x128xf32>
    %reduce_sum3A = arith.constant dense<0.000000e+00> : vector<1024xf32>
    %reduce_sum3A_64 = vector.multi_reduction <add>, %mul3A_63, %reduce_sum3A [1] : vector<1024x128xf32> to vector<1024xf32>
    %broadcast_in_dim3A = vector.shape_cast %reduce_sum3A_64 : vector<1024xf32> to vector<1024x1xf32>
    %mul3A_65 = vector.broadcast %broadcast_in_dim3A : vector<1024x1xf32> to vector<1024x256xf32>
    %mul3A_66 = arith.mulf %add3A_50, %mul3A_65 : vector<1024x256xf32>
    %get3A_67 = arith.constant 0 : index
    %get3A_68 = arith.constant 0 : index
    %get3A_69 = vector.load %arg11[%get3A_67, %get3A_68] : memref<1x256xf32, #tpu.memory_space<vmem>>, vector<1x256xf32>
    %add3A_70 = vector.broadcast %get3A_69 : vector<1x256xf32> to vector<1024x256xf32>
    %add3A_71 = arith.addf %mul3A_66, %add3A_70 : vector<1024x256xf32>
    %mul3A_72 = arith.mulf %mul3A_20, %add3A_71 : vector<1024x256xf32>
    %logistic3A_73 = arith.negf %dot_general3A_27 : vector<1024x256xf32>
    %logistic3A_74 = math.exp %logistic3A_73 : vector<1024x256xf32>
    %logistic3A_75 = arith.constant 1.000000e+00 : f32
    %logistic3A_76 = vector.broadcast %logistic3A_75 : f32 to vector<1024x256xf32>
    %logistic3A_77 = arith.addf %logistic3A_76, %logistic3A_74 : vector<1024x256xf32>
    %logistic3A_78 = arith.divf %logistic3A_76, %logistic3A_77 : vector<1024x256xf32>
    %mul3A_79 = arith.mulf %dot_general3A_27, %logistic3A_78 : vector<1024x256xf32>
    %mul3A_80 = arith.mulf %mul3A_72, %mul3A_79 : vector<1024x256xf32>
    %convert_element_type3A_81 = arith.truncf %mul3A_80 : vector<1024x256xf32> to vector<1024x256xbf16>
    %get3A_82 = arith.constant 0 : index
    %get3A_83 = arith.constant 0 : index
    %get3A_84 = vector.load %arg12[%get3A_82, %get3A_83] : memref<256x128xf32, #tpu.memory_space<vmem>>, vector<256x128xf32>
    %convert_element_type3A_85 = arith.truncf %get3A_84 : vector<256x128xf32> to vector<256x128xbf16>
    %dot_general3A_86 = arith.constant dense<0.000000e+00> : vector<1024x128xf32>
    %dot_general3A_87 = tpu.matmul %convert_element_type3A_81, %convert_element_type3A_85, %dot_general3A_86 {dimension_numbers = #tpu.dot_dimension_numbers<[1], [0], [0], [1], [0, 0, 1, 1], [], []>, transpose_lhs_hint = false} : vector<1024x256xbf16>, vector<256x128xbf16>, vector<1024x128xf32> -> vector<1024x128xf32>
    %swap3A = arith.constant 0 : index
    %swap3A_88 = arith.constant 0 : index
    %swap3A_89 = vector.load %arg13[%swap3A, %swap3A_88] : memref<1024x128xf32, #tpu.memory_space<vmem>>, vector<1024x128xf32>
    tpu.vector_store %arg13[%swap3A, %swap3A_88], %dot_general3A_87 {strides = array<i32>} : memref<1024x128xf32, #tpu.memory_space<vmem>>, vector<1024x128xf32>,
    return
  }
  func.func @transform_0(%arg0: i32) -> (i32, i32) {
    %c0_i32 = arith.constant 0 : i32
    %c0_i32_0 = arith.constant 0 : i32
    return %arg0, %c0_i32 : i32, i32
  }
  func.func @transform_1(%arg0: i32) -> (i32, i32) {
    %c0_i32 = arith.constant 0 : i32
    %c0_i32_0 = arith.constant 0 : i32
    %c0_i32_1 = arith.constant 0 : i32
    return %c0_i32, %c0_i32_0 : i32, i32
  }
  func.func @transform_2(%arg0: i32) -> (i32, i32) {
    %c0_i32 = arith.constant 0 : i32
    %c0_i32_0 = arith.constant 0 : i32
    %c0_i32_1 = arith.constant 0 : i32
    return %c0_i32, %c0_i32_0 : i32, i32
  }
  func.func @transform_3(%arg0: i32) -> (i32, i32) {
    %c0_i32 = arith.constant 0 : i32
    %c0_i32_0 = arith.constant 0 : i32
    %c0_i32_1 = arith.constant 0 : i32
    return %c0_i32, %c0_i32_0 : i32, i32
  }
  func.func @transform_4(%arg0: i32) -> (i32, i32) {
    %c0_i32 = arith.constant 0 : i32
    %c0_i32_0 = arith.constant 0 : i32
    %c0_i32_1 = arith.constant 0 : i32
    return %c0_i32, %c0_i32_0 : i32, i32
  }
  func.func @transform_5(%arg0: i32) -> (i32, i32) {
    %c0_i32 = arith.constant 0 : i32
    %c0_i32_0 = arith.constant 0 : i32
    %c0_i32_1 = arith.constant 0 : i32
    return %c0_i32, %c0_i32_0 : i32, i32
  }
  func.func @transform_6(%arg0: i32) -> (i32, i32) {
    %c0_i32 = arith.constant 0 : i32
    %c0_i32_0 = arith.constant 0 : i32
    %c0_i32_1 = arith.constant 0 : i32
    return %c0_i32, %c0_i32_0 : i32, i32
  }
  func.func @transform_7(%arg0: i32) -> (i32, i32) {
    %c0_i32 = arith.constant 0 : i32
    %c0_i32_0 = arith.constant 0 : i32
    %c0_i32_1 = arith.constant 0 : i32
    return %c0_i32, %c0_i32_0 : i32, i32
  }
  func.func @transform_8(%arg0: i32) -> (i32, i32) {
    %c0_i32 = arith.constant 0 : i32
    %c0_i32_0 = arith.constant 0 : i32
    %c0_i32_1 = arith.constant 0 : i32
    return %c0_i32, %c0_i32_0 : i32, i32
  }
  func.func @transform_9(%arg0: i32) -> (i32, i32) {
    %c0_i32 = arith.constant 0 : i32
    %c0_i32_0 = arith.constant 0 : i32
    %c0_i32_1 = arith.constant 0 : i32
    return %c0_i32, %c0_i32_0 : i32, i32
  }
  func.func @transform_10(%arg0: i32) -> (i32, i32) {
    %c0_i32 = arith.constant 0 : i32
    %c0_i32_0 = arith.constant 0 : i32
    %c0_i32_1 = arith.constant 0 : i32
    return %c0_i32, %c0_i32_0 : i32, i32
  }
  func.func @transform_11(%arg0: i32) -> (i32, i32) {
    %c0_i32 = arith.constant 0 : i32
    %c0_i32_0 = arith.constant 0 : i32
    %c0_i32_1 = arith.constant 0 : i32
    return %c0_i32, %c0_i32_0 : i32, i32
  }
  func.func @transform_12(%arg0: i32) -> (i32, i32) {
    %c0_i32 = arith.constant 0 : i32
    %c0_i32_0 = arith.constant 0 : i32
    return %arg0, %c0_i32 : i32, i32
  }
}

module attributes {stable_mosaic.version = 14 : i64} {
  func.func @body(%arg0: i32, %arg1: i32, %arg2: memref<2x1024x128xbf16, #tpu.memory_space<vmem>>, %arg3: memref<2x8x128xf32, #tpu.memory_space<vmem>>, %arg4: memref<1024x128xf32, #tpu.memory_space<vmem>>, %arg5: memref<1024x128xf32, #tpu.memory_space<vmem>>, %arg6: memref<128x128xf32, #tpu.memory_space<vmem>>, %arg7: memref<1x128xf32, #tpu.memory_space<vmem>>, %arg8: memref<1x128xf32, #tpu.memory_space<vmem>>, %arg9: memref<1x128xf32, #tpu.memory_space<vmem>>, %arg10: memref<1024x128xf32, #tpu.memory_space<vmem>>, %arg11: memref<10240x128xf32, #tpu.memory_space<vmem>>, %arg12: memref<2x128xf32, #tpu.memory_space<vmem>>) attributes {dimension_semantics = [#tpu.dimension_semantics<arbitrary>, #tpu.dimension_semantics<arbitrary>], iteration_bounds = array<i64: 2, 10>, scalar_prefetch = 0 : i64, scratch_operands = 2 : i64, tpu.core_type = #tpu.core_type<tc>, window_params = [{transform_indices = @transform_0, window_bounds = array<i64: 2, 1024, 128>}, {transform_indices = @transform_1, window_bounds = array<i64: 2, 8, 128>}, {transform_indices = @transform_2, window_bounds = array<i64: 1024, 128>}, {transform_indices = @transform_3, window_bounds = array<i64: 1024, 128>}, {pipeline_mode = #tpu.pipeline_mode<synchronous>, transform_indices = @transform_4, window_bounds = array<i64: 128, 128>}, {pipeline_mode = #tpu.pipeline_mode<synchronous>, transform_indices = @transform_5, window_bounds = array<i64: 1, 128>}, {pipeline_mode = #tpu.pipeline_mode<synchronous>, transform_indices = @transform_6, window_bounds = array<i64: 1, 128>}, {pipeline_mode = #tpu.pipeline_mode<synchronous>, transform_indices = @transform_7, window_bounds = array<i64: 1, 128>}, {transform_indices = @transform_8, window_bounds = array<i64: 1024, 128>}]} {
    %eq3A = arith.constant 0 : i32
    %eq3A_0 = arith.cmpi eq, %arg0, %eq3A : i32
    %convert_element_type3A = arith.extui %eq3A_0 : i1 to i32
    %cond3A = arith.constant 0 : i32
    %cond3A_1 = arith.cmpi ne, %convert_element_type3A, %cond3A : i32
    scf.if %cond3A_1 {
      %get3A = arith.constant 0 : index
      %get3A_7 = arith.constant 0 : index
      %get3A_8 = arith.constant 0 : index
      %get3A_9 = vector.load %arg3[%get3A, %get3A_7, %get3A_8] : memref<2x8x128xf32, #tpu.memory_space<vmem>>, vector<1x8x128xf32>
      %get3A_10 = vector.shape_cast %get3A_9 : vector<1x8x128xf32> to vector<8x128xf32>
      %get3A_11 = arith.constant 1 : index
      %get3A_12 = arith.constant 0 : index
      %get3A_13 = arith.constant 0 : index
      %get3A_14 = vector.load %arg3[%get3A_11, %get3A_12, %get3A_13] : memref<2x8x128xf32, #tpu.memory_space<vmem>>, vector<1x8x128xf32>
      %get3A_15 = vector.shape_cast %get3A_14 : vector<1x8x128xf32> to vector<8x128xf32>
      %add3A = arith.addf %get3A_10, %get3A_15 : vector<8x128xf32>
      %gt3A = arith.constant 0.000000e+00 : f32
      %gt3A_16 = vector.broadcast %gt3A : f32 to vector<8x128xf32>
      %gt3A_17 = arith.cmpf ogt, %add3A, %gt3A_16 : vector<8x128xf32>
      %max3A = arith.constant 1.000000e+00 : f32
      %max3A_18 = vector.broadcast %max3A : f32 to vector<8x128xf32>
      %max3A_19 = arith.maximumf %add3A, %max3A_18 : vector<8x128xf32>
      %rsqrt3A = math.rsqrt %max3A_19 : vector<8x128xf32>
      %jit3A = arith.constant 0.000000e+00 : f32
      %broadcast_in_dim3A = vector.broadcast %jit3A : f32 to vector<8x128xf32>
      %select_n3A = arith.select %gt3A_17, %rsqrt3A, %broadcast_in_dim3A : vector<8x128xi1>, vector<8x128xf32>
      %get3A_20 = arith.constant 0 : index
      %get3A_21 = arith.constant 0 : index
      %get3A_22 = arith.constant 0 : index
      %get3A_23 = vector.load %arg2[%get3A_20, %get3A_21, %get3A_22] : memref<2x1024x128xbf16, #tpu.memory_space<vmem>>, vector<1x1024x128xbf16>
      %get3A_24 = vector.shape_cast %get3A_23 : vector<1x1024x128xbf16> to vector<1024x128xbf16>
      %get3A_25 = arith.constant 1 : index
      %get3A_26 = arith.constant 0 : index
      %get3A_27 = arith.constant 0 : index
      %get3A_28 = vector.load %arg2[%get3A_25, %get3A_26, %get3A_27] : memref<2x1024x128xbf16, #tpu.memory_space<vmem>>, vector<1x1024x128xbf16>
      %get3A_29 = vector.shape_cast %get3A_28 : vector<1x1024x128xbf16> to vector<1024x128xbf16>
      %add3A_30 = arith.addf %get3A_24, %get3A_29 : vector<1024x128xbf16>
      %get3A_31 = arith.constant 0 : index
      %get3A_32 = arith.constant 0 : index
      %get3A_33 = vector.load %arg6[%get3A_31, %get3A_32] : memref<128x128xf32, #tpu.memory_space<vmem>>, vector<128x128xf32>
      %convert_element_type3A_34 = arith.truncf %get3A_33 : vector<128x128xf32> to vector<128x128xbf16>
      %dot_general3A = arith.constant dense<0.000000e+00> : vector<1024x128xf32>
      %dot_general3A_35 = tpu.matmul %add3A_30, %convert_element_type3A_34, %dot_general3A {dimension_numbers = #tpu.dot_dimension_numbers<[1], [0], [0], [1], [0, 0, 1, 1], [], []>, transpose_lhs_hint = false} : vector<1024x128xbf16>, vector<128x128xbf16>, vector<1024x128xf32> -> vector<1024x128xf32>
      %reshape3A = vector.shape_cast %dot_general3A_35 : vector<1024x128xf32> to vector<8x128x128xf32>
      %broadcast_in_dim3A_36 = vector.shape_cast %select_n3A : vector<8x128xf32> to vector<8x128x1xf32>
      %mul3A = vector.broadcast %broadcast_in_dim3A_36 : vector<8x128x1xf32> to vector<8x128x128xf32>
      %mul3A_37 = arith.mulf %reshape3A, %mul3A : vector<8x128x128xf32>
      %reshape3A_38 = vector.shape_cast %mul3A_37 : vector<8x128x128xf32> to vector<1024x128xf32>
      %get3A_39 = arith.constant 0 : index
      %get3A_40 = arith.constant 0 : index
      %get3A_41 = vector.load %arg7[%get3A_39, %get3A_40] : memref<1x128xf32, #tpu.memory_space<vmem>>, vector<1x128xf32>
      %add3A_42 = vector.broadcast %get3A_41 : vector<1x128xf32> to vector<1024x128xf32>
      %add3A_43 = arith.addf %reshape3A_38, %add3A_42 : vector<1024x128xf32>
      %get3A_44 = arith.constant 0 : index
      %get3A_45 = arith.constant 0 : index
      %get3A_46 = vector.load %arg4[%get3A_44, %get3A_45] : memref<1024x128xf32, #tpu.memory_space<vmem>>, vector<1024x128xf32>
      %add3A_47 = arith.addf %add3A_43, %get3A_46 : vector<1024x128xf32>
      %mul3A_48 = arith.constant 1024 : i32
      %mul3A_49 = arith.muli %arg1, %mul3A_48 : i32
      %swap3A = arith.index_cast %mul3A_49 : i32 to index
      %swap3A_50 = arith.constant 0 : index
      %swap3A_51 = vector.load %arg11[%swap3A, %swap3A_50] : memref<10240x128xf32, #tpu.memory_space<vmem>>, vector<1024x128xf32>
      tpu.vector_store %arg11[%swap3A, %swap3A_50], %add3A_47 {strides = array<i32>} : memref<10240x128xf32, #tpu.memory_space<vmem>>, vector<1024x128xf32>,
      %mul3A_52 = arith.constant 1024 : i32
      %mul3A_53 = arith.muli %arg1, %mul3A_52 : i32
      %iota3A = tpu.iota {dimensions = array<i32: 0>} : vector<1024x1xi32>
      %add3A_54 = vector.broadcast %mul3A_53 : i32 to vector<1024x1xi32>
      %add3A_55 = arith.addi %add3A_54, %iota3A : vector<1024x1xi32>
      %convert_element_type3A_56 = arith.sitofp %add3A_55 : vector<1024x1xi32> to vector<1024x1xf32>
      %lt3A = arith.constant 1.000000e+04 : f32
      %lt3A_57 = vector.broadcast %lt3A : f32 to vector<1024x1xf32>
      %lt3A_58 = arith.cmpf olt, %convert_element_type3A_56, %lt3A_57 : vector<1024x1xf32>
      %jit3A_59 = arith.constant 0.000000e+00 : f32
      %broadcast_in_dim3A_60 = vector.shape_cast %lt3A_58 : vector<1024x1xi1> to vector<1024x1xi1>
      %broadcast_in_dim3A_61 = vector.broadcast %broadcast_in_dim3A_60 : vector<1024x1xi1> to vector<1024x128xi1>
      %broadcast_in_dim3A_62 = vector.broadcast %jit3A_59 : f32 to vector<1024x128xf32>
      %select_n3A_63 = arith.select %broadcast_in_dim3A_61, %add3A_47, %broadcast_in_dim3A_62 : vector<1024x128xi1>, vector<1024x128xf32>
      %reduce_sum3A = arith.constant dense<0.000000e+00> : vector<128xf32>
      %reduce_sum3A_64 = vector.multi_reduction <add>, %select_n3A_63, %reduce_sum3A [0] : vector<1024x128xf32> to vector<128xf32>
      %broadcast_in_dim3A_65 = vector.shape_cast %reduce_sum3A_64 : vector<128xf32> to vector<1x128xf32>
      %mul3A_66 = arith.mulf %select_n3A_63, %select_n3A_63 : vector<1024x128xf32>
      %reduce_sum3A_67 = arith.constant dense<0.000000e+00> : vector<128xf32>
      %reduce_sum3A_68 = vector.multi_reduction <add>, %mul3A_66, %reduce_sum3A_67 [0] : vector<1024x128xf32> to vector<128xf32>
      %broadcast_in_dim3A_69 = vector.shape_cast %reduce_sum3A_68 : vector<128xf32> to vector<1x128xf32>
      %eq3A_70 = arith.constant 0 : i32
      %eq3A_71 = arith.cmpi eq, %arg1, %eq3A_70 : i32
      %convert_element_type3A_72 = arith.extui %eq3A_71 : i1 to i32
      %cond3A_73 = arith.constant 0 : i32
      %cond3A_74 = arith.cmpi ne, %convert_element_type3A_72, %cond3A_73 : i32
      scf.if %cond3A_74 {
        %swap3A_80 = arith.constant 0 : index
        %swap3A_81 = arith.constant 0 : index
        %swap3A_82 = vector.load %arg12[%swap3A_80, %swap3A_81] : memref<2x128xf32, #tpu.memory_space<vmem>>, vector<1x128xf32>
        tpu.vector_store %arg12[%swap3A_80, %swap3A_81], %broadcast_in_dim3A_65 {strides = array<i32>} : memref<2x128xf32, #tpu.memory_space<vmem>>, vector<1x128xf32>,
        %swap3A_83 = arith.constant 1 : index
        %swap3A_84 = arith.constant 0 : index
        %swap3A_85 = vector.load %arg12[%swap3A_83, %swap3A_84] : memref<2x128xf32, #tpu.memory_space<vmem>>, vector<1x128xf32>
        tpu.vector_store %arg12[%swap3A_83, %swap3A_84], %broadcast_in_dim3A_69 {strides = array<i32>} : memref<2x128xf32, #tpu.memory_space<vmem>>, vector<1x128xf32>,
      } else {
      }
      %gt3A_75 = arith.constant 0 : i32
      %gt3A_76 = arith.cmpi sgt, %arg1, %gt3A_75 : i32
      %convert_element_type3A_77 = arith.extui %gt3A_76 : i1 to i32
      %cond3A_78 = arith.constant 0 : i32
      %cond3A_79 = arith.cmpi ne, %convert_element_type3A_77, %cond3A_78 : i32
      scf.if %cond3A_79 {
        %get3A_80 = arith.constant 0 : index
        %get3A_81 = arith.constant 0 : index
        %get3A_82 = vector.load %arg12[%get3A_80, %get3A_81] : memref<2x128xf32, #tpu.memory_space<vmem>>, vector<1x128xf32>
        %add3A_83 = arith.addf %get3A_82, %broadcast_in_dim3A_65 : vector<1x128xf32>
        %swap3A_84 = arith.constant 0 : index
        %swap3A_85 = arith.constant 0 : index
        %swap3A_86 = vector.load %arg12[%swap3A_84, %swap3A_85] : memref<2x128xf32, #tpu.memory_space<vmem>>, vector<1x128xf32>
        tpu.vector_store %arg12[%swap3A_84, %swap3A_85], %add3A_83 {strides = array<i32>} : memref<2x128xf32, #tpu.memory_space<vmem>>, vector<1x128xf32>,
        %get3A_87 = arith.constant 1 : index
        %get3A_88 = arith.constant 0 : index
        %get3A_89 = vector.load %arg12[%get3A_87, %get3A_88] : memref<2x128xf32, #tpu.memory_space<vmem>>, vector<1x128xf32>
        %add3A_90 = arith.addf %get3A_89, %broadcast_in_dim3A_69 : vector<1x128xf32>
        %swap3A_91 = arith.constant 1 : index
        %swap3A_92 = arith.constant 0 : index
        %swap3A_93 = vector.load %arg12[%swap3A_91, %swap3A_92] : memref<2x128xf32, #tpu.memory_space<vmem>>, vector<1x128xf32>
        tpu.vector_store %arg12[%swap3A_91, %swap3A_92], %add3A_90 {strides = array<i32>} : memref<2x128xf32, #tpu.memory_space<vmem>>, vector<1x128xf32>,
      } else {
      }
    } else {
    }
    %eq3A_2 = arith.constant 1 : i32
    %eq3A_3 = arith.cmpi eq, %arg0, %eq3A_2 : i32
    %convert_element_type3A_4 = arith.extui %eq3A_3 : i1 to i32
    %cond3A_5 = arith.constant 0 : i32
    %cond3A_6 = arith.cmpi ne, %convert_element_type3A_4, %cond3A_5 : i32
    scf.if %cond3A_6 {
      %get3A = arith.constant 0 : index
      %get3A_7 = arith.constant 0 : index
      %get3A_8 = vector.load %arg12[%get3A, %get3A_7] : memref<2x128xf32, #tpu.memory_space<vmem>>, vector<1x128xf32>
      %mul3A = arith.constant 9.99999974E-5 : f32
      %mul3A_9 = vector.broadcast %mul3A : f32 to vector<1x128xf32>
      %mul3A_10 = arith.mulf %get3A_8, %mul3A_9 : vector<1x128xf32>
      %get3A_11 = arith.constant 1 : index
      %get3A_12 = arith.constant 0 : index
      %get3A_13 = vector.load %arg12[%get3A_11, %get3A_12] : memref<2x128xf32, #tpu.memory_space<vmem>>, vector<1x128xf32>
      %mul3A_14 = arith.constant 9.99999974E-5 : f32
      %mul3A_15 = vector.broadcast %mul3A_14 : f32 to vector<1x128xf32>
      %mul3A_16 = arith.mulf %get3A_13, %mul3A_15 : vector<1x128xf32>
      %mul3A_17 = arith.mulf %mul3A_10, %mul3A_10 : vector<1x128xf32>
      %sub3A = arith.subf %mul3A_16, %mul3A_17 : vector<1x128xf32>
      %mul3A_18 = arith.constant 1024 : i32
      %mul3A_19 = arith.muli %arg1, %mul3A_18 : i32
      %get3A_20 = arith.index_cast %mul3A_19 : i32 to index
      %get3A_21 = arith.constant 0 : index
      %get3A_22 = vector.load %arg11[%get3A_20, %get3A_21] : memref<10240x128xf32, #tpu.memory_space<vmem>>, vector<1024x128xf32>
      %sub3A_23 = vector.broadcast %mul3A_10 : vector<1x128xf32> to vector<1024x128xf32>
      %sub3A_24 = arith.subf %get3A_22, %sub3A_23 : vector<1024x128xf32>
      %add3A = arith.constant 9.99999974E-6 : f32
      %add3A_25 = vector.broadcast %add3A : f32 to vector<1x128xf32>
      %add3A_26 = arith.addf %sub3A, %add3A_25 : vector<1x128xf32>
      %rsqrt3A = math.rsqrt %add3A_26 : vector<1x128xf32>
      %mul3A_27 = vector.broadcast %rsqrt3A : vector<1x128xf32> to vector<1024x128xf32>
      %mul3A_28 = arith.mulf %sub3A_24, %mul3A_27 : vector<1024x128xf32>
      %get3A_29 = arith.constant 0 : index
      %get3A_30 = arith.constant 0 : index
      %get3A_31 = vector.load %arg8[%get3A_29, %get3A_30] : memref<1x128xf32, #tpu.memory_space<vmem>>, vector<1x128xf32>
      %mul3A_32 = vector.broadcast %get3A_31 : vector<1x128xf32> to vector<1024x128xf32>
      %mul3A_33 = arith.mulf %mul3A_28, %mul3A_32 : vector<1024x128xf32>
      %get3A_34 = arith.constant 0 : index
      %get3A_35 = arith.constant 0 : index
      %get3A_36 = vector.load %arg9[%get3A_34, %get3A_35] : memref<1x128xf32, #tpu.memory_space<vmem>>, vector<1x128xf32>
      %add3A_37 = vector.broadcast %get3A_36 : vector<1x128xf32> to vector<1024x128xf32>
      %add3A_38 = arith.addf %mul3A_33, %add3A_37 : vector<1024x128xf32>
      %get3A_39 = arith.constant 0 : index
      %get3A_40 = arith.constant 0 : index
      %get3A_41 = vector.load %arg5[%get3A_39, %get3A_40] : memref<1024x128xf32, #tpu.memory_space<vmem>>, vector<1024x128xf32>
      %add3A_42 = arith.addf %add3A_38, %get3A_41 : vector<1024x128xf32>
      %swap3A = arith.constant 0 : index
      %swap3A_43 = arith.constant 0 : index
      %swap3A_44 = vector.load %arg10[%swap3A, %swap3A_43] : memref<1024x128xf32, #tpu.memory_space<vmem>>, vector<1024x128xf32>
      tpu.vector_store %arg10[%swap3A, %swap3A_43], %add3A_42 {strides = array<i32>} : memref<1024x128xf32, #tpu.memory_space<vmem>>, vector<1024x128xf32>,
    } else {
    }
    return
  }
  func.func @transform_0(%arg0: i32, %arg1: i32) -> (i32, i32, i32) {
    %sub3A = arith.constant 1 : i32
    %sub3A_0 = arith.subi %sub3A, %arg0 : i32
    %mul3A = arith.muli %sub3A_0, %arg1 : i32
    %c0_i32 = arith.constant 0 : i32
    %c0_i32_1 = arith.constant 0 : i32
    %c0_i32_2 = arith.constant 0 : i32
    return %c0_i32, %mul3A, %c0_i32_1 : i32, i32, i32
  }
  func.func @transform_1(%arg0: i32, %arg1: i32) -> (i32, i32, i32) {
    %sub3A = arith.constant 1 : i32
    %sub3A_0 = arith.subi %sub3A, %arg0 : i32
    %mul3A = arith.muli %sub3A_0, %arg1 : i32
    %c0_i32 = arith.constant 0 : i32
    %c0_i32_1 = arith.constant 0 : i32
    %c0_i32_2 = arith.constant 0 : i32
    return %c0_i32, %mul3A, %c0_i32_1 : i32, i32, i32
  }
  func.func @transform_2(%arg0: i32, %arg1: i32) -> (i32, i32) {
    %sub3A = arith.constant 1 : i32
    %sub3A_0 = arith.subi %sub3A, %arg0 : i32
    %mul3A = arith.muli %sub3A_0, %arg1 : i32
    %c0_i32 = arith.constant 0 : i32
    %c0_i32_1 = arith.constant 0 : i32
    return %mul3A, %c0_i32 : i32, i32
  }
  func.func @transform_3(%arg0: i32, %arg1: i32) -> (i32, i32) {
    %mul3A = arith.muli %arg0, %arg1 : i32
    %c0_i32 = arith.constant 0 : i32
    %c0_i32_0 = arith.constant 0 : i32
    return %mul3A, %c0_i32 : i32, i32
  }
  func.func @transform_4(%arg0: i32, %arg1: i32) -> (i32, i32) {
    %c0_i32 = arith.constant 0 : i32
    %c0_i32_0 = arith.constant 0 : i32
    %c0_i32_1 = arith.constant 0 : i32
    return %c0_i32, %c0_i32_0 : i32, i32
  }
  func.func @transform_5(%arg0: i32, %arg1: i32) -> (i32, i32) {
    %c0_i32 = arith.constant 0 : i32
    %c0_i32_0 = arith.constant 0 : i32
    %c0_i32_1 = arith.constant 0 : i32
    return %c0_i32, %c0_i32_0 : i32, i32
  }
  func.func @transform_6(%arg0: i32, %arg1: i32) -> (i32, i32) {
    %c0_i32 = arith.constant 0 : i32
    %c0_i32_0 = arith.constant 0 : i32
    %c0_i32_1 = arith.constant 0 : i32
    return %c0_i32, %c0_i32_0 : i32, i32
  }
  func.func @transform_7(%arg0: i32, %arg1: i32) -> (i32, i32) {
    %c0_i32 = arith.constant 0 : i32
    %c0_i32_0 = arith.constant 0 : i32
    %c0_i32_1 = arith.constant 0 : i32
    return %c0_i32, %c0_i32_0 : i32, i32
  }
  func.func @transform_8(%arg0: i32, %arg1: i32) -> (i32, i32) {
    %c0_i32 = arith.constant 0 : i32
    %c0_i32_0 = arith.constant 0 : i32
    return %arg1, %c0_i32 : i32, i32
  }
}

</mosaic_0001>

<sc_bundles>
// kernel: kernel.10.cloned.1.call-start
scs
__scs_entry_jumppad:
0x0: {  	(pc) =	sbr.rel $0x88, $3  }
0x1: {  	(tag) =	ssettag $0x0;
	lr =	simm.s32 $0x1  }
0x2: {  	[smem:$0x3F93] =	sst lr;
	_ =	strace $0xD0000000  }
0x3: {  	_ = 	snop  }
0x4: {  	_ = 	snop  }
0x5: {  	_ = 	snop  }
0x6: {  	_ = 	snop  }
0x7: {  	_ = 	snop  }
__scs_overlays_trampoline_lowered:
0x8: {  	[smem:$0x3FA2] =	sst s0  }
0x9: {  	[smem:$0x3FA3] =	sst s1  }
0xa: {  	[smem:$0x3FA4] =	sst s2  }
0xb: {  	[smem:$0x3FA5] =	sst s3  }
0xc: {  	[smem:$0x3FA6] =	sst s4  }
0xd: {  	[smem:$0x3FA7] =	sst s5  }
0xe: {  	[smem:$0x3FA8] =	sst s6  }
0xf: {  	[smem:$0x3FA9] =	sst s7  }
0x10: {  	[smem:$0x3FAA] =	sst s8  }
0x11: {  	[smem:$0x3FAB] =	sst s9;
	s0 =	simm.s32 @!p0 $0x0  }
0x12: {  	s1 =	sld [smem:$0x3F91];
	s0 =	simm.s32 @p0 $0x1  }
0x13: {  	[smem:$0x3FAC] =	sst s0;
	s0 =	simm.s32 @!p1 $0x0  }
0x14: {  	s2 =	sld [smem:$0x3F90];
	s0 =	simm.s32 @p1 $0x1  }
0x15: {  	[smem:$0x3FAD] =	sst s0;
	s0 =	simm.s32 @!p2 $0x0  }
0x16: {  	s3 =	sld [smem:$0x3FDB];
	s0 =	simm.s32 @p2 $0x1  }
0x17: {  	s4 =	simm.s32 $0x1BF5;
	[smem:$0x3FAF] =	sst s0  }
0x18: {  	s0 =	sld [smem:$0x3F92];
	_ =	swait.ge [sflag:s4], $0x0  }
0x19: {  	s7 =	sld [smem:$0x3F93]  }
0x1a: {  	s8 =	sadd.s32 $0xFFFFE003, lr  }
0x1b: {  	s9 =	sadd.s32 $0xFFFFFEF7, lr;
	s5 =	simm.s32 $0xFFFFFFFF;
	p2 =	slt.u32 s8, $0xFFFFF086  }
0x1c: {  	p1 =	slt.u32 s9, $0xF7A;
	s5 =	simm.s32 @!p2 $0x0  }
0x1d: {  	s5 =	simm.s32 @p1 $0x1;
	p0 =	seq.s32 s7, s2  }
0x1e: {  	s7 =	smul.u32 @!p0 $0xF7A, s2;
	p2 =	seq.s32 @!p0 s5, $0x0  }
0x1f: {  	s9 =	smul.u32 $0xF7A, s1;
	s8 =	simm.s32 @!p0 $0x1BF5;
	p2 =	por !p2, p0  }
0x20: {  	[sflag:s8] =	ssyncset.s32 @!p0 $0xFFFFF086;
	s6 =	sadd.s32 @!p0 s3, s7;
	s7 =	simm.s32 @!p0 $0x108  }
0x21: {  	s3 =	sadd.s32 s3, s9;
	s6 =	sadd.s32 @!p0 $0x88, s6;
	s7 =	simm.s32 @p2 $0x1082  }
0x22: {  	[simem:s7], [sflag:s8] =	dma.local @!p0 [hbm:s6], $0xF7A  }
0x23: {  	s9 =	sor.u32 $0xD0000000, s2;
	s6 =	simm.s32 $0x108;
	_ =	swait.ge @!p0 [sflag:s8], $0x0  }
0x24: {  	s3 =	sadd.s32 $0x88, s3;
	s6 =	simm.s32 @!p1 $0x1082;
	[sflag:s4] =	ssyncset.s32 $0xFFFFF086  }
0x25: {  	[simem:s6], [sflag:s4] =	dma.local [hbm:s3], $0xF7A  }
0x26: {  	[smem:$0x3F93] =	sst s1;
	(tag) =	ssettag s2;
	_ =	strace s9  }
0x27: {  	s1 =	sld [smem:$0x3FA3]  }
0x28: {  	s2 =	sld [smem:$0x3FA4]  }
0x29: {  	s4 =	sld [smem:$0x3FA6]  }
0x2a: {  	p0 =	seq.s32 s5, $0x0;
	s5 =	sld [smem:$0x3FA7]  }
0x2b: {  	s6 =	sld [smem:$0x3FA8]  }
0x2c: {  	s7 =	sld [smem:$0x3FA9]  }
0x2d: {  	s3 =	simm.s32 $0x108;
	s8 =	sld [smem:$0x3FAA]  }
0x2e: {  	s3 =	simm.s32 @!p0 $0x1082;
	s9 =	sld [smem:$0x3FAB]  }
0x2f: {  	lr =	sadd.s32 s0, s3;
	s0 =	sld [smem:$0x3FA2]  }
0x30: {  	s3 =	sld [smem:$0x3FA5]  }
0x31: {  	[smem:$0x3FAE] =	sst s10  }
0x32: {  	s10 =	sld [smem:$0x3FAC];
	_ =	sdelay $0x3  }
0x33: {  	p0 =	seq.s32 s10, $0x1;
	s10 =	sld [smem:$0x3FAE];
	_ =	sdelay $0x3  }
0x34: {  	[smem:$0x3FAE] =	sst s10  }
0x35: {  	s10 =	sld [smem:$0x3FAD];
	_ =	sdelay $0x3  }
0x36: {  	p1 =	seq.s32 s10, $0x1;
	s10 =	sld [smem:$0x3FAE];
	_ =	sdelay $0x3  }
0x37: {  	[smem:$0x3FAE] =	sst s10  }
0x38: {  	s10 =	sld [smem:$0x3FAF]  }
0x39: {  	_ = 	snop;
	(pc) =	sbr.ind lr, $3  }
0x3a: {  	_ = 	snop  }
0x3b: {  	_ = 	snop  }
0x3c: {  	p2 =	seq.s32 s10, $0x1;
	s10 =	sld [smem:$0x3FAE]  }
0x3d: {  	_ =	shalt  }
0x3e: {  	_ =	shalt  }
0x3f: {  	_ =	shalt  }
0x40: {  	_ =	shalt  }
0x41: {  	_ =	shalt  }
0x42: {  	_ =	shalt  }
0x43: {  	_ =	shalt  }
0x44: {  	_ =	shalt  }
0x45: {  	_ =	shalt  }
0x46: {  	_ =	shalt  }
0x47: {  	_ =	shalt  }
0x48: {  	_ =	shalt  }
0x49: {  	_ =	shalt  }
0x4a: {  	_ =	shalt  }
0x4b: {  	_ =	shalt  }
0x4c: {  	_ =	shalt  }
0x4d: {  	_ =	shalt  }
0x4e: {  	_ =	shalt  }
0x4f: {  	_ =	shalt  }
0x50: {  	_ =	shalt  }
0x51: {  	_ =	shalt  }
0x52: {  	_ =	shalt  }
0x53: {  	_ =	shalt  }
0x54: {  	_ =	shalt  }
0x55: {  	_ =	shalt  }
0x56: {  	_ =	shalt  }
0x57: {  	_ =	shalt  }
0x58: {  	_ =	shalt  }
0x59: {  	_ =	shalt  }
0x5a: {  	_ =	shalt  }
0x5b: {  	_ =	shalt  }
0x5c: {  	_ =	shalt  }
0x5d: {  	_ =	shalt  }
0x5e: {  	_ =	shalt  }
0x5f: {  	_ =	shalt  }
0x60: {  	_ =	shalt  }
0x61: {  	_ =	shalt  }
0x62: {  	_ =	shalt  }
0x63: {  	_ =	shalt  }
0x64: {  	_ =	shalt  }
0x65: {  	_ =	shalt  }
0x66: {  	_ =	shalt  }
0x67: {  	_ =	shalt  }
0x68: {  	_ =	shalt  }
0x69: {  	_ =	shalt  }
0x6a: {  	_ =	shalt  }
0x6b: {  	_ =	shalt  }
0x6c: {  	_ =	shalt  }
0x6d: {  	_ =	shalt  }
0x6e: {  	_ =	shalt  }
0x6f: {  	_ =	shalt  }
0x70: {  	_ =	shalt  }
0x71: {  	_ =	shalt  }
0x72: {  	_ =	shalt  }
0x73: {  	_ =	shalt  }
0x74: {  	_ =	shalt  }
0x75: {  	_ =	shalt  }
0x76: {  	_ =	shalt  }
0x77: {  	_ =	shalt  }
0x78: {  	_ =	shalt  }
0x79: {  	_ =	shalt  }
0x7a: {  	_ =	shalt  }
0x7b: {  	_ =	shalt  }
0x7c: {  	_ =	shalt  }
0x7d: {  	_ =	shalt  }
0x7e: {  	_ =	shalt  }
0x7f: {  	_ =	shalt  }
0x80: {  	_ =	shalt  }
0x81: {  	_ =	shalt  }
0x82: {  	_ =	shalt  }
0x83: {  	_ =	shalt  }
0x84: {  	_ =	shalt  }
0x85: {  	_ =	shalt  }
0x86: {  	_ =	shalt  }
0x87: {  	_ =	shalt  }
.Lfunc_end0:
.L_simem_size_0:
called_computation.1_lowered:
.L_overlay_start_0:
0x88: {  	s2 =	sld [smem:$0x3FD9]  }
0x89: {  	s3 =	sld [smem:$0x3FFE];
	_ =	sdelay $0x1  }
0x8a: {  	s1 =	srdreg.scid  }
0x8b: {  	s0 =	sand.u32 $0x1, s1  }
0x8c: {  	s17 =	sshll.u32 s0, $0xA;
	s2 =	sadd.s32 s3, s2  }
0x8d: {  	s2 =	sadd.s32 s2, s17  }
0x8e: {  	[smem:$0x3FBA] =	sst s2  }
0x8f: {  	_ = 	snop  }
0x90: {  	s2 =	sld [smem:$0x3FD0];
	(tm) =	ssettm $0x1  }
0x91: {  	s18 =	sld [smem:$0x3FFB];
	_ =	sdelay $0x3  }
0x92: {  	_ =	strace s18  }
0x93: {  	s3 =	sld [smem:$0x3FFC];
	_ =	sdelay $0x3  }
0x94: {  	_ =	strace s3  }
0x95: {  	s3 =	sld [smem:$0x3FFD];
	_ =	sdelay $0x3  }
0x96: {  	_ =	strace s3  }
0x97: {  	_ =	strace $0x8FFFFFFF  }
0x98: {  	s19 =	sld [smem:$0x3FDB];
	_ =	sdelay $0x1  }
0x99: {  	s4 =	simm.s32 $_scs_section_size  }
0x9a: {  	s5 =	simm.s32 $_size__tile_overlayer_lowered;
	s6 =	simm.s32 $_tile_overlayer_lowered  }
0x9b: {  	s22 =	simm.s32 $0x1BFF;
	s21 =	sshll.u32 s6, $0x1;
	s3 =	sadd.s32 s4, s19  }
0x9c: {  	s7 =	simm.s32 $0x0;
	s20 =	sshll.u32 s5, $0x1;
	s5 =	sadd.s32 s21, s3  }
0x9d: {  	[timem:s7], [sflag:s22] =	dma.local [hbm:s5], s20  }
0x9e: {  	_ =	swait.ge [sflag:s22], s20  }
0x9f: {  	s4 =	ssub.s32 $0x0, s20;
	[sflag:s22] =	ssyncset.done $0x0  }
0xa0: {  	[sflag:s22] =	ssyncadd.s32 s4;
	_ =	sdelay $0x1  }
0xa1: {  	s23 =	simm.s32 $0x1B8B  }
0xa2: {  	_ =	swait.ge [sflag:s23], $0x1  }
0xa3: {  	[sflag:s23] =	ssyncset.done $0x0  }
0xa4: {  	s25 =	simm.s32 $0x1B8E;
	s24 =	sld [smem:$0x3FFE];
	[sflag:s23] =	ssyncadd.s32 $0xFFFFFFFF  }
0xa5: {  	s26 =	simm.s32 $execute0_lowered;
	[smem:$0x3FD2] =	sst s25  }
0xa6: {  	s5 =	sshll.u32 s26, $0x1;
	_ =	strace $0x80000049;
	[dreg:$0x1] =	wrdreg $0xFFFFFFFF  }
0xa7: {  	s28 =	simm.s32 $_size_execute0_lowered;
	s3 =	sadd.s32 s3, s5;
	[dreg:$0x0] =	wrdreg $0x0  }
0xa8: {  	s5 =	sshll.u32 s28, $0x1;
	[dreg:$0x2] =	wrdreg s3  }
0xa9: {  	[dreg:$0x3] =	wrdreg s5  }
0xaa: {  	[dreg:$0x4] =	wrdreg $0xC0  }
0xab: {  	_ =	task [dreg:s7], $0x5FFFF  }
0xac: {  	[dreg:$0x1] =	wrdreg $0xFFFFFFFF  }
0xad: {  	[dreg:$0x0] =	wrdreg $0x60  }
0xae: {  	[dreg:$0x2] =	wrdreg s2  }
0xaf: {  	[dreg:$0x3] =	wrdreg s24  }
0xb0: {  	[dreg:$0x4] =	wrdreg $0xBC200  }
0xb1: {  	[dreg:$0x5] =	wrdreg $0x9  }
0xb2: {  	_ =	task.clear_ibuf [dreg:s7], $0x6FFFF;
	_ =	strace $0x90000049  }
0xb3: {  	s29 =	simm.s32 $0x9;
	_ =	strace $0x8000004B  }
0xb4: {  	_ =	swait.ge [sflag:s29], $0x1  }
0xb5: {  	[sflag:s29] =	ssyncadd.s32 $0xFFFFFFFF  }
0xb6: {  	_ =	strace $0x9000004B  }
0xb7: {  	_ =	sfence  }
0xb8: {  	s30 =	sld [smem:$0x0];
	_ =	sdelay $0x2  }
0xb9: {  	s31 =	sshll.u32 s1, $0xD;
	s1 =	sshrl.u32 s1, $0x2  }
0xba: {  	s3 =	sand.u32 $0x4000, s31;
	s1 =	sadd.s32 s1, s30  }
0xbb: {  	s0 =	sor.u32 s3, s0;
	s1 =	sshll.u32 s1, $0x11  }
0xbc: {  	s0 =	sor.u32 s1, s0  }
0xbd: {  	s0 =	sadd.s32 $0x8F2B, s0  }
0xbe: {  	[sflag:s0] =	ssyncadd.remote.s32 $0x1  }
0xbf: {  	_ =	sfence.sel $0xFFFF  }
0xc0: {  	[dreg:$0x0] =	wrdreg $0xFFFFFFFF;
	(pc) =	sbr.abs _section_cstart, $3  }
0xc1: {  	[dreg:$0x1] =	wrdreg $0xFFFFFFFF  }
0xc2: {  	_ =	task.clear_ibuf [dreg:s7], $0x2FFFF;
	_ =	strace $0x9FFFFFFF  }
0xc3: {  	(tm) =	ssettm $0x7FFFFFFF  }
tec
execute0_lowered:
.L_overlay_start_1:
0x0: {  	(tag) =	ssettag $0x1  }
0x1: {  	s1 =	rddreg [dreg:$0x0]  }
0x2: {  	s0 =	srdreg.scid;
	s2 =	rddreg [dreg:$0x1]  }
0x3: {  	s7 =	stileid.u32;
	s3 =	rddreg [dreg:$0x2]  }
0x4: {  	s8 =	simm.s32 $0x0;
	s29 =	simm.s32 $0x50;
	s30 =	simm.s32 $0x4E20  }
0x5: {  	s31 =	simm.s32 $0x6220;
	s28 =	simm.s32 $0x9E20;
	s9 =	simm.s32 $0x5  }
0x6: {  	s10 =	simm.s32 $0x0;
	s0 =	sand.u32 $0x1, s0;
	s4 =	smul.u32 $0x14000, s7  }
0x7: {  	s5 =	sshll.u32 s7, $0x1;
	[smem:$0x7FF] =	sst s8;
	s7 =	smul.u32 $0x28000, s7  }
0x8: {  	s8 =	simm.s32 $0x4;
	s6 =	smul.u32 $0x140000, s0;
	s5 =	sor.u32 s0, s5  }
0x9: {  	_ =	strace $0x8000004A;
	s0 =	ssub.s32 $0x2, s0;
	s5 =	smul.u32 $0x4E2, s5  }
0xa: {  	s12 =	sshrl.u32 s0, $0x1;
	s13 =	sshrl.u32 s7, $0x2;
	s7 =	simm.s32 $0x3  }
0xb: {  	s6 =	sadd.s32 s4, s6;
	s4 =	sshrl.u32 s4, $0x1;
	s14 =	sadd.s32 s13, s3  }
0xc: {  	s0 =	ssub.s32 s0, s12;
	s6 =	sshrl.u32 s6, $0x4;
	s19 =	sadd.s32 $0x1400, s14  }
0xd: {  	s11 =	sadd.s32 s5, s2;
	s20 =	sadd.s32 $0x1E00, s14;
	[dreg:$0x5] =	wrdreg s19  }
0xe: {  	s5 =	sadd.s32 s4, s3;
	s21 =	sadd.s32 $0x2800, s14;
	[dreg:$0x6] =	wrdreg s20  }
0xf: {  	s22 =	sadd.s32 $0x3200, s14;
	s23 =	sadd.s32 $0x3C00, s14;
	[dreg:$0x7] =	wrdreg s21  }
0x10: {  	s24 =	sadd.s32 $0x4600, s14;
	s25 =	sadd.s32 $0x5000, s14;
	[dreg:$0x8] =	wrdreg s22  }
0x11: {  	s26 =	sadd.s32 $0x5A00, s14;
	s15 =	sadd.s32 $0x6400, s14;
	[dreg:$0x9] =	wrdreg s23  }
0x12: {  	s16 =	sadd.s32 $0x6E00, s14;
	s17 =	sadd.s32 $0x7800, s14;
	[dreg:$0xa] =	wrdreg s24  }
0x13: {  	s18 =	sadd.s32 $0x8200, s14;
	s4 =	simm.s32 $0x1;
	[dreg:$0xb] =	wrdreg s25  }
0x14: {  	s2 =	sadd.s32 s6, s2;
	s6 =	sadd.s32 $0xA00, s14;
	[dreg:$0xc] =	wrdreg s26  }
0x15: {  	s19 =	sadd.s32 $0x8C00, s14;
	s20 =	sadd.s32 $0x9600, s14;
	s21 =	sadd.s32 $0x2A00, s11  }
0x16: {  	s22 =	sadd.s32 $0xC800, s11;
	s24 =	smax.u32 s0, $0x1;
	s25 =	simm.s32 $0xB220  }
0x17: {  	s26 =	simm.s32 $0x6;
	s0 =	simm.s32 $0x7620;
	[dreg:$0x4] =	wrdreg s6  }
0x18: {  	v0 =	vimm.bf16 $0.0e+00;
	s23 =	sadd.s32 $0x16600, s2;
	s2 =	simm.s32 $0x8A20;
	s6 =	simm.s32 $0x2  }
.LBB2_1:
0x19: {  	s12 =	simm.s32 $0x0  }
0x1a: {  	s11 =	sand.u32 $0x3F00, s12;
	s12 =	sand.u32 $0x60, s12  }
0x1b: {  	s11 =	sshrl.u32 s11, $0x2;
	s12 =	sshrl.u32 s12, $0x1  }
0x1c: {  	s12 =	sor.u32 s12, s11  }
0x1d: {  	s11 =	simm.s32 $0x40;
	[tilespmem:s12+$0xB220] =	vst v0;
	s12 =	simm.s32 $0x0  }
.LBB2_2:
0x1e: {  	p0 =	sne.s32 s11, $0x27C0  }
.Ltmp0:
0x1f: {  	s13 =	sand.u32 $0x3F00, s11;
	s12 =	sadd.s32 $0x20, s12;
	(pc) =	sbr.rel @p0 .LBB2_2-.Ltmp0, $4  }
0x20: {  	s11 =	sadd.s32 $0x40, s11;
	s14 =	sand.u32 $0x60, s12  }
0x21: {  	s13 =	sshrl.u32 s13, $0x2;
	s14 =	sshrl.u32 s14, $0x1  }
0x22: {  	s13 =	sor.u32 s14, s13  }
0x23: {  	[tilespmem:s13+$0xB220] =	vst v0  }
0x24: {  	[spmem:s5] =	stream.linear.scatter [tilespmem:s25], [sflag:$0x6], $0xA00, $0x38;
	[tilespmem:$0x15C20] =	vst v63  }
0x25: {  	_ =	swait.ge [sflag:s26], $0xA00  }
0x26: {  	[sflag:s26] =	ssyncset.done $0x0  }
0x27: {  	s11 =	rddreg [dreg:$0x4];
	[sflag:s26] =	ssyncadd.s32 $0xFFFFF600  }
0x28: {  	[spmem:s11] =	stream.linear.scatter [tilespmem:s25], [sflag:$0x6], $0xA00, $0x38;
	[tilespmem:$0x15C20] =	vst v63  }
0x29: {  	_ =	swait.ge [sflag:s26], $0xA00  }
0x2a: {  	[sflag:s26] =	ssyncset.done $0x0  }
0x2b: {  	s12 =	rddreg [dreg:$0x5];
	[sflag:s26] =	ssyncadd.s32 $0xFFFFF600  }
0x2c: {  	[spmem:s12] =	stream.linear.scatter [tilespmem:s25], [sflag:$0x6], $0xA00, $0x38;
	[tilespmem:$0x15C20] =	vst v63  }
0x2d: {  	_ =	swait.ge [sflag:s26], $0xA00  }
0x2e: {  	[sflag:s26] =	ssyncset.done $0x0  }
0x2f: {  	s13 =	rddreg [dreg:$0x6];
	[sflag:s26] =	ssyncadd.s32 $0xFFFFF600  }
0x30: {  	[spmem:s13] =	stream.linear.scatter [tilespmem:s25], [sflag:$0x6], $0xA00, $0x38;
	[tilespmem:$0x15C20] =	vst v63  }
0x31: {  	_ =	swait.ge [sflag:s26], $0xA00  }
0x32: {  	[sflag:s26] =	ssyncset.done $0x0  }
0x33: {  	s14 =	rddreg [dreg:$0x7];
	[sflag:s26] =	ssyncadd.s32 $0xFFFFF600  }
0x34: {  	[spmem:s14] =	stream.linear.scatter [tilespmem:s25], [sflag:$0x6], $0xA00, $0x38;
	[tilespmem:$0x15C20] =	vst v63  }
0x35: {  	_ =	swait.ge [sflag:s26], $0xA00  }
0x36: {  	[sflag:s26] =	ssyncset.done $0x0  }
0x37: {  	s12 =	rddreg [dreg:$0x8];
	[sflag:s26] =	ssyncadd.s32 $0xFFFFF600  }
0x38: {  	[spmem:s12] =	stream.linear.scatter [tilespmem:s25], [sflag:$0x6], $0xA00, $0x38;
	[tilespmem:$0x15C20] =	vst v63  }
0x39: {  	_ =	swait.ge [sflag:s26], $0xA00  }
0x3a: {  	[sflag:s26] =	ssyncset.done $0x0  }
0x3b: {  	s13 =	rddreg [dreg:$0x9];
	[sflag:s26] =	ssyncadd.s32 $0xFFFFF600  }
0x3c: {  	[spmem:s13] =	stream.linear.scatter [tilespmem:s25], [sflag:$0x6], $0xA00, $0x38;
	[tilespmem:$0x15C20] =	vst v63  }
0x3d: {  	_ =	swait.ge [sflag:s26], $0xA00  }
0x3e: {  	[sflag:s26] =	ssyncset.done $0x0  }
0x3f: {  	s14 =	rddreg [dreg:$0xa];
	[sflag:s26] =	ssyncadd.s32 $0xFFFFF600  }
0x40: {  	[spmem:s14] =	stream.linear.scatter [tilespmem:s25], [sflag:$0x6], $0xA00, $0x38;
	[tilespmem:$0x15C20] =	vst v63  }
0x41: {  	_ =	swait.ge [sflag:s26], $0xA00  }
0x42: {  	[sflag:s26] =	ssyncset.done $0x0  }
0x43: {  	s12 =	rddreg [dreg:$0xb];
	[sflag:s26] =	ssyncadd.s32 $0xFFFFF600  }
0x44: {  	[spmem:s12] =	stream.linear.scatter [tilespmem:s25], [sflag:$0x6], $0xA00, $0x38;
	[tilespmem:$0x15C20] =	vst v63  }
0x45: {  	_ =	swait.ge [sflag:s26], $0xA00  }
0x46: {  	[sflag:s26] =	ssyncset.done $0x0  }
0x47: {  	s13 =	rddreg [dreg:$0xc];
	[sflag:s26] =	ssyncadd.s32 $0xFFFFF600  }
0x48: {  	[spmem:s13] =	stream.linear.scatter [tilespmem:s25], [sflag:$0x6], $0xA00, $0x38;
	[tilespmem:$0x15C20] =	vst v63  }
0x49: {  	_ =	swait.ge [sflag:s26], $0xA00  }
0x4a: {  	[sflag:s26] =	ssyncset.done $0x0  }
0x4b: {  	[sflag:s26] =	ssyncadd.s32 $0xFFFFF600  }
0x4c: {  	[spmem:s15] =	stream.linear.scatter [tilespmem:s25], [sflag:$0x6], $0xA00, $0x38;
	[tilespmem:$0x15C20] =	vst v63  }
0x4d: {  	_ =	swait.ge [sflag:s26], $0xA00  }
0x4e: {  	[sflag:s26] =	ssyncset.done $0x0  }
0x4f: {  	[sflag:s26] =	ssyncadd.s32 $0xFFFFF600  }
0x50: {  	[spmem:s16] =	stream.linear.scatter [tilespmem:s25], [sflag:$0x6], $0xA00, $0x38;
	[tilespmem:$0x15C20] =	vst v63  }
0x51: {  	_ =	swait.ge [sflag:s26], $0xA00  }
0x52: {  	[sflag:s26] =	ssyncset.done $0x0  }
0x53: {  	[sflag:s26] =	ssyncadd.s32 $0xFFFFF600  }
0x54: {  	[spmem:s17] =	stream.linear.scatter [tilespmem:s25], [sflag:$0x6], $0xA00, $0x38;
	[tilespmem:$0x15C20] =	vst v63  }
0x55: {  	_ =	swait.ge [sflag:s26], $0xA00  }
0x56: {  	[sflag:s26] =	ssyncset.done $0x0  }
0x57: {  	[sflag:s26] =	ssyncadd.s32 $0xFFFFF600  }
0x58: {  	[spmem:s18] =	stream.linear.scatter [tilespmem:s25], [sflag:$0x6], $0xA00, $0x38;
	[tilespmem:$0x15C20] =	vst v63  }
0x59: {  	_ =	swait.ge [sflag:s26], $0xA00  }
0x5a: {  	[sflag:s26] =	ssyncset.done $0x0  }
0x5b: {  	[sflag:s26] =	ssyncadd.s32 $0xFFFFF600  }
0x5c: {  	[spmem:s19] =	stream.linear.scatter [tilespmem:s25], [sflag:$0x6], $0xA00, $0x38;
	[tilespmem:$0x15C20] =	vst v63  }
0x5d: {  	_ =	swait.ge [sflag:s26], $0xA00  }
0x5e: {  	[sflag:s26] =	ssyncset.done $0x0  }
0x5f: {  	[sflag:s26] =	ssyncadd.s32 $0xFFFFF600  }
0x60: {  	[spmem:s20] =	stream.linear.scatter [tilespmem:s25], [sflag:$0x6], $0xA00, $0x38;
	[tilespmem:$0x15C20] =	vst v63  }
0x61: {  	_ =	swait.ge [sflag:s26], $0xA00  }
0x62: {  	[sflag:s26] =	ssyncset.done $0x0  }
0x63: {  	s14 =	simm.s32 $0x0;
	[sflag:s26] =	ssyncadd.s32 $0xFFFFF600  }
0x64: {  	[tilespmem:s14], [sflag:$0x6] =	stream.linear.gather [hbm4b:s21+s14], $0x2710, $0x38;
	[tilespmem:$0x15C20] =	vst v63  }
0x65: {  	_ =	swait.ge [sflag:s26], $0x2710  }
0x66: {  	[sflag:s26] =	ssyncset.done $0x0  }
0x67: {  	s12 =	simm.s32 $0x2710;
	[sflag:s26] =	ssyncadd.s32 $0xFFFFD8F0  }
0x68: {  	[tilespmem:s12], [sflag:$0x6] =	stream.linear.gather [hbm4b:s22+s14], $0x2710, $0x38;
	[tilespmem:$0x15C20] =	vst v63  }
0x69: {  	_ =	swait.ge [sflag:s26], $0x2710  }
0x6a: {  	[sflag:s26] =	ssyncset.done $0x0  }
0x6b: {  	[sflag:s26] =	ssyncadd.s32 $0xFFFFD8F0  }
0x6c: {  	[tilespmem:s30], [sflag:$0x1] =	stream.indirect.gather [hbm4b:s1+s29], $0x40, s14, s29, $0xb8;
	[tilespmem:$0x15C20] =	vst v63  }
0x6d: {  	_ = 	snop  }
0x6e: {  	[tilespmem:s31], [sflag:$0x2] =	stream.indirect.gather [hbm4b:s1+s29], $0x40, s29, s29, $0xb8;
	[tilespmem:$0x15C20] =	vst v63  }
0x6f: {  	s12 =	simm.s32 $0xA0  }
0x70: {  	[tilespmem:s0], [sflag:$0x3] =	stream.indirect.gather [hbm4b:s1+s29], $0x40, s12, s29, $0xb8;
	[tilespmem:$0x15C20] =	vst v63  }
0x71: {  	s13 =	simm.s32 $0xF0  }
0x72: {  	[tilespmem:s2], [sflag:$0x4] =	stream.indirect.gather [hbm4b:s1+s29], $0x40, s13, s29, $0xb8;
	[tilespmem:$0x15C20] =	vst v63  }
0x73: {  	s14 =	simm.s32 $0x140  }
0x74: {  	[tilespmem:s28], [sflag:$0x5] =	stream.indirect.gather [hbm4b:s1+s29], $0x40, s14, s29, $0xb8;
	[tilespmem:$0x15C20] =	vst v63  }
0x75: {  	[bflag:$0x0] =	sbarrier.arrive $0xFFFF  }
0x76: {  	_ =	swait.ge [sflag:s4], $0x1400  }
0x77: {  	[sflag:s4] =	ssyncset.done $0x0  }
0x78: {  	s12 =	simm.s32 $0x2710;
	[sflag:s4] =	ssyncadd.s32 $0xFFFFEC00  }
0x79: {  	[spmem:s3] =	stream.indirect.scatter.add.bf16 [tilespmem:s30], [sflag:$0x6], $0x40, s12, s29, $0xb8;
	[tilespmem:$0x15C20] =	vst v63  }
0x7a: {  	_ =	swait.ge [sflag:s26], $0x1400  }
0x7b: {  	[sflag:s26] =	ssyncset.done $0x0  }
0x7c: {  	s13 =	simm.s32 $0x190;
	[sflag:s26] =	ssyncadd.s32 $0xFFFFEC00  }
0x7d: {  	[tilespmem:s30], [sflag:$0x1] =	stream.indirect.gather [hbm4b:s1+s29], $0x40, s13, s29, $0xb8;
	[tilespmem:$0x15C20] =	vst v63  }
0x7e: {  	_ =	swait.ge [sflag:s6], $0x1400  }
0x7f: {  	[sflag:s6] =	ssyncset.done $0x0  }
0x80: {  	s14 =	simm.s32 $0x2760;
	[sflag:s6] =	ssyncadd.s32 $0xFFFFEC00  }
0x81: {  	[spmem:s3] =	stream.indirect.scatter.add.bf16 [tilespmem:s31], [sflag:$0x6], $0x40, s14, s29, $0xb8;
	[tilespmem:$0x15C20] =	vst v63  }
0x82: {  	_ =	swait.ge [sflag:s26], $0x1400  }
0x83: {  	[sflag:s26] =	ssyncset.done $0x0  }
0x84: {  	s12 =	simm.s32 $0x1E0;
	[sflag:s26] =	ssyncadd.s32 $0xFFFFEC00  }
0x85: {  	[tilespmem:s31], [sflag:$0x2] =	stream.indirect.gather [hbm4b:s1+s29], $0x40, s12, s29, $0xb8;
	[tilespmem:$0x15C20] =	vst v63  }
0x86: {  	_ =	swait.ge [sflag:s7], $0x1400  }
0x87: {  	[sflag:s7] =	ssyncset.done $0x0  }
0x88: {  	s13 =	simm.s32 $0x27B0;
	[sflag:s7] =	ssyncadd.s32 $0xFFFFEC00  }
0x89: {  	[spmem:s3] =	stream.indirect.scatter.add.bf16 [tilespmem:s0], [sflag:$0x6], $0x40, s13, s29, $0xb8;
	[tilespmem:$0x15C20] =	vst v63  }
0x8a: {  	_ =	swait.ge [sflag:s26], $0x1400  }
0x8b: {  	[sflag:s26] =	ssyncset.done $0x0  }
0x8c: {  	s14 =	simm.s32 $0x230;
	[sflag:s26] =	ssyncadd.s32 $0xFFFFEC00  }
0x8d: {  	[tilespmem:s0], [sflag:$0x3] =	stream.indirect.gather [hbm4b:s1+s29], $0x40, s14, s29, $0xb8;
	[tilespmem:$0x15C20] =	vst v63  }
0x8e: {  	_ =	swait.ge [sflag:s8], $0x1400  }
0x8f: {  	[sflag:s8] =	ssyncset.done $0x0  }
0x90: {  	s12 =	simm.s32 $0x2800;
	[sflag:s8] =	ssyncadd.s32 $0xFFFFEC00  }
0x91: {  	[spmem:s3] =	stream.indirect.scatter.add.bf16 [tilespmem:s2], [sflag:$0x6], $0x40, s12, s29, $0xb8;
	[tilespmem:$0x15C20] =	vst v63  }
0x92: {  	_ =	swait.ge [sflag:s26], $0x1400  }
0x93: {  	[sflag:s26] =	ssyncset.done $0x0  }
0x94: {  	s13 =	simm.s32 $0x280;
	[sflag:s26] =	ssyncadd.s32 $0xFFFFEC00  }
0x95: {  	[tilespmem:s2], [sflag:$0x4] =	stream.indirect.gather [hbm4b:s1+s29], $0x40, s13, s29, $0xb8;
	[tilespmem:$0x15C20] =	vst v63  }
0x96: {  	_ =	swait.ge [sflag:s9], $0x1400  }
0x97: {  	[sflag:s9] =	ssyncset.done $0x0  }
0x98: {  	s14 =	simm.s32 $0x2850;
	[sflag:s9] =	ssyncadd.s32 $0xFFFFEC00  }
0x99: {  	[spmem:s3] =	stream.indirect.scatter.add.bf16 [tilespmem:s28], [sflag:$0x6], $0x40, s14, s29, $0xb8;
	[tilespmem:$0x15C20] =	vst v63  }
0x9a: {  	_ =	swait.ge [sflag:s26], $0x1400  }
0x9b: {  	[sflag:s26] =	ssyncset.done $0x0  }
0x9c: {  	s11 =	simm.s32 $0x640;
	s12 =	simm.s32 $0x2D0;
	[sflag:s26] =	ssyncadd.s32 $0xFFFFEC00  }
.LBB2_4:
0x9d: {  	[tilespmem:s28], [sflag:$0x5] =	stream.indirect.gather [hbm4b:s1+s29], $0x40, s12, s29, $0xb8;
	[tilespmem:$0x15C20] =	vst v63  }
0x9e: {  	s12 =	smov.u32 s11  }
0x9f: {  	p0 =	sne.s32 s11, $0x8FC0;
	s11 =	sadd.s32 $0x640, s11;
	_ =	swait.ge [sflag:s4], $0x1400  }
0xa0: {  	s12 =	sshra.s32 s12, $0x2;
	[sflag:s4] =	ssyncset.done $0x0  }
0xa1: {  	s13 =	sadd.s32 $0x2710, s12;
	[sflag:s4] =	ssyncadd.s32 $0xFFFFEC00  }
0xa2: {  	[spmem:s3] =	stream.indirect.scatter.add.bf16 [tilespmem:s30], [sflag:$0x6], $0x40, s13, s29, $0xb8;
	[tilespmem:$0x15C20] =	vst v63  }
0xa3: {  	_ =	swait.ge [sflag:s26], $0x1400  }
0xa4: {  	[sflag:s26] =	ssyncset.done $0x0  }
0xa5: {  	s13 =	sadd.s32 $0x190, s12;
	[sflag:s26] =	ssyncadd.s32 $0xFFFFEC00  }
0xa6: {  	[tilespmem:s30], [sflag:$0x1] =	stream.indirect.gather [hbm4b:s1+s29], $0x40, s13, s29, $0xb8;
	[tilespmem:$0x15C20] =	vst v63  }
0xa7: {  	_ =	swait.ge [sflag:s6], $0x1400  }
0xa8: {  	[sflag:s6] =	ssyncset.done $0x0  }
0xa9: {  	s13 =	sadd.s32 $0x2760, s12;
	[sflag:s6] =	ssyncadd.s32 $0xFFFFEC00  }
0xaa: {  	[spmem:s3] =	stream.indirect.scatter.add.bf16 [tilespmem:s31], [sflag:$0x6], $0x40, s13, s29, $0xb8;
	[tilespmem:$0x15C20] =	vst v63  }
0xab: {  	_ =	swait.ge [sflag:s26], $0x1400  }
0xac: {  	[sflag:s26] =	ssyncset.done $0x0  }
0xad: {  	s13 =	sadd.s32 $0x1E0, s12;
	[sflag:s26] =	ssyncadd.s32 $0xFFFFEC00  }
0xae: {  	[tilespmem:s31], [sflag:$0x2] =	stream.indirect.gather [hbm4b:s1+s29], $0x40, s13, s29, $0xb8;
	[tilespmem:$0x15C20] =	vst v63  }
0xaf: {  	_ =	swait.ge [sflag:s7], $0x1400  }
0xb0: {  	[sflag:s7] =	ssyncset.done $0x0  }
0xb1: {  	s13 =	sadd.s32 $0x27B0, s12;
	[sflag:s7] =	ssyncadd.s32 $0xFFFFEC00  }
0xb2: {  	[spmem:s3] =	stream.indirect.scatter.add.bf16 [tilespmem:s0], [sflag:$0x6], $0x40, s13, s29, $0xb8;
	[tilespmem:$0x15C20] =	vst v63  }
0xb3: {  	_ =	swait.ge [sflag:s26], $0x1400  }
0xb4: {  	[sflag:s26] =	ssyncset.done $0x0  }
0xb5: {  	s13 =	sadd.s32 $0x230, s12;
	[sflag:s26] =	ssyncadd.s32 $0xFFFFEC00  }
0xb6: {  	[tilespmem:s0], [sflag:$0x3] =	stream.indirect.gather [hbm4b:s1+s29], $0x40, s13, s29, $0xb8;
	[tilespmem:$0x15C20] =	vst v63  }
0xb7: {  	_ =	swait.ge [sflag:s8], $0x1400  }
0xb8: {  	[sflag:s8] =	ssyncset.done $0x0  }
0xb9: {  	s13 =	sadd.s32 $0x2800, s12;
	[sflag:s8] =	ssyncadd.s32 $0xFFFFEC00  }
0xba: {  	[spmem:s3] =	stream.indirect.scatter.add.bf16 [tilespmem:s2], [sflag:$0x6], $0x40, s13, s29, $0xb8;
	[tilespmem:$0x15C20] =	vst v63  }
0xbb: {  	_ =	swait.ge [sflag:s26], $0x1400  }
0xbc: {  	[sflag:s26] =	ssyncset.done $0x0  }
0xbd: {  	s13 =	sadd.s32 $0x280, s12;
	[sflag:s26] =	ssyncadd.s32 $0xFFFFEC00  }
0xbe: {  	[tilespmem:s2], [sflag:$0x4] =	stream.indirect.gather [hbm4b:s1+s29], $0x40, s13, s29, $0xb8;
	[tilespmem:$0x15C20] =	vst v63  }
0xbf: {  	_ =	swait.ge [sflag:s9], $0x1400  }
0xc0: {  	[sflag:s9] =	ssyncset.done $0x0  }
.Ltmp1:
0xc1: {  	s13 =	sadd.s32 $0x2850, s12;
	[sflag:s9] =	ssyncadd.s32 $0xFFFFEC00;
	(pc) =	sbr.rel @p0 .LBB2_4-.Ltmp1, $4  }
0xc2: {  	[spmem:s3] =	stream.indirect.scatter.add.bf16 [tilespmem:s28], [sflag:$0x6], $0x40, s13, s29, $0xb8;
	[tilespmem:$0x15C20] =	vst v63  }
0xc3: {  	_ =	swait.ge [sflag:s26], $0x1400  }
0xc4: {  	[sflag:s26] =	ssyncset.done $0x0  }
0xc5: {  	s12 =	sadd.s32 $0x2D0, s12;
	[sflag:s26] =	ssyncadd.s32 $0xFFFFEC00  }
0xc6: {  	[tilespmem:s28], [sflag:$0x5] =	stream.indirect.gather [hbm4b:s1+s29], $0x40, s12, s29, $0xb8;
	[tilespmem:$0x15C20] =	vst v63  }
0xc7: {  	_ =	swait.ge [sflag:s4], $0x1400  }
0xc8: {  	[sflag:s4] =	ssyncset.done $0x0  }
0xc9: {  	s11 =	simm.s32 $0x4C90;
	[sflag:s4] =	ssyncadd.s32 $0xFFFFEC00  }
0xca: {  	[spmem:s3] =	stream.indirect.scatter.add.bf16 [tilespmem:s30], [sflag:$0x6], $0x40, s11, s29, $0xb8;
	[tilespmem:$0x15C20] =	vst v63  }
0xcb: {  	_ =	swait.ge [sflag:s26], $0x1400  }
0xcc: {  	[sflag:s26] =	ssyncset.done $0x0  }
0xcd: {  	[sflag:s26] =	ssyncadd.s32 $0xFFFFEC00  }
0xce: {  	_ =	swait.ge [sflag:s6], $0x1400  }
0xcf: {  	[sflag:s6] =	ssyncset.done $0x0  }
0xd0: {  	s12 =	simm.s32 $0x4CE0;
	[sflag:s6] =	ssyncadd.s32 $0xFFFFEC00  }
0xd1: {  	[spmem:s3] =	stream.indirect.scatter.add.bf16 [tilespmem:s31], [sflag:$0x6], $0x40, s12, s29, $0xb8;
	[tilespmem:$0x15C20] =	vst v63  }
0xd2: {  	_ =	swait.ge [sflag:s26], $0x1400  }
0xd3: {  	[sflag:s26] =	ssyncset.done $0x0  }
0xd4: {  	[sflag:s26] =	ssyncadd.s32 $0xFFFFEC00  }
0xd5: {  	_ =	swait.ge [sflag:s7], $0x1400  }
0xd6: {  	[sflag:s7] =	ssyncset.done $0x0  }
0xd7: {  	s13 =	simm.s32 $0x4D30;
	[sflag:s7] =	ssyncadd.s32 $0xFFFFEC00  }
0xd8: {  	[spmem:s3] =	stream.indirect.scatter.add.bf16 [tilespmem:s0], [sflag:$0x6], $0x40, s13, s29, $0xb8;
	[tilespmem:$0x15C20] =	vst v63  }
0xd9: {  	_ =	swait.ge [sflag:s26], $0x1400  }
0xda: {  	[sflag:s26] =	ssyncset.done $0x0  }
0xdb: {  	[sflag:s26] =	ssyncadd.s32 $0xFFFFEC00  }
0xdc: {  	_ =	swait.ge [sflag:s8], $0x1400  }
0xdd: {  	[sflag:s8] =	ssyncset.done $0x0  }
0xde: {  	s14 =	simm.s32 $0x4D80;
	[sflag:s8] =	ssyncadd.s32 $0xFFFFEC00  }
0xdf: {  	[spmem:s3] =	stream.indirect.scatter.add.bf16 [tilespmem:s2], [sflag:$0x6], $0x40, s14, s29, $0xb8;
	[tilespmem:$0x15C20] =	vst v63  }
0xe0: {  	_ =	swait.ge [sflag:s26], $0x1400  }
0xe1: {  	[sflag:s26] =	ssyncset.done $0x0  }
0xe2: {  	[sflag:s26] =	ssyncadd.s32 $0xFFFFEC00  }
0xe3: {  	_ =	swait.ge [sflag:s9], $0x1400  }
0xe4: {  	[sflag:s9] =	ssyncset.done $0x0  }
0xe5: {  	s12 =	simm.s32 $0x4DD0;
	[sflag:s9] =	ssyncadd.s32 $0xFFFFEC00  }
0xe6: {  	[spmem:s3] =	stream.indirect.scatter.add.bf16 [tilespmem:s28], [sflag:$0x6], $0x40, s12, s29, $0xb8;
	[tilespmem:$0x15C20] =	vst v63  }
0xe7: {  	s13 =	stileid.u32;
	_ =	swait.ge [sflag:s26], $0x1400  }
0xe8: {  	s10 =	sadd.s32 $0x1, s10;
	s11 =	sshll.u32 s13, $0x6;
	[sflag:s26] =	ssyncset.done $0x0  }
0xe9: {  	p0 =	sne.s32 s10, s24;
	s11 =	sor.u32 $0x1C06, s11;
	[sflag:s26] =	ssyncadd.s32 $0xFFFFEC00  }
.Ltmp2:
0xea: {  	s14 =	sshrl.u32 s5, $0x3;
	[bflag:$0x0] =	sbarrier.arrive $0xFFFF;
	(pc) =	sbr.rel @p0 .LBB2_1-.Ltmp2, $4  }
0xeb: {  	[hbm:s23], [sflag:s11] =	dma.local [spmem:s14], $0x1400  }
0xec: {  	_ =	swait.ge [sflag:s26], $0x1400  }
0xed: {  	[sflag:s26] =	ssyncset.done $0x0  }
0xee: {  	[sflag:s26] =	ssyncadd.s32 $0xFFFFEC00  }
0xef: {  	_ =	sfence.sel $0x180000  }
0xf0: {  	[bflag:$0x0] =	sbarrier.arrive $0xFFFF  }
0xf1: {  	_ =	strace $0x9000004A  }
0xf2: {  	s0 =	stileid.u32;
	[bflag:$0x2] =	sbarrier.arrive $0xFFFF  }
0xf3: {  	p0 =	sne.s32 s0, $0x0;
	s0 =	rddreg [dreg:$0x3]  }
0xf4: {  	s0 =	sadd.s32 @!p0 $0x100000, s0  }
0xf5: {  	[sflag:s0] =	ssyncadd.tile.s32 @!p0 $0x1;
	_ =	shalt  }
.Lfunc_end2:
_tile_overlayer_lowered:
.L_overlay_start_2:
0xf6: {  	(tag) =	ssettag $0x2  }
0xf7: {  	s0 =	rddreg [dreg:$0x0];
	s2 =	stileid.u32  }
0xf8: {  	s1 =	rddreg [dreg:$0x1];
	p0 =	sne.s32 s2, $0x0  }
0xf9: {  	s3 =	rddreg [dreg:$0x2];
	[bflag:$0x3] =	sbarrier.arrive $0xFFFF;
	s2 =	simm.s32 @!p0 $0x1C06  }
0xfa: {  	[timem:s3], [sflag:s2] =	dma.local @!p0 [hbm:s0], s1  }
0xfb: {  	s0 =	simm.s32 @!p0 $0x6  }
0xfc: {  	_ =	swait.ge @!p0 [sflag:s0], s1  }
0xfd: {  	s1 =	ssub.s32 @!p0 $0x0, s1;
	[sflag:s0] =	ssyncset.done @!p0 $0x0  }
0xfe: {  	[sflag:s0] =	ssyncadd.s32 @!p0 s1  }
0xff: {  	[bflag:$0x3] =	sbarrier.arrive $0xFFFF  }
0x100: {  	_ =	shalt  }

// kernel: kernel.7.cloned.1.call-start
scs
__scs_entry_jumppad:
0x0: {  	(pc) =	sbr.rel $0x88, $3  }
0x1: {  	(tag) =	ssettag $0x0;
	lr =	simm.s32 $0x1  }
0x2: {  	[smem:$0x3F93] =	sst lr;
	_ =	strace $0xD0000000  }
0x3: {  	_ = 	snop  }
0x4: {  	_ = 	snop  }
0x5: {  	_ = 	snop  }
0x6: {  	_ = 	snop  }
0x7: {  	_ = 	snop  }
__scs_overlays_trampoline_lowered:
0x8: {  	[smem:$0x3FA2] =	sst s0  }
0x9: {  	[smem:$0x3FA3] =	sst s1  }
0xa: {  	[smem:$0x3FA4] =	sst s2  }
0xb: {  	[smem:$0x3FA5] =	sst s3  }
0xc: {  	[smem:$0x3FA6] =	sst s4  }
0xd: {  	[smem:$0x3FA7] =	sst s5  }
0xe: {  	[smem:$0x3FA8] =	sst s6  }
0xf: {  	[smem:$0x3FA9] =	sst s7  }
0x10: {  	[smem:$0x3FAA] =	sst s8  }
0x11: {  	[smem:$0x3FAB] =	sst s9;
	s0 =	simm.s32 @!p0 $0x0  }
0x12: {  	s1 =	sld [smem:$0x3F91];
	s0 =	simm.s32 @p0 $0x1  }
0x13: {  	[smem:$0x3FAC] =	sst s0;
	s0 =	simm.s32 @!p1 $0x0  }
0x14: {  	s2 =	sld [smem:$0x3F90];
	s0 =	simm.s32 @p1 $0x1  }
0x15: {  	[smem:$0x3FAD] =	sst s0;
	s0 =	simm.s32 @!p2 $0x0  }
0x16: {  	s3 =	sld [smem:$0x3FDB];
	s0 =	simm.s32 @p2 $0x1  }
0x17: {  	s4 =	simm.s32 $0x1BF5;
	[smem:$0x3FAF] =	sst s0  }
0x18: {  	s0 =	sld [smem:$0x3F92];
	_ =	swait.ge [sflag:s4], $0x0  }
0x19: {  	s7 =	sld [smem:$0x3F93]  }
0x1a: {  	s8 =	sadd.s32 $0xFFFFE003, lr  }
0x1b: {  	s9 =	sadd.s32 $0xFFFFFEF7, lr;
	s5 =	simm.s32 $0xFFFFFFFF;
	p2 =	slt.u32 s8, $0xFFFFF086  }
0x1c: {  	p1 =	slt.u32 s9, $0xF7A;
	s5 =	simm.s32 @!p2 $0x0  }
0x1d: {  	s5 =	simm.s32 @p1 $0x1;
	p0 =	seq.s32 s7, s2  }
0x1e: {  	s7 =	smul.u32 @!p0 $0xF7A, s2;
	p2 =	seq.s32 @!p0 s5, $0x0  }
0x1f: {  	s9 =	smul.u32 $0xF7A, s1;
	s8 =	simm.s32 @!p0 $0x1BF5;
	p2 =	por !p2, p0  }
0x20: {  	[sflag:s8] =	ssyncset.s32 @!p0 $0xFFFFF086;
	s6 =	sadd.s32 @!p0 s3, s7;
	s7 =	simm.s32 @!p0 $0x108  }
0x21: {  	s3 =	sadd.s32 s3, s9;
	s6 =	sadd.s32 @!p0 $0x88, s6;
	s7 =	simm.s32 @p2 $0x1082  }
0x22: {  	[simem:s7], [sflag:s8] =	dma.local @!p0 [hbm:s6], $0xF7A  }
0x23: {  	s9 =	sor.u32 $0xD0000000, s2;
	s6 =	simm.s32 $0x108;
	_ =	swait.ge @!p0 [sflag:s8], $0x0  }
0x24: {  	s3 =	sadd.s32 $0x88, s3;
	s6 =	simm.s32 @!p1 $0x1082;
	[sflag:s4] =	ssyncset.s32 $0xFFFFF086  }
0x25: {  	[simem:s6], [sflag:s4] =	dma.local [hbm:s3], $0xF7A  }
0x26: {  	[smem:$0x3F93] =	sst s1;
	(tag) =	ssettag s2;
	_ =	strace s9  }
0x27: {  	s1 =	sld [smem:$0x3FA3]  }
0x28: {  	s2 =	sld [smem:$0x3FA4]  }
0x29: {  	s4 =	sld [smem:$0x3FA6]  }
0x2a: {  	p0 =	seq.s32 s5, $0x0;
	s5 =	sld [smem:$0x3FA7]  }
0x2b: {  	s6 =	sld [smem:$0x3FA8]  }
0x2c: {  	s7 =	sld [smem:$0x3FA9]  }
0x2d: {  	s3 =	simm.s32 $0x108;
	s8 =	sld [smem:$0x3FAA]  }
0x2e: {  	s3 =	simm.s32 @!p0 $0x1082;
	s9 =	sld [smem:$0x3FAB]  }
0x2f: {  	lr =	sadd.s32 s0, s3;
	s0 =	sld [smem:$0x3FA2]  }
0x30: {  	s3 =	sld [smem:$0x3FA5]  }
0x31: {  	[smem:$0x3FAE] =	sst s10  }
0x32: {  	s10 =	sld [smem:$0x3FAC];
	_ =	sdelay $0x3  }
0x33: {  	p0 =	seq.s32 s10, $0x1;
	s10 =	sld [smem:$0x3FAE];
	_ =	sdelay $0x3  }
0x34: {  	[smem:$0x3FAE] =	sst s10  }
0x35: {  	s10 =	sld [smem:$0x3FAD];
	_ =	sdelay $0x3  }
0x36: {  	p1 =	seq.s32 s10, $0x1;
	s10 =	sld [smem:$0x3FAE];
	_ =	sdelay $0x3  }
0x37: {  	[smem:$0x3FAE] =	sst s10  }
0x38: {  	s10 =	sld [smem:$0x3FAF]  }
0x39: {  	_ = 	snop;
	(pc) =	sbr.ind lr, $3  }
0x3a: {  	_ = 	snop  }
0x3b: {  	_ = 	snop  }
0x3c: {  	p2 =	seq.s32 s10, $0x1;
	s10 =	sld [smem:$0x3FAE]  }
0x3d: {  	_ =	shalt  }
0x3e: {  	_ =	shalt  }
0x3f: {  	_ =	shalt  }
0x40: {  	_ =	shalt  }
0x41: {  	_ =	shalt  }
0x42: {  	_ =	shalt  }
0x43: {  	_ =	shalt  }
0x44: {  	_ =	shalt  }
0x45: {  	_ =	shalt  }
0x46: {  	_ =	shalt  }
0x47: {  	_ =	shalt  }
0x48: {  	_ =	shalt  }
0x49: {  	_ =	shalt  }
0x4a: {  	_ =	shalt  }
0x4b: {  	_ =	shalt  }
0x4c: {  	_ =	shalt  }
0x4d: {  	_ =	shalt  }
0x4e: {  	_ =	shalt  }
0x4f: {  	_ =	shalt  }
0x50: {  	_ =	shalt  }
0x51: {  	_ =	shalt  }
0x52: {  	_ =	shalt  }
0x53: {  	_ =	shalt  }
0x54: {  	_ =	shalt  }
0x55: {  	_ =	shalt  }
0x56: {  	_ =	shalt  }
0x57: {  	_ =	shalt  }
0x58: {  	_ =	shalt  }
0x59: {  	_ =	shalt  }
0x5a: {  	_ =	shalt  }
0x5b: {  	_ =	shalt  }
0x5c: {  	_ =	shalt  }
0x5d: {  	_ =	shalt  }
0x5e: {  	_ =	shalt  }
0x5f: {  	_ =	shalt  }
0x60: {  	_ =	shalt  }
0x61: {  	_ =	shalt  }
0x62: {  	_ =	shalt  }
0x63: {  	_ =	shalt  }
0x64: {  	_ =	shalt  }
0x65: {  	_ =	shalt  }
0x66: {  	_ =	shalt  }
0x67: {  	_ =	shalt  }
0x68: {  	_ =	shalt  }
0x69: {  	_ =	shalt  }
0x6a: {  	_ =	shalt  }
0x6b: {  	_ =	shalt  }
0x6c: {  	_ =	shalt  }
0x6d: {  	_ =	shalt  }
0x6e: {  	_ =	shalt  }
0x6f: {  	_ =	shalt  }
0x70: {  	_ =	shalt  }
0x71: {  	_ =	shalt  }
0x72: {  	_ =	shalt  }
0x73: {  	_ =	shalt  }
0x74: {  	_ =	shalt  }
0x75: {  	_ =	shalt  }
0x76: {  	_ =	shalt  }
0x77: {  	_ =	shalt  }
0x78: {  	_ =	shalt  }
0x79: {  	_ =	shalt  }
0x7a: {  	_ =	shalt  }
0x7b: {  	_ =	shalt  }
0x7c: {  	_ =	shalt  }
0x7d: {  	_ =	shalt  }
0x7e: {  	_ =	shalt  }
0x7f: {  	_ =	shalt  }
0x80: {  	_ =	shalt  }
0x81: {  	_ =	shalt  }
0x82: {  	_ =	shalt  }
0x83: {  	_ =	shalt  }
0x84: {  	_ =	shalt  }
0x85: {  	_ =	shalt  }
0x86: {  	_ =	shalt  }
0x87: {  	_ =	shalt  }
.Lfunc_end0:
.L_simem_size_0:
called_computation_lowered:
.L_overlay_start_0:
0x88: {  	s2 =	sld [smem:$0x3FD9]  }
0x89: {  	s3 =	sld [smem:$0x3FFE];
	_ =	sdelay $0x1  }
0x8a: {  	s1 =	srdreg.scid  }
0x8b: {  	s0 =	sand.u32 $0x1, s1  }
0x8c: {  	s17 =	sshll.u32 s0, $0xA;
	s2 =	sadd.s32 s3, s2  }
0x8d: {  	s2 =	sadd.s32 s2, s17  }
0x8e: {  	[smem:$0x3FBA] =	sst s2  }
0x8f: {  	_ = 	snop  }
0x90: {  	s2 =	sld [smem:$0x3FD0];
	(tm) =	ssettm $0x1  }
0x91: {  	s18 =	sld [smem:$0x3FFB];
	_ =	sdelay $0x3  }
0x92: {  	_ =	strace s18  }
0x93: {  	s3 =	sld [smem:$0x3FFC];
	_ =	sdelay $0x3  }
0x94: {  	_ =	strace s3  }
0x95: {  	s3 =	sld [smem:$0x3FFD];
	_ =	sdelay $0x3  }
0x96: {  	_ =	strace s3  }
0x97: {  	_ =	strace $0x8FFFFFFF  }
0x98: {  	s19 =	sld [smem:$0x3FDB];
	_ =	sdelay $0x1  }
0x99: {  	s4 =	simm.s32 $_scs_section_size  }
0x9a: {  	s5 =	simm.s32 $_size__tile_overlayer_lowered;
	s6 =	simm.s32 $_tile_overlayer_lowered  }
0x9b: {  	s22 =	simm.s32 $0x1BFF;
	s21 =	sshll.u32 s6, $0x1;
	s3 =	sadd.s32 s4, s19  }
0x9c: {  	s7 =	simm.s32 $0x0;
	s20 =	sshll.u32 s5, $0x1;
	s5 =	sadd.s32 s21, s3  }
0x9d: {  	[timem:s7], [sflag:s22] =	dma.local [hbm:s5], s20  }
0x9e: {  	_ =	swait.ge [sflag:s22], s20  }
0x9f: {  	s4 =	ssub.s32 $0x0, s20;
	[sflag:s22] =	ssyncset.done $0x0  }
0xa0: {  	[sflag:s22] =	ssyncadd.s32 s4;
	_ =	sdelay $0x1  }
0xa1: {  	s23 =	simm.s32 $0x1B8B  }
0xa2: {  	_ =	swait.ge [sflag:s23], $0x1  }
0xa3: {  	[sflag:s23] =	ssyncset.done $0x0  }
0xa4: {  	s25 =	simm.s32 $0x1B8E;
	s24 =	sld [smem:$0x3FFE];
	[sflag:s23] =	ssyncadd.s32 $0xFFFFFFFF  }
0xa5: {  	s26 =	simm.s32 $execute0_lowered;
	[smem:$0x3FD2] =	sst s25  }
0xa6: {  	s5 =	sshll.u32 s26, $0x1;
	_ =	strace $0x80000046;
	[dreg:$0x1] =	wrdreg $0xFFFFFFFF  }
0xa7: {  	s28 =	simm.s32 $_size_execute0_lowered;
	s3 =	sadd.s32 s3, s5;
	[dreg:$0x0] =	wrdreg $0x0  }
0xa8: {  	s5 =	sshll.u32 s28, $0x1;
	[dreg:$0x2] =	wrdreg s3  }
0xa9: {  	[dreg:$0x3] =	wrdreg s5  }
0xaa: {  	[dreg:$0x4] =	wrdreg $0xC0  }
0xab: {  	_ =	task [dreg:s7], $0x5FFFF  }
0xac: {  	[dreg:$0x1] =	wrdreg $0xFFFFFFFF  }
0xad: {  	[dreg:$0x0] =	wrdreg $0x60  }
0xae: {  	[dreg:$0x2] =	wrdreg s2  }
0xaf: {  	[dreg:$0x3] =	wrdreg s24  }
0xb0: {  	[dreg:$0x4] =	wrdreg $0x43000  }
0xb1: {  	[dreg:$0x5] =	wrdreg $0x9  }
0xb2: {  	_ =	task.clear_ibuf [dreg:s7], $0x6FFFF;
	_ =	strace $0x90000046  }
0xb3: {  	s29 =	simm.s32 $0x9;
	_ =	strace $0x80000048  }
0xb4: {  	_ =	swait.ge [sflag:s29], $0x1  }
0xb5: {  	[sflag:s29] =	ssyncadd.s32 $0xFFFFFFFF  }
0xb6: {  	_ =	strace $0x90000048  }
0xb7: {  	_ =	sfence  }
0xb8: {  	s30 =	sld [smem:$0x0];
	_ =	sdelay $0x2  }
0xb9: {  	s31 =	sshll.u32 s1, $0xD;
	s1 =	sshrl.u32 s1, $0x2  }
0xba: {  	s3 =	sand.u32 $0x4000, s31;
	s1 =	sadd.s32 s1, s30  }
0xbb: {  	s0 =	sor.u32 s3, s0;
	s1 =	sshll.u32 s1, $0x11  }
0xbc: {  	s0 =	sor.u32 s1, s0  }
0xbd: {  	s0 =	sadd.s32 $0x8F2B, s0  }
0xbe: {  	[sflag:s0] =	ssyncadd.remote.s32 $0x1  }
0xbf: {  	_ =	sfence.sel $0xFFFF  }
0xc0: {  	[dreg:$0x0] =	wrdreg $0xFFFFFFFF;
	(pc) =	sbr.abs _section_cstart, $3  }
0xc1: {  	[dreg:$0x1] =	wrdreg $0xFFFFFFFF  }
0xc2: {  	_ =	task.clear_ibuf [dreg:s7], $0x2FFFF;
	_ =	strace $0x9FFFFFFF  }
0xc3: {  	(tm) =	ssettm $0x7FFFFFFF  }
tec
execute0_lowered:
.L_overlay_start_1:
0x0: {  	(tag) =	ssettag $0x1  }
0x1: {  	s4 =	rddreg [dreg:$0x0]  }
0x2: {  	s5 =	rddreg [dreg:$0x1]  }
0x3: {  	s2 =	rddreg [dreg:$0x2]  }
0x4: {  	s0 =	rddreg [dreg:$0x3];
	s6 =	srdreg.scid  }
0x5: {  	s1 =	stileid.u32;
	s3 =	simm.s32 $0x0;
	s11 =	simm.s32 $0x4000  }
0x6: {  	s12 =	simm.s32 $0x1;
	s15 =	simm.s32 $0x20;
	s16 =	simm.s32 $0x10  }
0x7: {  	s17 =	simm.s32 $0x0;
	s6 =	sand.u32 $0x1, s6;
	s7 =	smul.u32 $0x500, s1  }
0x8: {  	[smem:$0x7FF] =	sst s3;
	s10 =	smul.u32 $0xA00, s1;
	s31 =	sshll.u32 s1, $0xC  }
0x9: {  	s13 =	sshll.u32 s1, $0x6;
	s8 =	sshll.u32 s6, $0x7;
	_ =	strace $0x80000047  }
0xa: {  	s28 =	ssub.s32 $0x2, s6;
	s29 =	sshll.u32 s6, $0xB;
	s13 =	sor.u32 $0x1C02, s13  }
0xb: {  	s7 =	sor.u32 s8, s7;
	s9 =	sshrl.u32 s28, $0x1;
	s30 =	sshrl.u32 s10, $0x2  }
0xc: {  	s10 =	simm.s32 $0x50;
	s7 =	sshrl.u32 s7, $0x3;
	s8 =	ssub.s32 s28, s9  }
0xd: {  	s9 =	simm.s32 $0x2;
	s7 =	sadd.s32 s7, s5;
	s5 =	sadd.s32 s4, s29  }
0xe: {  	s4 =	sadd.s32 s30, s2;
	s5 =	sadd.s32 s31, s5;
	s6 =	sadd.s32 $0x16600, s7  }
0xf: {  	v0 =	vimm.f32 $0.0e+00;
	v1 =	vimm.f32 $1.000000000e+00;
	s7 =	smax.u32 s8, $0x1;
	s8 =	simm.s32 $0x4080;
	s14 =	sshrl.u32 s4, $0x3  }
.LBB2_1:
0x10: {  	[tilespmem:$0x4080] =	vst v0  }
0x11: {  	[tilespmem:$0x4090] =	vst v0  }
0x12: {  	[tilespmem:$0x40A0] =	vst v0  }
0x13: {  	[tilespmem:$0x40B0] =	vst v0  }
0x14: {  	[tilespmem:$0x40C0] =	vst v0  }
0x15: {  	[tilespmem:$0x40D0] =	vst v0  }
0x16: {  	[tilespmem:$0x40E0] =	vst v0  }
0x17: {  	[tilespmem:$0x40F0] =	vst v0  }
0x18: {  	[tilespmem:$0x4100] =	vst v0  }
0x19: {  	[tilespmem:$0x4110] =	vst v0  }
0x1a: {  	[tilespmem:$0x4120] =	vst v0  }
0x1b: {  	[tilespmem:$0x4130] =	vst v0  }
0x1c: {  	[tilespmem:$0x4140] =	vst v0  }
0x1d: {  	[tilespmem:$0x4150] =	vst v0  }
0x1e: {  	[tilespmem:$0x4160] =	vst v0  }
0x1f: {  	[tilespmem:$0x4170] =	vst v0  }
0x20: {  	[tilespmem:$0x4180] =	vst v0  }
0x21: {  	[tilespmem:$0x4190] =	vst v0  }
0x22: {  	[tilespmem:$0x41A0] =	vst v0  }
0x23: {  	[tilespmem:$0x41B0] =	vst v0  }
0x24: {  	[tilespmem:$0x41C0] =	vst v0  }
0x25: {  	[tilespmem:$0x41D0] =	vst v0  }
0x26: {  	[tilespmem:$0x41E0] =	vst v0  }
0x27: {  	[tilespmem:$0x41F0] =	vst v0  }
0x28: {  	[tilespmem:$0x4200] =	vst v0  }
0x29: {  	[tilespmem:$0x4210] =	vst v0  }
0x2a: {  	[tilespmem:$0x4220] =	vst v0  }
0x2b: {  	[tilespmem:$0x4230] =	vst v0  }
0x2c: {  	[tilespmem:$0x4240] =	vst v0  }
0x2d: {  	[tilespmem:$0x4250] =	vst v0  }
0x2e: {  	[tilespmem:$0x4260] =	vst v0  }
0x2f: {  	[tilespmem:$0x4270] =	vst v0  }
0x30: {  	[tilespmem:$0x4280] =	vst v0  }
0x31: {  	[tilespmem:$0x4290] =	vst v0  }
0x32: {  	[tilespmem:$0x42A0] =	vst v0  }
0x33: {  	[tilespmem:$0x42B0] =	vst v0  }
0x34: {  	[tilespmem:$0x42C0] =	vst v0  }
0x35: {  	[tilespmem:$0x42D0] =	vst v0  }
0x36: {  	[tilespmem:$0x42E0] =	vst v0  }
0x37: {  	[tilespmem:$0x42F0] =	vst v0  }
0x38: {  	[tilespmem:$0x4000] =	vst v1  }
0x39: {  	[tilespmem:$0x4010] =	vst v1  }
0x3a: {  	[tilespmem:$0x4020] =	vst v1  }
0x3b: {  	[tilespmem:$0x4030] =	vst v1  }
0x3c: {  	[tilespmem:$0x4040] =	vst v1  }
0x3d: {  	[spmem:s4] =	stream.linear.scatter [tilespmem:s8], [sflag:$0x2], $0x280, $0x38;
	[tilespmem:$0x4580] =	vst v63  }
0x3e: {  	_ =	swait.ge [sflag:s9], $0x280  }
0x3f: {  	[sflag:s9] =	ssyncset.done $0x0  }
0x40: {  	[sflag:s9] =	ssyncadd.s32 $0xFFFFFD80  }
0x41: {  	[tilespmem:s3], [sflag:$0x2] =	stream.linear.gather [hbm4b:s5+s3], $0x3E80, $0x38;
	[tilespmem:$0x4580] =	vst v63  }
0x42: {  	_ =	swait.ge [sflag:s9], $0x3E80  }
0x43: {  	[sflag:s9] =	ssyncset.done $0x0  }
0x44: {  	[sflag:s9] =	ssyncadd.s32 $0xFFFFC180  }
0x45: {  	s18 =	simm.s32 $0x0;
	[bflag:$0x0] =	sbarrier.arrive $0xFFFF  }
0x46: {  	[spmem:s2] =	stream.indirect.scatter.add.f32 [tilespmem:s11], [sflag:$0x1], $0x1, s18, s10, $0xb8;
	[tilespmem:$0x4580] =	vst v63  }
0x47: {  	s19 =	simm.s32 $0x80  }
0x48: {  	[spmem:s2] =	stream.indirect.scatter.add.f32 [tilespmem:s11], [sflag:$0x1], $0x1, s19, s10, $0xb8;
	[tilespmem:$0x4580] =	vst v63  }
0x49: {  	s20 =	simm.s32 $0x100  }
0x4a: {  	[spmem:s2] =	stream.indirect.scatter.add.f32 [tilespmem:s11], [sflag:$0x1], $0x1, s20, s10, $0xb8;
	[tilespmem:$0x4580] =	vst v63  }
0x4b: {  	s21 =	simm.s32 $0x180  }
0x4c: {  	[spmem:s2] =	stream.indirect.scatter.add.f32 [tilespmem:s11], [sflag:$0x1], $0x1, s21, s10, $0xb8;
	[tilespmem:$0x4580] =	vst v63  }
0x4d: {  	s22 =	simm.s32 $0x200  }
0x4e: {  	[spmem:s2] =	stream.indirect.scatter.add.f32 [tilespmem:s11], [sflag:$0x1], $0x1, s22, s10, $0xb8;
	[tilespmem:$0x4580] =	vst v63  }
0x4f: {  	s23 =	simm.s32 $0x280  }
0x50: {  	[spmem:s2] =	stream.indirect.scatter.add.f32 [tilespmem:s11], [sflag:$0x1], $0x1, s23, s10, $0xb8;
	[tilespmem:$0x4580] =	vst v63  }
0x51: {  	s24 =	simm.s32 $0x300  }
0x52: {  	[spmem:s2] =	stream.indirect.scatter.add.f32 [tilespmem:s11], [sflag:$0x1], $0x1, s24, s10, $0xb8;
	[tilespmem:$0x4580] =	vst v63  }
0x53: {  	s25 =	simm.s32 $0x380  }
0x54: {  	[spmem:s2] =	stream.indirect.scatter.add.f32 [tilespmem:s11], [sflag:$0x1], $0x1, s25, s10, $0xb8;
	[tilespmem:$0x4580] =	vst v63  }
0x55: {  	s26 =	simm.s32 $0x400  }
0x56: {  	[spmem:s2] =	stream.indirect.scatter.add.f32 [tilespmem:s11], [sflag:$0x1], $0x1, s26, s10, $0xb8;
	[tilespmem:$0x4580] =	vst v63  }
0x57: {  	s28 =	simm.s32 $0x480  }
0x58: {  	[spmem:s2] =	stream.indirect.scatter.add.f32 [tilespmem:s11], [sflag:$0x1], $0x1, s28, s10, $0xb8;
	[tilespmem:$0x4580] =	vst v63  }
0x59: {  	s29 =	simm.s32 $0x500  }
0x5a: {  	[spmem:s2] =	stream.indirect.scatter.add.f32 [tilespmem:s11], [sflag:$0x1], $0x1, s29, s10, $0xb8;
	[tilespmem:$0x4580] =	vst v63  }
0x5b: {  	s30 =	simm.s32 $0x580  }
0x5c: {  	[spmem:s2] =	stream.indirect.scatter.add.f32 [tilespmem:s11], [sflag:$0x1], $0x1, s30, s10, $0xb8;
	[tilespmem:$0x4580] =	vst v63  }
0x5d: {  	s31 =	simm.s32 $0x600  }
0x5e: {  	[spmem:s2] =	stream.indirect.scatter.add.f32 [tilespmem:s11], [sflag:$0x1], $0x1, s31, s10, $0xb8;
	[tilespmem:$0x4580] =	vst v63  }
0x5f: {  	s19 =	simm.s32 $0x680  }
0x60: {  	[spmem:s2] =	stream.indirect.scatter.add.f32 [tilespmem:s11], [sflag:$0x1], $0x1, s19, s10, $0xb8;
	[tilespmem:$0x4580] =	vst v63  }
0x61: {  	s20 =	simm.s32 $0x700  }
0x62: {  	[spmem:s2] =	stream.indirect.scatter.add.f32 [tilespmem:s11], [sflag:$0x1], $0x1, s20, s10, $0xb8;
	[tilespmem:$0x4580] =	vst v63  }
0x63: {  	s21 =	simm.s32 $0x780  }
0x64: {  	[spmem:s2] =	stream.indirect.scatter.add.f32 [tilespmem:s11], [sflag:$0x1], $0x1, s21, s10, $0xb8;
	[tilespmem:$0x4580] =	vst v63  }
0x65: {  	s22 =	simm.s32 $0x800  }
0x66: {  	[spmem:s2] =	stream.indirect.scatter.add.f32 [tilespmem:s11], [sflag:$0x1], $0x1, s22, s10, $0xb8;
	[tilespmem:$0x4580] =	vst v63  }
0x67: {  	s23 =	simm.s32 $0x880  }
0x68: {  	[spmem:s2] =	stream.indirect.scatter.add.f32 [tilespmem:s11], [sflag:$0x1], $0x1, s23, s10, $0xb8;
	[tilespmem:$0x4580] =	vst v63  }
0x69: {  	s24 =	simm.s32 $0x900  }
0x6a: {  	[spmem:s2] =	stream.indirect.scatter.add.f32 [tilespmem:s11], [sflag:$0x1], $0x1, s24, s10, $0xb8;
	[tilespmem:$0x4580] =	vst v63  }
0x6b: {  	s25 =	simm.s32 $0x980  }
0x6c: {  	[spmem:s2] =	stream.indirect.scatter.add.f32 [tilespmem:s11], [sflag:$0x1], $0x1, s25, s10, $0xb8;
	[tilespmem:$0x4580] =	vst v63  }
0x6d: {  	s26 =	simm.s32 $0xA00  }
0x6e: {  	[spmem:s2] =	stream.indirect.scatter.add.f32 [tilespmem:s11], [sflag:$0x1], $0x1, s26, s10, $0xb8;
	[tilespmem:$0x4580] =	vst v63  }
0x6f: {  	s28 =	simm.s32 $0xA80  }
0x70: {  	[spmem:s2] =	stream.indirect.scatter.add.f32 [tilespmem:s11], [sflag:$0x1], $0x1, s28, s10, $0xb8;
	[tilespmem:$0x4580] =	vst v63  }
0x71: {  	s29 =	simm.s32 $0xB00  }
0x72: {  	[spmem:s2] =	stream.indirect.scatter.add.f32 [tilespmem:s11], [sflag:$0x1], $0x1, s29, s10, $0xb8;
	[tilespmem:$0x4580] =	vst v63  }
0x73: {  	s30 =	simm.s32 $0xB80  }
0x74: {  	[spmem:s2] =	stream.indirect.scatter.add.f32 [tilespmem:s11], [sflag:$0x1], $0x1, s30, s10, $0xb8;
	[tilespmem:$0x4580] =	vst v63  }
0x75: {  	s31 =	simm.s32 $0xC00  }
0x76: {  	[spmem:s2] =	stream.indirect.scatter.add.f32 [tilespmem:s11], [sflag:$0x1], $0x1, s31, s10, $0xb8;
	[tilespmem:$0x4580] =	vst v63  }
0x77: {  	_ =	swait.ge [sflag:s12], $0x50  }
0x78: {  	[sflag:s12] =	ssyncset.done $0x0  }
0x79: {  	[sflag:s12] =	ssyncadd.s32 $0xFFFFFFB0  }
0x7a: {  	_ =	swait.ge [sflag:s12], $0x50  }
0x7b: {  	[sflag:s12] =	ssyncset.done $0x0  }
0x7c: {  	[sflag:s12] =	ssyncadd.s32 $0xFFFFFFB0  }
0x7d: {  	_ =	swait.ge [sflag:s12], $0x50  }
0x7e: {  	[sflag:s12] =	ssyncset.done $0x0  }
0x7f: {  	[sflag:s12] =	ssyncadd.s32 $0xFFFFFFB0  }
0x80: {  	_ =	swait.ge [sflag:s12], $0x50  }
0x81: {  	[sflag:s12] =	ssyncset.done $0x0  }
0x82: {  	[sflag:s12] =	ssyncadd.s32 $0xFFFFFFB0  }
0x83: {  	_ =	swait.ge [sflag:s12], $0x50  }
0x84: {  	[sflag:s12] =	ssyncset.done $0x0  }
0x85: {  	[sflag:s12] =	ssyncadd.s32 $0xFFFFFFB0  }
0x86: {  	_ =	swait.ge [sflag:s12], $0x50  }
0x87: {  	[sflag:s12] =	ssyncset.done $0x0  }
0x88: {  	[sflag:s12] =	ssyncadd.s32 $0xFFFFFFB0  }
0x89: {  	_ =	swait.ge [sflag:s12], $0x50  }
0x8a: {  	[sflag:s12] =	ssyncset.done $0x0  }
0x8b: {  	[sflag:s12] =	ssyncadd.s32 $0xFFFFFFB0  }
0x8c: {  	_ =	swait.ge [sflag:s12], $0x50  }
0x8d: {  	[sflag:s12] =	ssyncset.done $0x0  }
0x8e: {  	[sflag:s12] =	ssyncadd.s32 $0xFFFFFFB0  }
0x8f: {  	_ =	swait.ge [sflag:s12], $0x50  }
0x90: {  	[sflag:s12] =	ssyncset.done $0x0  }
0x91: {  	[sflag:s12] =	ssyncadd.s32 $0xFFFFFFB0  }
0x92: {  	_ =	swait.ge [sflag:s12], $0x50  }
0x93: {  	[sflag:s12] =	ssyncset.done $0x0  }
0x94: {  	[sflag:s12] =	ssyncadd.s32 $0xFFFFFFB0  }
0x95: {  	_ =	swait.ge [sflag:s12], $0x50  }
0x96: {  	[sflag:s12] =	ssyncset.done $0x0  }
0x97: {  	[sflag:s12] =	ssyncadd.s32 $0xFFFFFFB0  }
0x98: {  	_ =	swait.ge [sflag:s12], $0x50  }
0x99: {  	[sflag:s12] =	ssyncset.done $0x0  }
0x9a: {  	[sflag:s12] =	ssyncadd.s32 $0xFFFFFFB0  }
0x9b: {  	_ =	swait.ge [sflag:s12], $0x50  }
0x9c: {  	[sflag:s12] =	ssyncset.done $0x0  }
0x9d: {  	[sflag:s12] =	ssyncadd.s32 $0xFFFFFFB0  }
0x9e: {  	_ =	swait.ge [sflag:s12], $0x50  }
0x9f: {  	[sflag:s12] =	ssyncset.done $0x0  }
0xa0: {  	[sflag:s12] =	ssyncadd.s32 $0xFFFFFFB0  }
0xa1: {  	_ =	swait.ge [sflag:s12], $0x50  }
0xa2: {  	[sflag:s12] =	ssyncset.done $0x0  }
0xa3: {  	[sflag:s12] =	ssyncadd.s32 $0xFFFFFFB0  }
0xa4: {  	_ =	swait.ge [sflag:s12], $0x50  }
0xa5: {  	[sflag:s12] =	ssyncset.done $0x0  }
0xa6: {  	[sflag:s12] =	ssyncadd.s32 $0xFFFFFFB0  }
0xa7: {  	_ =	swait.ge [sflag:s12], $0x50  }
0xa8: {  	[sflag:s12] =	ssyncset.done $0x0  }
0xa9: {  	[sflag:s12] =	ssyncadd.s32 $0xFFFFFFB0  }
0xaa: {  	_ =	swait.ge [sflag:s12], $0x50  }
0xab: {  	[sflag:s12] =	ssyncset.done $0x0  }
0xac: {  	[sflag:s12] =	ssyncadd.s32 $0xFFFFFFB0  }
0xad: {  	_ =	swait.ge [sflag:s12], $0x50  }
0xae: {  	[sflag:s12] =	ssyncset.done $0x0  }
0xaf: {  	[sflag:s12] =	ssyncadd.s32 $0xFFFFFFB0  }
0xb0: {  	_ =	swait.ge [sflag:s12], $0x50  }
0xb1: {  	[sflag:s12] =	ssyncset.done $0x0  }
0xb2: {  	[sflag:s12] =	ssyncadd.s32 $0xFFFFFFB0  }
0xb3: {  	_ =	swait.ge [sflag:s12], $0x50  }
0xb4: {  	[sflag:s12] =	ssyncset.done $0x0  }
0xb5: {  	[sflag:s12] =	ssyncadd.s32 $0xFFFFFFB0  }
0xb6: {  	_ =	swait.ge [sflag:s12], $0x50  }
0xb7: {  	[sflag:s12] =	ssyncset.done $0x0  }
0xb8: {  	[sflag:s12] =	ssyncadd.s32 $0xFFFFFFB0  }
0xb9: {  	_ =	swait.ge [sflag:s12], $0x50  }
0xba: {  	[sflag:s12] =	ssyncset.done $0x0  }
0xbb: {  	[sflag:s12] =	ssyncadd.s32 $0xFFFFFFB0  }
0xbc: {  	_ =	swait.ge [sflag:s12], $0x50  }
0xbd: {  	[sflag:s12] =	ssyncset.done $0x0  }
0xbe: {  	[sflag:s12] =	ssyncadd.s32 $0xFFFFFFB0  }
0xbf: {  	_ =	swait.ge [sflag:s12], $0x50  }
0xc0: {  	s18 =	simm.s32 $0x3200;
	s21 =	simm.s32 $0x6400;
	[sflag:s12] =	ssyncset.done $0x0  }
.LBB2_2:
0xc1: {  	s20 =	sshra.s32 s18, $0x2  }
0xc2: {  	[sflag:s12] =	ssyncadd.s32 $0xFFFFFFB0;
	s18 =	smov.u32 s21;
	s19 =	sadd.s32 $0x3200, s21  }
0xc3: {  	[spmem:s2] =	stream.indirect.scatter.add.f32 [tilespmem:s11], [sflag:$0x1], $0x1, s20, s10, $0xb8;
	[tilespmem:$0x4580] =	vst v63  }
0xc4: {  	p0 =	sne.s32 s21, $0xC800;
	s21 =	sadd.s32 $0x80, s20  }
0xc5: {  	[spmem:s2] =	stream.indirect.scatter.add.f32 [tilespmem:s11], [sflag:$0x1], $0x1, s21, s10, $0xb8;
	[tilespmem:$0x4580] =	vst v63  }
0xc6: {  	s21 =	sadd.s32 $0x100, s20  }
0xc7: {  	[spmem:s2] =	stream.indirect.scatter.add.f32 [tilespmem:s11], [sflag:$0x1], $0x1, s21, s10, $0xb8;
	[tilespmem:$0x4580] =	vst v63  }
0xc8: {  	s21 =	sadd.s32 $0x180, s20  }
0xc9: {  	[spmem:s2] =	stream.indirect.scatter.add.f32 [tilespmem:s11], [sflag:$0x1], $0x1, s21, s10, $0xb8;
	[tilespmem:$0x4580] =	vst v63  }
0xca: {  	s21 =	sadd.s32 $0x200, s20  }
0xcb: {  	[spmem:s2] =	stream.indirect.scatter.add.f32 [tilespmem:s11], [sflag:$0x1], $0x1, s21, s10, $0xb8;
	[tilespmem:$0x4580] =	vst v63  }
0xcc: {  	s21 =	sadd.s32 $0x280, s20  }
0xcd: {  	[spmem:s2] =	stream.indirect.scatter.add.f32 [tilespmem:s11], [sflag:$0x1], $0x1, s21, s10, $0xb8;
	[tilespmem:$0x4580] =	vst v63  }
0xce: {  	s21 =	sadd.s32 $0x300, s20  }
0xcf: {  	[spmem:s2] =	stream.indirect.scatter.add.f32 [tilespmem:s11], [sflag:$0x1], $0x1, s21, s10, $0xb8;
	[tilespmem:$0x4580] =	vst v63  }
0xd0: {  	s21 =	sadd.s32 $0x380, s20  }
0xd1: {  	[spmem:s2] =	stream.indirect.scatter.add.f32 [tilespmem:s11], [sflag:$0x1], $0x1, s21, s10, $0xb8;
	[tilespmem:$0x4580] =	vst v63  }
0xd2: {  	s21 =	sadd.s32 $0x400, s20  }
0xd3: {  	[spmem:s2] =	stream.indirect.scatter.add.f32 [tilespmem:s11], [sflag:$0x1], $0x1, s21, s10, $0xb8;
	[tilespmem:$0x4580] =	vst v63  }
0xd4: {  	s21 =	sadd.s32 $0x480, s20  }
0xd5: {  	[spmem:s2] =	stream.indirect.scatter.add.f32 [tilespmem:s11], [sflag:$0x1], $0x1, s21, s10, $0xb8;
	[tilespmem:$0x4580] =	vst v63  }
0xd6: {  	s21 =	sadd.s32 $0x500, s20  }
0xd7: {  	[spmem:s2] =	stream.indirect.scatter.add.f32 [tilespmem:s11], [sflag:$0x1], $0x1, s21, s10, $0xb8;
	[tilespmem:$0x4580] =	vst v63  }
0xd8: {  	s21 =	sadd.s32 $0x580, s20  }
0xd9: {  	[spmem:s2] =	stream.indirect.scatter.add.f32 [tilespmem:s11], [sflag:$0x1], $0x1, s21, s10, $0xb8;
	[tilespmem:$0x4580] =	vst v63  }
0xda: {  	s21 =	sadd.s32 $0x600, s20  }
0xdb: {  	[spmem:s2] =	stream.indirect.scatter.add.f32 [tilespmem:s11], [sflag:$0x1], $0x1, s21, s10, $0xb8;
	[tilespmem:$0x4580] =	vst v63  }
0xdc: {  	s21 =	sadd.s32 $0x680, s20  }
0xdd: {  	[spmem:s2] =	stream.indirect.scatter.add.f32 [tilespmem:s11], [sflag:$0x1], $0x1, s21, s10, $0xb8;
	[tilespmem:$0x4580] =	vst v63  }
0xde: {  	s21 =	sadd.s32 $0x700, s20  }
0xdf: {  	[spmem:s2] =	stream.indirect.scatter.add.f32 [tilespmem:s11], [sflag:$0x1], $0x1, s21, s10, $0xb8;
	[tilespmem:$0x4580] =	vst v63  }
0xe0: {  	s21 =	sadd.s32 $0x780, s20  }
0xe1: {  	[spmem:s2] =	stream.indirect.scatter.add.f32 [tilespmem:s11], [sflag:$0x1], $0x1, s21, s10, $0xb8;
	[tilespmem:$0x4580] =	vst v63  }
0xe2: {  	s21 =	sadd.s32 $0x800, s20  }
0xe3: {  	[spmem:s2] =	stream.indirect.scatter.add.f32 [tilespmem:s11], [sflag:$0x1], $0x1, s21, s10, $0xb8;
	[tilespmem:$0x4580] =	vst v63  }
0xe4: {  	s21 =	sadd.s32 $0x880, s20  }
0xe5: {  	[spmem:s2] =	stream.indirect.scatter.add.f32 [tilespmem:s11], [sflag:$0x1], $0x1, s21, s10, $0xb8;
	[tilespmem:$0x4580] =	vst v63  }
0xe6: {  	s21 =	sadd.s32 $0x900, s20  }
0xe7: {  	[spmem:s2] =	stream.indirect.scatter.add.f32 [tilespmem:s11], [sflag:$0x1], $0x1, s21, s10, $0xb8;
	[tilespmem:$0x4580] =	vst v63  }
0xe8: {  	s21 =	sadd.s32 $0x980, s20  }
0xe9: {  	[spmem:s2] =	stream.indirect.scatter.add.f32 [tilespmem:s11], [sflag:$0x1], $0x1, s21, s10, $0xb8;
	[tilespmem:$0x4580] =	vst v63  }
0xea: {  	s21 =	sadd.s32 $0xA00, s20  }
0xeb: {  	[spmem:s2] =	stream.indirect.scatter.add.f32 [tilespmem:s11], [sflag:$0x1], $0x1, s21, s10, $0xb8;
	[tilespmem:$0x4580] =	vst v63  }
0xec: {  	s21 =	sadd.s32 $0xA80, s20  }
0xed: {  	[spmem:s2] =	stream.indirect.scatter.add.f32 [tilespmem:s11], [sflag:$0x1], $0x1, s21, s10, $0xb8;
	[tilespmem:$0x4580] =	vst v63  }
0xee: {  	s21 =	sadd.s32 $0xB00, s20  }
0xef: {  	[spmem:s2] =	stream.indirect.scatter.add.f32 [tilespmem:s11], [sflag:$0x1], $0x1, s21, s10, $0xb8;
	[tilespmem:$0x4580] =	vst v63  }
0xf0: {  	s21 =	sadd.s32 $0xB80, s20  }
0xf1: {  	[spmem:s2] =	stream.indirect.scatter.add.f32 [tilespmem:s11], [sflag:$0x1], $0x1, s21, s10, $0xb8;
	[tilespmem:$0x4580] =	vst v63  }
0xf2: {  	s20 =	sadd.s32 $0xC00, s20  }
0xf3: {  	[spmem:s2] =	stream.indirect.scatter.add.f32 [tilespmem:s11], [sflag:$0x1], $0x1, s20, s10, $0xb8;
	[tilespmem:$0x4580] =	vst v63  }
0xf4: {  	_ =	swait.ge [sflag:s12], $0x50  }
0xf5: {  	[sflag:s12] =	ssyncset.done $0x0  }
0xf6: {  	[sflag:s12] =	ssyncadd.s32 $0xFFFFFFB0  }
0xf7: {  	_ =	swait.ge [sflag:s12], $0x50  }
0xf8: {  	[sflag:s12] =	ssyncset.done $0x0  }
0xf9: {  	[sflag:s12] =	ssyncadd.s32 $0xFFFFFFB0  }
0xfa: {  	_ =	swait.ge [sflag:s12], $0x50  }
0xfb: {  	[sflag:s12] =	ssyncset.done $0x0  }
0xfc: {  	[sflag:s12] =	ssyncadd.s32 $0xFFFFFFB0  }
0xfd: {  	_ =	swait.ge [sflag:s12], $0x50  }
0xfe: {  	[sflag:s12] =	ssyncset.done $0x0  }
0xff: {  	[sflag:s12] =	ssyncadd.s32 $0xFFFFFFB0  }
0x100: {  	_ =	swait.ge [sflag:s12], $0x50  }
0x101: {  	[sflag:s12] =	ssyncset.done $0x0  }
0x102: {  	[sflag:s12] =	ssyncadd.s32 $0xFFFFFFB0  }
0x103: {  	_ =	swait.ge [sflag:s12], $0x50  }
0x104: {  	[sflag:s12] =	ssyncset.done $0x0  }
0x105: {  	[sflag:s12] =	ssyncadd.s32 $0xFFFFFFB0  }
0x106: {  	_ =	swait.ge [sflag:s12], $0x50  }
0x107: {  	[sflag:s12] =	ssyncset.done $0x0  }
0x108: {  	[sflag:s12] =	ssyncadd.s32 $0xFFFFFFB0  }
0x109: {  	_ =	swait.ge [sflag:s12], $0x50  }
0x10a: {  	[sflag:s12] =	ssyncset.done $0x0  }
0x10b: {  	[sflag:s12] =	ssyncadd.s32 $0xFFFFFFB0  }
0x10c: {  	_ =	swait.ge [sflag:s12], $0x50  }
0x10d: {  	[sflag:s12] =	ssyncset.done $0x0  }
0x10e: {  	[sflag:s12] =	ssyncadd.s32 $0xFFFFFFB0  }
0x10f: {  	_ =	swait.ge [sflag:s12], $0x50  }
0x110: {  	[sflag:s12] =	ssyncset.done $0x0  }
0x111: {  	[sflag:s12] =	ssyncadd.s32 $0xFFFFFFB0  }
0x112: {  	_ =	swait.ge [sflag:s12], $0x50  }
0x113: {  	[sflag:s12] =	ssyncset.done $0x0  }
0x114: {  	[sflag:s12] =	ssyncadd.s32 $0xFFFFFFB0  }
0x115: {  	_ =	swait.ge [sflag:s12], $0x50  }
0x116: {  	[sflag:s12] =	ssyncset.done $0x0  }
0x117: {  	[sflag:s12] =	ssyncadd.s32 $0xFFFFFFB0  }
0x118: {  	_ =	swait.ge [sflag:s12], $0x50  }
0x119: {  	[sflag:s12] =	ssyncset.done $0x0  }
0x11a: {  	[sflag:s12] =	ssyncadd.s32 $0xFFFFFFB0  }
0x11b: {  	_ =	swait.ge [sflag:s12], $0x50  }
0x11c: {  	[sflag:s12] =	ssyncset.done $0x0  }
0x11d: {  	[sflag:s12] =	ssyncadd.s32 $0xFFFFFFB0  }
0x11e: {  	_ =	swait.ge [sflag:s12], $0x50  }
0x11f: {  	[sflag:s12] =	ssyncset.done $0x0  }
0x120: {  	[sflag:s12] =	ssyncadd.s32 $0xFFFFFFB0  }
0x121: {  	_ =	swait.ge [sflag:s12], $0x50  }
0x122: {  	[sflag:s12] =	ssyncset.done $0x0  }
0x123: {  	[sflag:s12] =	ssyncadd.s32 $0xFFFFFFB0  }
0x124: {  	_ =	swait.ge [sflag:s12], $0x50  }
0x125: {  	[sflag:s12] =	ssyncset.done $0x0  }
0x126: {  	[sflag:s12] =	ssyncadd.s32 $0xFFFFFFB0  }
0x127: {  	_ =	swait.ge [sflag:s12], $0x50  }
0x128: {  	[sflag:s12] =	ssyncset.done $0x0  }
0x129: {  	[sflag:s12] =	ssyncadd.s32 $0xFFFFFFB0  }
0x12a: {  	_ =	swait.ge [sflag:s12], $0x50  }
0x12b: {  	[sflag:s12] =	ssyncset.done $0x0  }
0x12c: {  	[sflag:s12] =	ssyncadd.s32 $0xFFFFFFB0  }
0x12d: {  	_ =	swait.ge [sflag:s12], $0x50  }
0x12e: {  	[sflag:s12] =	ssyncset.done $0x0  }
0x12f: {  	[sflag:s12] =	ssyncadd.s32 $0xFFFFFFB0  }
0x130: {  	_ =	swait.ge [sflag:s12], $0x50  }
0x131: {  	[sflag:s12] =	ssyncset.done $0x0  }
0x132: {  	[sflag:s12] =	ssyncadd.s32 $0xFFFFFFB0  }
0x133: {  	_ =	swait.ge [sflag:s12], $0x50  }
0x134: {  	[sflag:s12] =	ssyncset.done $0x0  }
0x135: {  	[sflag:s12] =	ssyncadd.s32 $0xFFFFFFB0  }
0x136: {  	_ =	swait.ge [sflag:s12], $0x50  }
0x137: {  	[sflag:s12] =	ssyncset.done $0x0  }
0x138: {  	[sflag:s12] =	ssyncadd.s32 $0xFFFFFFB0  }
.Ltmp0:
0x139: {  	_ =	swait.ge [sflag:s12], $0x50;
	(pc) =	sbr.rel @p0 .LBB2_2-.Ltmp0, $4  }
0x13a: {  	[sflag:s12] =	ssyncset.done $0x0  }
0x13b: {  	[sflag:s12] =	ssyncadd.s32 $0xFFFFFFB0  }
0x13c: {  	_ =	swait.ge [sflag:s12], $0x50  }
0x13d: {  	s21 =	smov.u32 s19;
	[sflag:s12] =	ssyncset.done $0x0  }
0x13e: {  	s18 =	sshra.s32 s18, $0x2;
	[sflag:s12] =	ssyncadd.s32 $0xFFFFFFB0  }
0x13f: {  	[spmem:s2] =	stream.indirect.scatter.add.f32 [tilespmem:s11], [sflag:$0x1], $0x1, s18, s10, $0xb8;
	[tilespmem:$0x4580] =	vst v63  }
0x140: {  	s19 =	sadd.s32 $0x80, s18  }
0x141: {  	[spmem:s2] =	stream.indirect.scatter.add.f32 [tilespmem:s11], [sflag:$0x1], $0x1, s19, s10, $0xb8;
	[tilespmem:$0x4580] =	vst v63  }
0x142: {  	s20 =	sadd.s32 $0x100, s18  }
0x143: {  	[spmem:s2] =	stream.indirect.scatter.add.f32 [tilespmem:s11], [sflag:$0x1], $0x1, s20, s10, $0xb8;
	[tilespmem:$0x4580] =	vst v63  }
0x144: {  	s21 =	sadd.s32 $0x180, s18  }
0x145: {  	[spmem:s2] =	stream.indirect.scatter.add.f32 [tilespmem:s11], [sflag:$0x1], $0x1, s21, s10, $0xb8;
	[tilespmem:$0x4580] =	vst v63  }
0x146: {  	s22 =	sadd.s32 $0x200, s18  }
0x147: {  	[spmem:s2] =	stream.indirect.scatter.add.f32 [tilespmem:s11], [sflag:$0x1], $0x1, s22, s10, $0xb8;
	[tilespmem:$0x4580] =	vst v63  }
0x148: {  	s23 =	sadd.s32 $0x280, s18  }
0x149: {  	[spmem:s2] =	stream.indirect.scatter.add.f32 [tilespmem:s11], [sflag:$0x1], $0x1, s23, s10, $0xb8;
	[tilespmem:$0x4580] =	vst v63  }
0x14a: {  	s24 =	sadd.s32 $0x300, s18  }
0x14b: {  	[spmem:s2] =	stream.indirect.scatter.add.f32 [tilespmem:s11], [sflag:$0x1], $0x1, s24, s10, $0xb8;
	[tilespmem:$0x4580] =	vst v63  }
0x14c: {  	s25 =	sadd.s32 $0x380, s18  }
0x14d: {  	[spmem:s2] =	stream.indirect.scatter.add.f32 [tilespmem:s11], [sflag:$0x1], $0x1, s25, s10, $0xb8;
	[tilespmem:$0x4580] =	vst v63  }
0x14e: {  	s26 =	sadd.s32 $0x400, s18  }
0x14f: {  	[spmem:s2] =	stream.indirect.scatter.add.f32 [tilespmem:s11], [sflag:$0x1], $0x1, s26, s10, $0xb8;
	[tilespmem:$0x4580] =	vst v63  }
0x150: {  	s28 =	sadd.s32 $0x480, s18  }
0x151: {  	[spmem:s2] =	stream.indirect.scatter.add.f32 [tilespmem:s11], [sflag:$0x1], $0x1, s28, s10, $0xb8;
	[tilespmem:$0x4580] =	vst v63  }
0x152: {  	s29 =	sadd.s32 $0x500, s18  }
0x153: {  	[spmem:s2] =	stream.indirect.scatter.add.f32 [tilespmem:s11], [sflag:$0x1], $0x1, s29, s10, $0xb8;
	[tilespmem:$0x4580] =	vst v63  }
0x154: {  	s30 =	sadd.s32 $0x580, s18  }
0x155: {  	[spmem:s2] =	stream.indirect.scatter.add.f32 [tilespmem:s11], [sflag:$0x1], $0x1, s30, s10, $0xb8;
	[tilespmem:$0x4580] =	vst v63  }
0x156: {  	s31 =	sadd.s32 $0x600, s18  }
0x157: {  	[spmem:s2] =	stream.indirect.scatter.add.f32 [tilespmem:s11], [sflag:$0x1], $0x1, s31, s10, $0xb8;
	[tilespmem:$0x4580] =	vst v63  }
0x158: {  	s20 =	sadd.s32 $0x680, s18  }
0x159: {  	[spmem:s2] =	stream.indirect.scatter.add.f32 [tilespmem:s11], [sflag:$0x1], $0x1, s20, s10, $0xb8;
	[tilespmem:$0x4580] =	vst v63  }
0x15a: {  	s21 =	sadd.s32 $0x700, s18  }
0x15b: {  	[spmem:s2] =	stream.indirect.scatter.add.f32 [tilespmem:s11], [sflag:$0x1], $0x1, s21, s10, $0xb8;
	[tilespmem:$0x4580] =	vst v63  }
0x15c: {  	s22 =	sadd.s32 $0x780, s18  }
0x15d: {  	[spmem:s2] =	stream.indirect.scatter.add.f32 [tilespmem:s11], [sflag:$0x1], $0x1, s22, s10, $0xb8;
	[tilespmem:$0x4580] =	vst v63  }
0x15e: {  	s23 =	sadd.s32 $0x800, s18  }
0x15f: {  	[spmem:s2] =	stream.indirect.scatter.add.f32 [tilespmem:s11], [sflag:$0x1], $0x1, s23, s10, $0xb8;
	[tilespmem:$0x4580] =	vst v63  }
0x160: {  	s24 =	sadd.s32 $0x880, s18  }
0x161: {  	[spmem:s2] =	stream.indirect.scatter.add.f32 [tilespmem:s11], [sflag:$0x1], $0x1, s24, s10, $0xb8;
	[tilespmem:$0x4580] =	vst v63  }
0x162: {  	s25 =	sadd.s32 $0x900, s18  }
0x163: {  	[spmem:s2] =	stream.indirect.scatter.add.f32 [tilespmem:s11], [sflag:$0x1], $0x1, s25, s10, $0xb8;
	[tilespmem:$0x4580] =	vst v63  }
0x164: {  	s26 =	sadd.s32 $0x980, s18  }
0x165: {  	[spmem:s2] =	stream.indirect.scatter.add.f32 [tilespmem:s11], [sflag:$0x1], $0x1, s26, s10, $0xb8;
	[tilespmem:$0x4580] =	vst v63  }
0x166: {  	s28 =	sadd.s32 $0xA00, s18  }
0x167: {  	[spmem:s2] =	stream.indirect.scatter.add.f32 [tilespmem:s11], [sflag:$0x1], $0x1, s28, s10, $0xb8;
	[tilespmem:$0x4580] =	vst v63  }
0x168: {  	s29 =	sadd.s32 $0xA80, s18  }
0x169: {  	[spmem:s2] =	stream.indirect.scatter.add.f32 [tilespmem:s11], [sflag:$0x1], $0x1, s29, s10, $0xb8;
	[tilespmem:$0x4580] =	vst v63  }
0x16a: {  	s30 =	sadd.s32 $0xB00, s18  }
0x16b: {  	[spmem:s2] =	stream.indirect.scatter.add.f32 [tilespmem:s11], [sflag:$0x1], $0x1, s30, s10, $0xb8;
	[tilespmem:$0x4580] =	vst v63  }
0x16c: {  	s31 =	sadd.s32 $0xB80, s18  }
0x16d: {  	[spmem:s2] =	stream.indirect.scatter.add.f32 [tilespmem:s11], [sflag:$0x1], $0x1, s31, s10, $0xb8;
	[tilespmem:$0x4580] =	vst v63  }
0x16e: {  	s18 =	sadd.s32 $0xC00, s18  }
0x16f: {  	[spmem:s2] =	stream.indirect.scatter.add.f32 [tilespmem:s11], [sflag:$0x1], $0x1, s18, s10, $0xb8;
	[tilespmem:$0x4580] =	vst v63  }
0x170: {  	_ =	swait.ge [sflag:s12], $0x50  }
0x171: {  	[sflag:s12] =	ssyncset.done $0x0  }
0x172: {  	[sflag:s12] =	ssyncadd.s32 $0xFFFFFFB0  }
0x173: {  	_ =	swait.ge [sflag:s12], $0x50  }
0x174: {  	[sflag:s12] =	ssyncset.done $0x0  }
0x175: {  	[sflag:s12] =	ssyncadd.s32 $0xFFFFFFB0  }
0x176: {  	_ =	swait.ge [sflag:s12], $0x50  }
0x177: {  	[sflag:s12] =	ssyncset.done $0x0  }
0x178: {  	[sflag:s12] =	ssyncadd.s32 $0xFFFFFFB0  }
0x179: {  	_ =	swait.ge [sflag:s12], $0x50  }
0x17a: {  	[sflag:s12] =	ssyncset.done $0x0  }
0x17b: {  	[sflag:s12] =	ssyncadd.s32 $0xFFFFFFB0  }
0x17c: {  	_ =	swait.ge [sflag:s12], $0x50  }
0x17d: {  	[sflag:s12] =	ssyncset.done $0x0  }
0x17e: {  	[sflag:s12] =	ssyncadd.s32 $0xFFFFFFB0  }
0x17f: {  	_ =	swait.ge [sflag:s12], $0x50  }
0x180: {  	[sflag:s12] =	ssyncset.done $0x0  }
0x181: {  	[sflag:s12] =	ssyncadd.s32 $0xFFFFFFB0  }
0x182: {  	_ =	swait.ge [sflag:s12], $0x50  }
0x183: {  	[sflag:s12] =	ssyncset.done $0x0  }
0x184: {  	[sflag:s12] =	ssyncadd.s32 $0xFFFFFFB0  }
0x185: {  	_ =	swait.ge [sflag:s12], $0x50  }
0x186: {  	[sflag:s12] =	ssyncset.done $0x0  }
0x187: {  	[sflag:s12] =	ssyncadd.s32 $0xFFFFFFB0  }
0x188: {  	_ =	swait.ge [sflag:s12], $0x50  }
0x189: {  	[sflag:s12] =	ssyncset.done $0x0  }
0x18a: {  	[sflag:s12] =	ssyncadd.s32 $0xFFFFFFB0  }
0x18b: {  	_ =	swait.ge [sflag:s12], $0x50  }
0x18c: {  	[sflag:s12] =	ssyncset.done $0x0  }
0x18d: {  	[sflag:s12] =	ssyncadd.s32 $0xFFFFFFB0  }
0x18e: {  	_ =	swait.ge [sflag:s12], $0x50  }
0x18f: {  	[sflag:s12] =	ssyncset.done $0x0  }
0x190: {  	[sflag:s12] =	ssyncadd.s32 $0xFFFFFFB0  }
0x191: {  	_ =	swait.ge [sflag:s12], $0x50  }
0x192: {  	[sflag:s12] =	ssyncset.done $0x0  }
0x193: {  	[sflag:s12] =	ssyncadd.s32 $0xFFFFFFB0  }
0x194: {  	_ =	swait.ge [sflag:s12], $0x50  }
0x195: {  	[sflag:s12] =	ssyncset.done $0x0  }
0x196: {  	[sflag:s12] =	ssyncadd.s32 $0xFFFFFFB0  }
0x197: {  	_ =	swait.ge [sflag:s12], $0x50  }
0x198: {  	[sflag:s12] =	ssyncset.done $0x0  }
0x199: {  	[sflag:s12] =	ssyncadd.s32 $0xFFFFFFB0  }
0x19a: {  	_ =	swait.ge [sflag:s12], $0x50  }
0x19b: {  	[sflag:s12] =	ssyncset.done $0x0  }
0x19c: {  	[sflag:s12] =	ssyncadd.s32 $0xFFFFFFB0  }
0x19d: {  	_ =	swait.ge [sflag:s12], $0x50  }
0x19e: {  	[sflag:s12] =	ssyncset.done $0x0  }
0x19f: {  	[sflag:s12] =	ssyncadd.s32 $0xFFFFFFB0  }
0x1a0: {  	_ =	swait.ge [sflag:s12], $0x50  }
0x1a1: {  	[sflag:s12] =	ssyncset.done $0x0  }
0x1a2: {  	[sflag:s12] =	ssyncadd.s32 $0xFFFFFFB0  }
0x1a3: {  	_ =	swait.ge [sflag:s12], $0x50  }
0x1a4: {  	[sflag:s12] =	ssyncset.done $0x0  }
0x1a5: {  	[sflag:s12] =	ssyncadd.s32 $0xFFFFFFB0  }
0x1a6: {  	_ =	swait.ge [sflag:s12], $0x50  }
0x1a7: {  	[sflag:s12] =	ssyncset.done $0x0  }
0x1a8: {  	[sflag:s12] =	ssyncadd.s32 $0xFFFFFFB0  }
0x1a9: {  	_ =	swait.ge [sflag:s12], $0x50  }
0x1aa: {  	[sflag:s12] =	ssyncset.done $0x0  }
0x1ab: {  	[sflag:s12] =	ssyncadd.s32 $0xFFFFFFB0  }
0x1ac: {  	_ =	swait.ge [sflag:s12], $0x50  }
0x1ad: {  	[sflag:s12] =	ssyncset.done $0x0  }
0x1ae: {  	[sflag:s12] =	ssyncadd.s32 $0xFFFFFFB0  }
0x1af: {  	_ =	swait.ge [sflag:s12], $0x50  }
0x1b0: {  	[sflag:s12] =	ssyncset.done $0x0  }
0x1b1: {  	[sflag:s12] =	ssyncadd.s32 $0xFFFFFFB0  }
0x1b2: {  	_ =	swait.ge [sflag:s12], $0x50  }
0x1b3: {  	[sflag:s12] =	ssyncset.done $0x0  }
0x1b4: {  	[sflag:s12] =	ssyncadd.s32 $0xFFFFFFB0  }
0x1b5: {  	_ =	swait.ge [sflag:s12], $0x50  }
0x1b6: {  	[sflag:s12] =	ssyncset.done $0x0  }
0x1b7: {  	[sflag:s12] =	ssyncadd.s32 $0xFFFFFFB0  }
0x1b8: {  	_ =	swait.ge [sflag:s12], $0x50  }
0x1b9: {  	s17 =	sadd.s32 $0x1, s17;
	[sflag:s12] =	ssyncset.done $0x0  }
0x1ba: {  	p0 =	sne.s32 s17, s7;
	[sflag:s12] =	ssyncadd.s32 $0xFFFFFFB0  }
.Ltmp1:
0x1bb: {  	[bflag:$0x0] =	sbarrier.arrive $0xFFFF;
	(pc) =	sbr.rel @p0 .LBB2_1-.Ltmp1, $4  }
0x1bc: {  	[hbm:s6@s15], [sflag:s13] =	dma.strided [spmem:s14@s16], $0x50, s12, $0x10   }
0x1bd: {  	_ =	swait.ge [sflag:s9], $0x50  }
0x1be: {  	[sflag:s9] =	ssyncset.done $0x0  }
0x1bf: {  	[sflag:s9] =	ssyncadd.s32 $0xFFFFFFB0  }
0x1c0: {  	_ =	sfence.sel $0x180000  }
0x1c1: {  	[bflag:$0x0] =	sbarrier.arrive $0xFFFF  }
0x1c2: {  	p0 =	sne.s32 s1, $0x0;
	_ =	strace $0x90000047  }
0x1c3: {  	s0 =	sadd.s32 @!p0 $0x100000, s0;
	[bflag:$0x2] =	sbarrier.arrive $0xFFFF  }
0x1c4: {  	[sflag:s0] =	ssyncadd.tile.s32 @!p0 $0x1;
	_ =	shalt  }
.Lfunc_end2:
_tile_overlayer_lowered:
.L_overlay_start_2:
0x1c5: {  	(tag) =	ssettag $0x2  }
0x1c6: {  	s0 =	rddreg [dreg:$0x0];
	s2 =	stileid.u32  }
0x1c7: {  	s1 =	rddreg [dreg:$0x1];
	p0 =	sne.s32 s2, $0x0  }
0x1c8: {  	s3 =	rddreg [dreg:$0x2];
	[bflag:$0x3] =	sbarrier.arrive $0xFFFF;
	s2 =	simm.s32 @!p0 $0x1C02  }
0x1c9: {  	[timem:s3], [sflag:s2] =	dma.local @!p0 [hbm:s0], s1  }
0x1ca: {  	s0 =	simm.s32 @!p0 $0x2  }
0x1cb: {  	_ =	swait.ge @!p0 [sflag:s0], s1  }
0x1cc: {  	s1 =	ssub.s32 @!p0 $0x0, s1;
	[sflag:s0] =	ssyncset.done @!p0 $0x0  }
0x1cd: {  	[sflag:s0] =	ssyncadd.s32 @!p0 s1  }
0x1ce: {  	[bflag:$0x3] =	sbarrier.arrive $0xFFFF  }
0x1cf: {  	_ =	shalt  }

</sc_bundles>
